<compile_context>
chip_gen: v7x
topology: tpu7x:2x2x1
jax: 0.10.2.dev20260603
libtpu: 0.0.44.dev20260713+nightly
codegen_flags: <defaults>
</compile_context>

<pallas_src>
import functools

import jax
import jax.numpy as jnp
from jax import lax
from jax.experimental import pallas as pl
from jax.experimental.pallas import tpu as pltpu
from jax.experimental.pallas import tpu_sc as plsc

ROWS = 16384
SEQ = 50
DIM = 64
NC, NS = 2, 16
NW = NC * NS
TCG = ROWS // 128
GPW = TCG // NW
L = 16


def _emb_body(idx_hbm, table_hbm, out_hbm, idx_v, idx_t, rows, chunk, sg, sw):
    wid = lax.axis_index("s") * NC + lax.axis_index("c")
    iota = lax.iota(jnp.int32, L)
    row_idx = [lg * L + iota for lg in range(8)]

    def transpose_idx(_):
        @plsc.parallel_loop(0, SEQ, unroll=5)
        def _(q):
            qvec = jnp.full((L,), 0, jnp.int32) + q
            for lg in range(8):
                v = plsc.load_gather(idx_v, [row_idx[lg], qvec])
                idx_t[q, pl.ds(lg * L, L)] = v

    def gather(q, b):
        pltpu.async_copy(table_hbm.at[idx_t.at[q]], rows[b], sg[b])

    def gather_wait(b):
        pltpu.make_async_copy(table_hbm.at[idx_t.at[0]], rows[b], sg[b]).wait()

    def transpose_block(b):
        @plsc.parallel_loop(0, DIM * 8, unroll=16)
        def _(u):
            d = u // 8
            lg = u - 8 * d
            tr = d // 8
            s = d - 8 * tr
            dvec = jnp.full((L,), 0, jnp.int32) + d
            lvec = jnp.full((L,), 0, jnp.int32) + lg * L + iota
            v = plsc.load_gather(rows[b], [lvec, dvec])
            chunk[b][tr, s, pl.ds(lg * L, L)] = v

    def write(q, tc, b):
        for tr in range(8):
            pltpu.async_copy(chunk[b].at[tr], out_hbm.at[q, tr, tc], sw[b])

    def write_wait(b):
        for tr in range(8):
            pltpu.make_async_copy(chunk[b].at[tr], out_hbm.at[0, tr, 0],
                                  sw[b]).wait()

    def per_group(j, _):
        tc = wid * GPW + j
        pltpu.sync_copy(idx_hbm.at[pl.ds(tc * 128, 128)], idx_v)
        transpose_idx(None)
        gather(0, 0)

        def pair(g, _):
            for b in range(2):
                q = 2 * g + b

                @pl.when(q < SEQ - 1)
                def _():
                    gather(q + 1, 1 - b)

                gather_wait(b)

                @pl.when(q >= 2)
                def _():
                    write_wait(b)

                transpose_block(b)
                write(q, tc, b)
            return _

        lax.fori_loop(0, SEQ // 2, pair, None)
        write_wait(0)
        write_wait(1)
        return _

    lax.fori_loop(0, GPW, per_group, None)


@jax.jit
def _embedding_lookup(idx, weight):
    mesh = plsc.VectorSubcoreMesh(core_axis_name="c", subcore_axis_name="s")
    k = functools.partial(
        pl.kernel,
        out_type=jax.ShapeDtypeStruct((SEQ, 8, TCG, 8, 128), jnp.float32),
        mesh=mesh,
        scratch_types=[
            pltpu.VMEM((128, SEQ), jnp.int32),
            pltpu.VMEM((SEQ, 128), jnp.int32),
            [pltpu.VMEM((128, DIM), jnp.float32) for _ in range(2)],
            [pltpu.VMEM((8, 8, 128), jnp.float32) for _ in range(2)],
            [pltpu.SemaphoreType.DMA for _ in range(2)],
            [pltpu.SemaphoreType.DMA for _ in range(2)],
        ],
        compiler_params=pltpu.CompilerParams(use_tc_tiling_on_sc=False,
                                             needs_layout_passes=False),
    )(_emb_body)
    out5 = k(idx, weight)
    return out5.transpose(2, 4, 0, 1, 3).reshape(ROWS, SEQ, DIM)


def kernel(token_ids, weight):
    return _embedding_lookup(token_ids.astype(jnp.int32), weight)

# --- scband reference (transcript-rebuilt; emitter-appended) ---
"""Pipeline reference for scband-embedding-70720931496729 (READ-ONLY COPY).

The authoritative reference and input builder live on the scoring server;
editing this copy changes nothing except your own understanding.
"""

import jax, jax.numpy as jnp
import numpy as np

NUM_EMBEDDINGS = 1000000
EMBEDDING_DIM = 64

def setup_inputs(seed: int = 0) -> dict:
    key = jax.random.key(seed)
    k_idx, k_w = jax.random.split(key)
    token_ids = jax.random.randint(k_idx, (16384, 50), 0, NUM_EMBEDDINGS, dtype=jnp.int64 if jax.config.jax_enable_x64 else jnp.int32)
    # trunc_normal_(mean=0, std=1, a=-3, b=3)
    weight = jax.random.truncated_normal(k_w, -3.0, 3.0, (NUM_EMBEDDINGS, EMBEDDING_DIM), dtype=jnp.float32)
    return {"token_ids": token_ids, "weight": weight}

def reference(token_ids, weight):
    token_ids = token_ids.astype(jnp.int32)
    return jnp.take(weight, token_ids, axis=0)

if __name__ == "__main__":
    import jax
    _d = setup_inputs()
    print(jax.jit(kernel)(*tuple(_d.values())))

</pallas_src>

<mosaic_0001>
#map = affine_map<(d0, d1) -> (0, 0)>
#map1 = affine_map<(d0, d1) -> (0, 0, 0, 0, 0)>
module attributes {stable_mosaic.version = 14 : i64} {
  func.func @_emb_body(%arg0: i32, %arg1: i32, %arg2: memref<16384x50xi32, #tpu.memory_space<hbm>>, %arg3: memref<1000000x64xf32, #tpu.memory_space<hbm>>, %arg4: memref<50x8x128x8x128xf32, #tpu.memory_space<hbm>>, %arg5: memref<128x50xi32, #tpu.memory_space<vmem>>, %arg6: memref<50x128xi32, #tpu.memory_space<vmem>>, %arg7: memref<128x64xf32, #tpu.memory_space<vmem>>, %arg8: memref<128x64xf32, #tpu.memory_space<vmem>>, %arg9: memref<8x8x128xf32, #tpu.memory_space<vmem>>, %arg10: memref<8x8x128xf32, #tpu.memory_space<vmem>>, %arg11: memref<!tpu.dma_semaphore, #tpu.memory_space<semaphore_mem>>, %arg12: memref<!tpu.dma_semaphore, #tpu.memory_space<semaphore_mem>>, %arg13: memref<!tpu.dma_semaphore, #tpu.memory_space<semaphore_mem>>, %arg14: memref<!tpu.dma_semaphore, #tpu.memory_space<semaphore_mem>>) attributes {dimension_semantics = [#tpu.dimension_semantics<core_parallel>, #tpu.dimension_semantics<subcore_parallel>], iteration_bounds = array<i64: 2, 16>, scalar_prefetch = 0 : i64, scratch_operands = 10 : i64, tpu.core_type = #tpu.core_type<sc_vector_subcore>, window_params = [{transform_indices = #map}, {transform_indices = #map}, {transform_indices = #map1}]} {
    %mul3A = arith.constant 2 : i32
    %mul3A_0 = arith.muli %arg1, %mul3A : i32
    %add3A = arith.addi %mul3A_0, %arg0 : i32
    %iota3A = tpu.iota {dimensions = array<i32: 0>} : vector<16xi32>
    %add3A_1 = arith.constant 0 : i32
    %add3A_2 = vector.broadcast %add3A_1 : i32 to vector<16xi32>
    %add3A_3 = arith.addi %add3A_2, %iota3A : vector<16xi32>
    %add3A_4 = arith.constant 16 : i32
    %add3A_5 = vector.broadcast %add3A_4 : i32 to vector<16xi32>
    %add3A_6 = arith.addi %add3A_5, %iota3A : vector<16xi32>
    %add3A_7 = arith.constant 32 : i32
    %add3A_8 = vector.broadcast %add3A_7 : i32 to vector<16xi32>
    %add3A_9 = arith.addi %add3A_8, %iota3A : vector<16xi32>
    %add3A_10 = arith.constant 48 : i32
    %add3A_11 = vector.broadcast %add3A_10 : i32 to vector<16xi32>
    %add3A_12 = arith.addi %add3A_11, %iota3A : vector<16xi32>
    %add3A_13 = arith.constant 64 : i32
    %add3A_14 = vector.broadcast %add3A_13 : i32 to vector<16xi32>
    %add3A_15 = arith.addi %add3A_14, %iota3A : vector<16xi32>
    %add3A_16 = arith.constant 80 : i32
    %add3A_17 = vector.broadcast %add3A_16 : i32 to vector<16xi32>
    %add3A_18 = arith.addi %add3A_17, %iota3A : vector<16xi32>
    %add3A_19 = arith.constant 96 : i32
    %add3A_20 = vector.broadcast %add3A_19 : i32 to vector<16xi32>
    %add3A_21 = arith.addi %add3A_20, %iota3A : vector<16xi32>
    %add3A_22 = arith.constant 112 : i32
    %add3A_23 = vector.broadcast %add3A_22 : i32 to vector<16xi32>
    %add3A_24 = arith.addi %add3A_23, %iota3A : vector<16xi32>
    %scan3A = arith.constant 0 : i32
    %scan3A_25 = arith.constant 4 : i32
    %scan3A_26 = arith.addi %scan3A, %scan3A_25 : i32
    %scan3A_27 = arith.constant 1 : i32
    scf.for %scan3A_29 = %scan3A to %scan3A_26 step %scan3A_27  : i32 {
      %mul3A_30 = arith.constant 4 : i32
      %mul3A_31 = arith.muli %add3A, %mul3A_30 : i32
      %add3A_32 = arith.addi %mul3A_31, %scan3A_29 : i32
      %mul3A_33 = arith.constant 128 : i32
      %mul3A_34 = arith.muli %add3A_32, %mul3A_33 : i32
      "tpu.region"() ({
        %run_scoped3A = tpu.sem_alloc : memref<!tpu.dma_semaphore, #tpu.memory_space<semaphore_mem>>
        %dma_start3A_367 = arith.constant 0 : i32
        %dma_start3A_368 = tpu.memref_slice %arg2[%mul3A_34, %dma_start3A_367] : memref<16384x50xi32, #tpu.memory_space<hbm>> -> memref<128x50xi32, #tpu.memory_space<hbm>>
        %dma_start3A_369 = arith.constant 0 : i32
        %dma_start3A_370 = tpu.memref_slice %arg2[%mul3A_34, %dma_start3A_369] : memref<16384x50xi32, #tpu.memory_space<hbm>> -> memref<128x50xi32, #tpu.memory_space<hbm>>
        tpu.enqueue_dma source(%dma_start3A_370 : memref<128x50xi32, #tpu.memory_space<hbm>>) target(%arg5 : memref<128x50xi32, #tpu.memory_space<vmem>>) target_semaphore(%run_scoped3A : memref<!tpu.dma_semaphore, #tpu.memory_space<semaphore_mem>>)
        %dma_wait3A_371 = arith.constant 0 : i32
        %dma_wait3A_372 = tpu.memref_slice %arg2[%mul3A_34, %dma_wait3A_371] : memref<16384x50xi32, #tpu.memory_space<hbm>> -> memref<128x50xi32, #tpu.memory_space<hbm>>
        %dma_wait3A_373 = arith.constant 0 : i32
        %dma_wait3A_374 = tpu.memref_slice %arg2[%mul3A_34, %dma_wait3A_373] : memref<16384x50xi32, #tpu.memory_space<hbm>> -> memref<128x50xi32, #tpu.memory_space<hbm>>
        tpu.wait_dma2 semaphore(%run_scoped3A : memref<!tpu.dma_semaphore, #tpu.memory_space<semaphore_mem>>) src(%dma_wait3A_374 : memref<128x50xi32, #tpu.memory_space<hbm>>) dst(%arg5 : memref<128x50xi32, #tpu.memory_space<vmem>>)
        tpu.yield
      }) : () -> ()
      %parallel_loop3A = arith.constant 0 : i32
      %parallel_loop3A_35 = arith.constant 50 : i32
      %parallel_loop3A_36 = arith.constant 1 : i32
      scf.for %parallel_loop3A_367 = %parallel_loop3A to %parallel_loop3A_35 step %parallel_loop3A_36  : i32 {
        %parallel_loop3A_368 = arith.constant 0 : i32
        %parallel_loop3A_369 = vector.broadcast %parallel_loop3A_368 : i32 to vector<16xi32>
        %parallel_loop3A_370 = vector.broadcast %parallel_loop3A_367 : i32 to vector<16xi32>
        %parallel_loop3A_371 = arith.addi %parallel_loop3A_369, %parallel_loop3A_370 : vector<16xi32>
        %parallel_loop3A_372 = tpu.vector_load_idx %arg5[%add3A_3, %parallel_loop3A_371] : memref<128x50xi32, #tpu.memory_space<vmem>>[vector<16xi32>, vector<16xi32>], vector<16xi32>,
        %parallel_loop3A_373 = arith.index_cast %parallel_loop3A_367 : i32 to index
        %parallel_loop3A_374 = arith.constant 0 : index
        %parallel_loop3A_375 = tpu.vector_load %arg6[%parallel_loop3A_373, %parallel_loop3A_374] {strides = array<i32>} : memref<50x128xi32, #tpu.memory_space<vmem>>, vector<16xi32>,
        tpu.vector_store %arg6[%parallel_loop3A_373, %parallel_loop3A_374], %parallel_loop3A_372 {strides = array<i32>} : memref<50x128xi32, #tpu.memory_space<vmem>>, vector<16xi32>,
        %parallel_loop3A_376 = tpu.vector_load_idx %arg5[%add3A_6, %parallel_loop3A_371] : memref<128x50xi32, #tpu.memory_space<vmem>>[vector<16xi32>, vector<16xi32>], vector<16xi32>,
        %parallel_loop3A_377 = arith.index_cast %parallel_loop3A_367 : i32 to index
        %parallel_loop3A_378 = arith.constant 16 : index
        %parallel_loop3A_379 = tpu.vector_load %arg6[%parallel_loop3A_377, %parallel_loop3A_378] {strides = array<i32>} : memref<50x128xi32, #tpu.memory_space<vmem>>, vector<16xi32>,
        tpu.vector_store %arg6[%parallel_loop3A_377, %parallel_loop3A_378], %parallel_loop3A_376 {strides = array<i32>} : memref<50x128xi32, #tpu.memory_space<vmem>>, vector<16xi32>,
        %parallel_loop3A_380 = tpu.vector_load_idx %arg5[%add3A_9, %parallel_loop3A_371] : memref<128x50xi32, #tpu.memory_space<vmem>>[vector<16xi32>, vector<16xi32>], vector<16xi32>,
        %parallel_loop3A_381 = arith.index_cast %parallel_loop3A_367 : i32 to index
        %parallel_loop3A_382 = arith.constant 32 : index
        %parallel_loop3A_383 = tpu.vector_load %arg6[%parallel_loop3A_381, %parallel_loop3A_382] {strides = array<i32>} : memref<50x128xi32, #tpu.memory_space<vmem>>, vector<16xi32>,
        tpu.vector_store %arg6[%parallel_loop3A_381, %parallel_loop3A_382], %parallel_loop3A_380 {strides = array<i32>} : memref<50x128xi32, #tpu.memory_space<vmem>>, vector<16xi32>,
        %parallel_loop3A_384 = tpu.vector_load_idx %arg5[%add3A_12, %parallel_loop3A_371] : memref<128x50xi32, #tpu.memory_space<vmem>>[vector<16xi32>, vector<16xi32>], vector<16xi32>,
        %parallel_loop3A_385 = arith.index_cast %parallel_loop3A_367 : i32 to index
        %parallel_loop3A_386 = arith.constant 48 : index
        %parallel_loop3A_387 = tpu.vector_load %arg6[%parallel_loop3A_385, %parallel_loop3A_386] {strides = array<i32>} : memref<50x128xi32, #tpu.memory_space<vmem>>, vector<16xi32>,
        tpu.vector_store %arg6[%parallel_loop3A_385, %parallel_loop3A_386], %parallel_loop3A_384 {strides = array<i32>} : memref<50x128xi32, #tpu.memory_space<vmem>>, vector<16xi32>,
        %parallel_loop3A_388 = tpu.vector_load_idx %arg5[%add3A_15, %parallel_loop3A_371] : memref<128x50xi32, #tpu.memory_space<vmem>>[vector<16xi32>, vector<16xi32>], vector<16xi32>,
        %parallel_loop3A_389 = arith.index_cast %parallel_loop3A_367 : i32 to index
        %parallel_loop3A_390 = arith.constant 64 : index
        %parallel_loop3A_391 = tpu.vector_load %arg6[%parallel_loop3A_389, %parallel_loop3A_390] {strides = array<i32>} : memref<50x128xi32, #tpu.memory_space<vmem>>, vector<16xi32>,
        tpu.vector_store %arg6[%parallel_loop3A_389, %parallel_loop3A_390], %parallel_loop3A_388 {strides = array<i32>} : memref<50x128xi32, #tpu.memory_space<vmem>>, vector<16xi32>,
        %parallel_loop3A_392 = tpu.vector_load_idx %arg5[%add3A_18, %parallel_loop3A_371] : memref<128x50xi32, #tpu.memory_space<vmem>>[vector<16xi32>, vector<16xi32>], vector<16xi32>,
        %parallel_loop3A_393 = arith.index_cast %parallel_loop3A_367 : i32 to index
        %parallel_loop3A_394 = arith.constant 80 : index
        %parallel_loop3A_395 = tpu.vector_load %arg6[%parallel_loop3A_393, %parallel_loop3A_394] {strides = array<i32>} : memref<50x128xi32, #tpu.memory_space<vmem>>, vector<16xi32>,
        tpu.vector_store %arg6[%parallel_loop3A_393, %parallel_loop3A_394], %parallel_loop3A_392 {strides = array<i32>} : memref<50x128xi32, #tpu.memory_space<vmem>>, vector<16xi32>,
        %parallel_loop3A_396 = tpu.vector_load_idx %arg5[%add3A_21, %parallel_loop3A_371] : memref<128x50xi32, #tpu.memory_space<vmem>>[vector<16xi32>, vector<16xi32>], vector<16xi32>,
        %parallel_loop3A_397 = arith.index_cast %parallel_loop3A_367 : i32 to index
        %parallel_loop3A_398 = arith.constant 96 : index
        %parallel_loop3A_399 = tpu.vector_load %arg6[%parallel_loop3A_397, %parallel_loop3A_398] {strides = array<i32>} : memref<50x128xi32, #tpu.memory_space<vmem>>, vector<16xi32>,
        tpu.vector_store %arg6[%parallel_loop3A_397, %parallel_loop3A_398], %parallel_loop3A_396 {strides = array<i32>} : memref<50x128xi32, #tpu.memory_space<vmem>>, vector<16xi32>,
        %parallel_loop3A_400 = tpu.vector_load_idx %arg5[%add3A_24, %parallel_loop3A_371] : memref<128x50xi32, #tpu.memory_space<vmem>>[vector<16xi32>, vector<16xi32>], vector<16xi32>,
        %parallel_loop3A_401 = arith.index_cast %parallel_loop3A_367 : i32 to index
        %parallel_loop3A_402 = arith.constant 112 : index
        %parallel_loop3A_403 = tpu.vector_load %arg6[%parallel_loop3A_401, %parallel_loop3A_402] {strides = array<i32>} : memref<50x128xi32, #tpu.memory_space<vmem>>, vector<16xi32>,
        tpu.vector_store %arg6[%parallel_loop3A_401, %parallel_loop3A_402], %parallel_loop3A_400 {strides = array<i32>} : memref<50x128xi32, #tpu.memory_space<vmem>>, vector<16xi32>,
      } {sc.loop_unroll_factor = 5 : i64, sc.parallel_access}
      %dma_start3A = arith.constant 0 : i32
      %dma_start3A_37 = arith.constant 0 : i32
      %dma_start3A_38 = tpu.memref_slice %arg6[%dma_start3A, %dma_start3A_37] : memref<50x128xi32, #tpu.memory_space<vmem>> -> memref<1x128xi32, #tpu.memory_space<vmem>>
      %dma_start3A_39 = tpu.memref_squeeze %dma_start3A_38 : memref<1x128xi32, #tpu.memory_space<vmem>> -> memref<128xi32, #tpu.memory_space<vmem>>
      %dma_start3A_40 = arith.constant 0 : i32
      %dma_start3A_41 = arith.constant 0 : i32
      %dma_start3A_42 = tpu.memref_slice %arg3[%dma_start3A_40, %dma_start3A_41] : memref<1000000x64xf32, #tpu.memory_space<hbm>> -> memref<1000000x64xf32, #tpu.memory_space<hbm>>
      tpu.enqueue_indirect_dma source(%dma_start3A_42 : memref<1000000x64xf32, #tpu.memory_space<hbm>>) target(%arg7 : memref<128x64xf32, #tpu.memory_space<vmem>>) offsets(%dma_start3A_39 : memref<128xi32, #tpu.memory_space<vmem>>) semaphore(%arg11 : memref<!tpu.dma_semaphore, #tpu.memory_space<semaphore_mem>>)
      %scan3A_43 = arith.constant 0 : i32
      %scan3A_44 = arith.constant 25 : i32
      %scan3A_45 = arith.addi %scan3A_43, %scan3A_44 : i32
      %scan3A_46 = arith.constant 1 : i32
      scf.for %scan3A_367 = %scan3A_43 to %scan3A_45 step %scan3A_46  : i32 {
        %mul3A_368 = arith.constant 2 : i32
        %mul3A_369 = arith.muli %mul3A_368, %scan3A_367 : i32
        %add3A_370 = arith.constant 0 : i32
        %add3A_371 = arith.addi %mul3A_369, %add3A_370 : i32
        %lt3A = arith.constant 49 : i32
        %lt3A_372 = arith.cmpi slt, %add3A_371, %lt3A : i32
        %convert_element_type3A = arith.extui %lt3A_372 : i1 to i32
        %cond3A = arith.constant 0 : i32
        %cond3A_373 = arith.cmpi ne, %convert_element_type3A, %cond3A : i32
        scf.if %cond3A_373 {
          %add3A_700 = arith.constant 1 : i32
          %add3A_701 = arith.addi %add3A_371, %add3A_700 : i32
          %dma_start3A_702 = arith.constant 0 : i32
          %dma_start3A_703 = tpu.memref_slice %arg6[%add3A_701, %dma_start3A_702] : memref<50x128xi32, #tpu.memory_space<vmem>> -> memref<1x128xi32, #tpu.memory_space<vmem>>
          %dma_start3A_704 = tpu.memref_squeeze %dma_start3A_703 : memref<1x128xi32, #tpu.memory_space<vmem>> -> memref<128xi32, #tpu.memory_space<vmem>>
          %dma_start3A_705 = arith.constant 0 : i32
          %dma_start3A_706 = arith.constant 0 : i32
          %dma_start3A_707 = tpu.memref_slice %arg3[%dma_start3A_705, %dma_start3A_706] : memref<1000000x64xf32, #tpu.memory_space<hbm>> -> memref<1000000x64xf32, #tpu.memory_space<hbm>>
          tpu.enqueue_indirect_dma source(%dma_start3A_707 : memref<1000000x64xf32, #tpu.memory_space<hbm>>) target(%arg8 : memref<128x64xf32, #tpu.memory_space<vmem>>) offsets(%dma_start3A_704 : memref<128xi32, #tpu.memory_space<vmem>>) semaphore(%arg12 : memref<!tpu.dma_semaphore, #tpu.memory_space<semaphore_mem>>)
        } else {
        }
        %dma_wait3A_374 = arith.constant 0 : i32
        %dma_wait3A_375 = arith.constant 0 : i32
        %dma_wait3A_376 = tpu.memref_slice %arg6[%dma_wait3A_374, %dma_wait3A_375] : memref<50x128xi32, #tpu.memory_space<vmem>> -> memref<1x128xi32, #tpu.memory_space<vmem>>
        %dma_wait3A_377 = tpu.memref_squeeze %dma_wait3A_376 : memref<1x128xi32, #tpu.memory_space<vmem>> -> memref<128xi32, #tpu.memory_space<vmem>>
        %dma_wait3A_378 = arith.constant 0 : i32
        %dma_wait3A_379 = arith.constant 0 : i32
        %dma_wait3A_380 = tpu.memref_slice %arg3[%dma_wait3A_378, %dma_wait3A_379] : memref<1000000x64xf32, #tpu.memory_space<hbm>> -> memref<1000000x64xf32, #tpu.memory_space<hbm>>
        tpu.wait_indirect_dma semaphore(%arg11 : memref<!tpu.dma_semaphore, #tpu.memory_space<semaphore_mem>>) src(%dma_wait3A_380 : memref<1000000x64xf32, #tpu.memory_space<hbm>>) dst(%arg7 : memref<128x64xf32, #tpu.memory_space<vmem>>)
        %ge3A = arith.constant 2 : i32
        %ge3A_381 = arith.cmpi sge, %add3A_371, %ge3A : i32
        %convert_element_type3A_382 = arith.extui %ge3A_381 : i1 to i32
        %cond3A_383 = arith.constant 0 : i32
        %cond3A_384 = arith.cmpi ne, %convert_element_type3A_382, %cond3A_383 : i32
        scf.if %cond3A_384 {
          %dma_wait3A_700 = arith.constant 0 : i32
          %dma_wait3A_701 = arith.constant 0 : i32
          %dma_wait3A_702 = arith.constant 0 : i32
          %dma_wait3A_703 = arith.constant 0 : i32
          %dma_wait3A_704 = arith.constant 0 : i32
          %dma_wait3A_705 = arith.constant 0 : i32
          %dma_wait3A_706 = tpu.memref_slice %arg9[%dma_wait3A_700, %dma_wait3A_704, %dma_wait3A_705] : memref<8x8x128xf32, #tpu.memory_space<vmem>> -> memref<1x8x128xf32, #tpu.memory_space<vmem>>
          %dma_wait3A_707 = tpu.memref_squeeze %dma_wait3A_706 : memref<1x8x128xf32, #tpu.memory_space<vmem>> -> memref<8x128xf32, #tpu.memory_space<vmem>>
          %dma_wait3A_708 = arith.constant 0 : i32
          %dma_wait3A_709 = arith.constant 0 : i32
          %dma_wait3A_710 = tpu.memref_slice %arg4[%dma_wait3A_701, %dma_wait3A_702, %dma_wait3A_703, %dma_wait3A_708, %dma_wait3A_709] : memref<50x8x128x8x128xf32, #tpu.memory_space<hbm>> -> memref<1x1x1x8x128xf32, #tpu.memory_space<hbm>>
          %dma_wait3A_711 = tpu.memref_squeeze %dma_wait3A_710 : memref<1x1x1x8x128xf32, #tpu.memory_space<hbm>> -> memref<8x128xf32, #tpu.memory_space<hbm>>
          %dma_wait3A_712 = arith.constant 0 : i32
          %dma_wait3A_713 = arith.constant 0 : i32
          %dma_wait3A_714 = tpu.memref_slice %arg4[%dma_wait3A_701, %dma_wait3A_702, %dma_wait3A_703, %dma_wait3A_712, %dma_wait3A_713] : memref<50x8x128x8x128xf32, #tpu.memory_space<hbm>> -> memref<1x1x1x8x128xf32, #tpu.memory_space<hbm>>
          %dma_wait3A_715 = tpu.memref_squeeze %dma_wait3A_714 : memref<1x1x1x8x128xf32, #tpu.memory_space<hbm>> -> memref<8x128xf32, #tpu.memory_space<hbm>>
          %dma_wait3A_716 = arith.constant 0 : i32
          %dma_wait3A_717 = arith.constant 0 : i32
          %dma_wait3A_718 = tpu.memref_slice %arg9[%dma_wait3A_700, %dma_wait3A_716, %dma_wait3A_717] : memref<8x8x128xf32, #tpu.memory_space<vmem>> -> memref<1x8x128xf32, #tpu.memory_space<vmem>>
          %dma_wait3A_719 = tpu.memref_squeeze %dma_wait3A_718 : memref<1x8x128xf32, #tpu.memory_space<vmem>> -> memref<8x128xf32, #tpu.memory_space<vmem>>
          tpu.wait_dma2 semaphore(%arg13 : memref<!tpu.dma_semaphore, #tpu.memory_space<semaphore_mem>>) src(%dma_wait3A_719 : memref<8x128xf32, #tpu.memory_space<vmem>>) dst(%dma_wait3A_715 : memref<8x128xf32, #tpu.memory_space<hbm>>)
          %dma_wait3A_720 = arith.constant 1 : i32
          %dma_wait3A_721 = arith.constant 0 : i32
          %dma_wait3A_722 = arith.constant 1 : i32
          %dma_wait3A_723 = arith.constant 0 : i32
          %dma_wait3A_724 = arith.constant 0 : i32
          %dma_wait3A_725 = arith.constant 0 : i32
          %dma_wait3A_726 = tpu.memref_slice %arg9[%dma_wait3A_720, %dma_wait3A_724, %dma_wait3A_725] : memref<8x8x128xf32, #tpu.memory_space<vmem>> -> memref<1x8x128xf32, #tpu.memory_space<vmem>>
          %dma_wait3A_727 = tpu.memref_squeeze %dma_wait3A_726 : memref<1x8x128xf32, #tpu.memory_space<vmem>> -> memref<8x128xf32, #tpu.memory_space<vmem>>
          %dma_wait3A_728 = arith.constant 0 : i32
          %dma_wait3A_729 = arith.constant 0 : i32
          %dma_wait3A_730 = tpu.memref_slice %arg4[%dma_wait3A_721, %dma_wait3A_722, %dma_wait3A_723, %dma_wait3A_728, %dma_wait3A_729] : memref<50x8x128x8x128xf32, #tpu.memory_space<hbm>> -> memref<1x1x1x8x128xf32, #tpu.memory_space<hbm>>
          %dma_wait3A_731 = tpu.memref_squeeze %dma_wait3A_730 : memref<1x1x1x8x128xf32, #tpu.memory_space<hbm>> -> memref<8x128xf32, #tpu.memory_space<hbm>>
          %dma_wait3A_732 = arith.constant 0 : i32
          %dma_wait3A_733 = arith.constant 0 : i32
          %dma_wait3A_734 = tpu.memref_slice %arg4[%dma_wait3A_721, %dma_wait3A_722, %dma_wait3A_723, %dma_wait3A_732, %dma_wait3A_733] : memref<50x8x128x8x128xf32, #tpu.memory_space<hbm>> -> memref<1x1x1x8x128xf32, #tpu.memory_space<hbm>>
          %dma_wait3A_735 = tpu.memref_squeeze %dma_wait3A_734 : memref<1x1x1x8x128xf32, #tpu.memory_space<hbm>> -> memref<8x128xf32, #tpu.memory_space<hbm>>
          %dma_wait3A_736 = arith.constant 0 : i32
          %dma_wait3A_737 = arith.constant 0 : i32
          %dma_wait3A_738 = tpu.memref_slice %arg9[%dma_wait3A_720, %dma_wait3A_736, %dma_wait3A_737] : memref<8x8x128xf32, #tpu.memory_space<vmem>> -> memref<1x8x128xf32, #tpu.memory_space<vmem>>
          %dma_wait3A_739 = tpu.memref_squeeze %dma_wait3A_738 : memref<1x8x128xf32, #tpu.memory_space<vmem>> -> memref<8x128xf32, #tpu.memory_space<vmem>>
          tpu.wait_dma2 semaphore(%arg13 : memref<!tpu.dma_semaphore, #tpu.memory_space<semaphore_mem>>) src(%dma_wait3A_739 : memref<8x128xf32, #tpu.memory_space<vmem>>) dst(%dma_wait3A_735 : memref<8x128xf32, #tpu.memory_space<hbm>>)
          %dma_wait3A_740 = arith.constant 2 : i32
          %dma_wait3A_741 = arith.constant 0 : i32
          %dma_wait3A_742 = arith.constant 2 : i32
          %dma_wait3A_743 = arith.constant 0 : i32
          %dma_wait3A_744 = arith.constant 0 : i32
          %dma_wait3A_745 = arith.constant 0 : i32
          %dma_wait3A_746 = tpu.memref_slice %arg9[%dma_wait3A_740, %dma_wait3A_744, %dma_wait3A_745] : memref<8x8x128xf32, #tpu.memory_space<vmem>> -> memref<1x8x128xf32, #tpu.memory_space<vmem>>
          %dma_wait3A_747 = tpu.memref_squeeze %dma_wait3A_746 : memref<1x8x128xf32, #tpu.memory_space<vmem>> -> memref<8x128xf32, #tpu.memory_space<vmem>>
          %dma_wait3A_748 = arith.constant 0 : i32
          %dma_wait3A_749 = arith.constant 0 : i32
          %dma_wait3A_750 = tpu.memref_slice %arg4[%dma_wait3A_741, %dma_wait3A_742, %dma_wait3A_743, %dma_wait3A_748, %dma_wait3A_749] : memref<50x8x128x8x128xf32, #tpu.memory_space<hbm>> -> memref<1x1x1x8x128xf32, #tpu.memory_space<hbm>>
          %dma_wait3A_751 = tpu.memref_squeeze %dma_wait3A_750 : memref<1x1x1x8x128xf32, #tpu.memory_space<hbm>> -> memref<8x128xf32, #tpu.memory_space<hbm>>
          %dma_wait3A_752 = arith.constant 0 : i32
          %dma_wait3A_753 = arith.constant 0 : i32
          %dma_wait3A_754 = tpu.memref_slice %arg4[%dma_wait3A_741, %dma_wait3A_742, %dma_wait3A_743, %dma_wait3A_752, %dma_wait3A_753] : memref<50x8x128x8x128xf32, #tpu.memory_space<hbm>> -> memref<1x1x1x8x128xf32, #tpu.memory_space<hbm>>
          %dma_wait3A_755 = tpu.memref_squeeze %dma_wait3A_754 : memref<1x1x1x8x128xf32, #tpu.memory_space<hbm>> -> memref<8x128xf32, #tpu.memory_space<hbm>>
          %dma_wait3A_756 = arith.constant 0 : i32
          %dma_wait3A_757 = arith.constant 0 : i32
          %dma_wait3A_758 = tpu.memref_slice %arg9[%dma_wait3A_740, %dma_wait3A_756, %dma_wait3A_757] : memref<8x8x128xf32, #tpu.memory_space<vmem>> -> memref<1x8x128xf32, #tpu.memory_space<vmem>>
          %dma_wait3A_759 = tpu.memref_squeeze %dma_wait3A_758 : memref<1x8x128xf32, #tpu.memory_space<vmem>> -> memref<8x128xf32, #tpu.memory_space<vmem>>
          tpu.wait_dma2 semaphore(%arg13 : memref<!tpu.dma_semaphore, #tpu.memory_space<semaphore_mem>>) src(%dma_wait3A_759 : memref<8x128xf32, #tpu.memory_space<vmem>>) dst(%dma_wait3A_755 : memref<8x128xf32, #tpu.memory_space<hbm>>)
          %dma_wait3A_760 = arith.constant 3 : i32
          %dma_wait3A_761 = arith.constant 0 : i32
          %dma_wait3A_762 = arith.constant 3 : i32
          %dma_wait3A_763 = arith.constant 0 : i32
          %dma_wait3A_764 = arith.constant 0 : i32
          %dma_wait3A_765 = arith.constant 0 : i32
          %dma_wait3A_766 = tpu.memref_slice %arg9[%dma_wait3A_760, %dma_wait3A_764, %dma_wait3A_765] : memref<8x8x128xf32, #tpu.memory_space<vmem>> -> memref<1x8x128xf32, #tpu.memory_space<vmem>>
          %dma_wait3A_767 = tpu.memref_squeeze %dma_wait3A_766 : memref<1x8x128xf32, #tpu.memory_space<vmem>> -> memref<8x128xf32, #tpu.memory_space<vmem>>
          %dma_wait3A_768 = arith.constant 0 : i32
          %dma_wait3A_769 = arith.constant 0 : i32
          %dma_wait3A_770 = tpu.memref_slice %arg4[%dma_wait3A_761, %dma_wait3A_762, %dma_wait3A_763, %dma_wait3A_768, %dma_wait3A_769] : memref<50x8x128x8x128xf32, #tpu.memory_space<hbm>> -> memref<1x1x1x8x128xf32, #tpu.memory_space<hbm>>
          %dma_wait3A_771 = tpu.memref_squeeze %dma_wait3A_770 : memref<1x1x1x8x128xf32, #tpu.memory_space<hbm>> -> memref<8x128xf32, #tpu.memory_space<hbm>>
          %dma_wait3A_772 = arith.constant 0 : i32
          %dma_wait3A_773 = arith.constant 0 : i32
          %dma_wait3A_774 = tpu.memref_slice %arg4[%dma_wait3A_761, %dma_wait3A_762, %dma_wait3A_763, %dma_wait3A_772, %dma_wait3A_773] : memref<50x8x128x8x128xf32, #tpu.memory_space<hbm>> -> memref<1x1x1x8x128xf32, #tpu.memory_space<hbm>>
          %dma_wait3A_775 = tpu.memref_squeeze %dma_wait3A_774 : memref<1x1x1x8x128xf32, #tpu.memory_space<hbm>> -> memref<8x128xf32, #tpu.memory_space<hbm>>
          %dma_wait3A_776 = arith.constant 0 : i32
          %dma_wait3A_777 = arith.constant 0 : i32
          %dma_wait3A_778 = tpu.memref_slice %arg9[%dma_wait3A_760, %dma_wait3A_776, %dma_wait3A_777] : memref<8x8x128xf32, #tpu.memory_space<vmem>> -> memref<1x8x128xf32, #tpu.memory_space<vmem>>
          %dma_wait3A_779 = tpu.memref_squeeze %dma_wait3A_778 : memref<1x8x128xf32, #tpu.memory_space<vmem>> -> memref<8x128xf32, #tpu.memory_space<vmem>>
          tpu.wait_dma2 semaphore(%arg13 : memref<!tpu.dma_semaphore, #tpu.memory_space<semaphore_mem>>) src(%dma_wait3A_779 : memref<8x128xf32, #tpu.memory_space<vmem>>) dst(%dma_wait3A_775 : memref<8x128xf32, #tpu.memory_space<hbm>>)
          %dma_wait3A_780 = arith.constant 4 : i32
          %dma_wait3A_781 = arith.constant 0 : i32
          %dma_wait3A_782 = arith.constant 4 : i32
          %dma_wait3A_783 = arith.constant 0 : i32
          %dma_wait3A_784 = arith.constant 0 : i32
          %dma_wait3A_785 = arith.constant 0 : i32
          %dma_wait3A_786 = tpu.memref_slice %arg9[%dma_wait3A_780, %dma_wait3A_784, %dma_wait3A_785] : memref<8x8x128xf32, #tpu.memory_space<vmem>> -> memref<1x8x128xf32, #tpu.memory_space<vmem>>
          %dma_wait3A_787 = tpu.memref_squeeze %dma_wait3A_786 : memref<1x8x128xf32, #tpu.memory_space<vmem>> -> memref<8x128xf32, #tpu.memory_space<vmem>>
          %dma_wait3A_788 = arith.constant 0 : i32
          %dma_wait3A_789 = arith.constant 0 : i32
          %dma_wait3A_790 = tpu.memref_slice %arg4[%dma_wait3A_781, %dma_wait3A_782, %dma_wait3A_783, %dma_wait3A_788, %dma_wait3A_789] : memref<50x8x128x8x128xf32, #tpu.memory_space<hbm>> -> memref<1x1x1x8x128xf32, #tpu.memory_space<hbm>>
          %dma_wait3A_791 = tpu.memref_squeeze %dma_wait3A_790 : memref<1x1x1x8x128xf32, #tpu.memory_space<hbm>> -> memref<8x128xf32, #tpu.memory_space<hbm>>
          %dma_wait3A_792 = arith.constant 0 : i32
          %dma_wait3A_793 = arith.constant 0 : i32
          %dma_wait3A_794 = tpu.memref_slice %arg4[%dma_wait3A_781, %dma_wait3A_782, %dma_wait3A_783, %dma_wait3A_792, %dma_wait3A_793] : memref<50x8x128x8x128xf32, #tpu.memory_space<hbm>> -> memref<1x1x1x8x128xf32, #tpu.memory_space<hbm>>
          %dma_wait3A_795 = tpu.memref_squeeze %dma_wait3A_794 : memref<1x1x1x8x128xf32, #tpu.memory_space<hbm>> -> memref<8x128xf32, #tpu.memory_space<hbm>>
          %dma_wait3A_796 = arith.constant 0 : i32
          %dma_wait3A_797 = arith.constant 0 : i32
          %dma_wait3A_798 = tpu.memref_slice %arg9[%dma_wait3A_780, %dma_wait3A_796, %dma_wait3A_797] : memref<8x8x128xf32, #tpu.memory_space<vmem>> -> memref<1x8x128xf32, #tpu.memory_space<vmem>>
          %dma_wait3A_799 = tpu.memref_squeeze %dma_wait3A_798 : memref<1x8x128xf32, #tpu.memory_space<vmem>> -> memref<8x128xf32, #tpu.memory_space<vmem>>
          tpu.wait_dma2 semaphore(%arg13 : memref<!tpu.dma_semaphore, #tpu.memory_space<semaphore_mem>>) src(%dma_wait3A_799 : memref<8x128xf32, #tpu.memory_space<vmem>>) dst(%dma_wait3A_795 : memref<8x128xf32, #tpu.memory_space<hbm>>)
          %dma_wait3A_800 = arith.constant 5 : i32
          %dma_wait3A_801 = arith.constant 0 : i32
          %dma_wait3A_802 = arith.constant 5 : i32
          %dma_wait3A_803 = arith.constant 0 : i32
          %dma_wait3A_804 = arith.constant 0 : i32
          %dma_wait3A_805 = arith.constant 0 : i32
          %dma_wait3A_806 = tpu.memref_slice %arg9[%dma_wait3A_800, %dma_wait3A_804, %dma_wait3A_805] : memref<8x8x128xf32, #tpu.memory_space<vmem>> -> memref<1x8x128xf32, #tpu.memory_space<vmem>>
          %dma_wait3A_807 = tpu.memref_squeeze %dma_wait3A_806 : memref<1x8x128xf32, #tpu.memory_space<vmem>> -> memref<8x128xf32, #tpu.memory_space<vmem>>
          %dma_wait3A_808 = arith.constant 0 : i32
          %dma_wait3A_809 = arith.constant 0 : i32
          %dma_wait3A_810 = tpu.memref_slice %arg4[%dma_wait3A_801, %dma_wait3A_802, %dma_wait3A_803, %dma_wait3A_808, %dma_wait3A_809] : memref<50x8x128x8x128xf32, #tpu.memory_space<hbm>> -> memref<1x1x1x8x128xf32, #tpu.memory_space<hbm>>
          %dma_wait3A_811 = tpu.memref_squeeze %dma_wait3A_810 : memref<1x1x1x8x128xf32, #tpu.memory_space<hbm>> -> memref<8x128xf32, #tpu.memory_space<hbm>>
          %dma_wait3A_812 = arith.constant 0 : i32
          %dma_wait3A_813 = arith.constant 0 : i32
          %dma_wait3A_814 = tpu.memref_slice %arg4[%dma_wait3A_801, %dma_wait3A_802, %dma_wait3A_803, %dma_wait3A_812, %dma_wait3A_813] : memref<50x8x128x8x128xf32, #tpu.memory_space<hbm>> -> memref<1x1x1x8x128xf32, #tpu.memory_space<hbm>>
          %dma_wait3A_815 = tpu.memref_squeeze %dma_wait3A_814 : memref<1x1x1x8x128xf32, #tpu.memory_space<hbm>> -> memref<8x128xf32, #tpu.memory_space<hbm>>
          %dma_wait3A_816 = arith.constant 0 : i32
          %dma_wait3A_817 = arith.constant 0 : i32
          %dma_wait3A_818 = tpu.memref_slice %arg9[%dma_wait3A_800, %dma_wait3A_816, %dma_wait3A_817] : memref<8x8x128xf32, #tpu.memory_space<vmem>> -> memref<1x8x128xf32, #tpu.memory_space<vmem>>
          %dma_wait3A_819 = tpu.memref_squeeze %dma_wait3A_818 : memref<1x8x128xf32, #tpu.memory_space<vmem>> -> memref<8x128xf32, #tpu.memory_space<vmem>>
          tpu.wait_dma2 semaphore(%arg13 : memref<!tpu.dma_semaphore, #tpu.memory_space<semaphore_mem>>) src(%dma_wait3A_819 : memref<8x128xf32, #tpu.memory_space<vmem>>) dst(%dma_wait3A_815 : memref<8x128xf32, #tpu.memory_space<hbm>>)
          %dma_wait3A_820 = arith.constant 6 : i32
          %dma_wait3A_821 = arith.constant 0 : i32
          %dma_wait3A_822 = arith.constant 6 : i32
          %dma_wait3A_823 = arith.constant 0 : i32
          %dma_wait3A_824 = arith.constant 0 : i32
          %dma_wait3A_825 = arith.constant 0 : i32
          %dma_wait3A_826 = tpu.memref_slice %arg9[%dma_wait3A_820, %dma_wait3A_824, %dma_wait3A_825] : memref<8x8x128xf32, #tpu.memory_space<vmem>> -> memref<1x8x128xf32, #tpu.memory_space<vmem>>
          %dma_wait3A_827 = tpu.memref_squeeze %dma_wait3A_826 : memref<1x8x128xf32, #tpu.memory_space<vmem>> -> memref<8x128xf32, #tpu.memory_space<vmem>>
          %dma_wait3A_828 = arith.constant 0 : i32
          %dma_wait3A_829 = arith.constant 0 : i32
          %dma_wait3A_830 = tpu.memref_slice %arg4[%dma_wait3A_821, %dma_wait3A_822, %dma_wait3A_823, %dma_wait3A_828, %dma_wait3A_829] : memref<50x8x128x8x128xf32, #tpu.memory_space<hbm>> -> memref<1x1x1x8x128xf32, #tpu.memory_space<hbm>>
          %dma_wait3A_831 = tpu.memref_squeeze %dma_wait3A_830 : memref<1x1x1x8x128xf32, #tpu.memory_space<hbm>> -> memref<8x128xf32, #tpu.memory_space<hbm>>
          %dma_wait3A_832 = arith.constant 0 : i32
          %dma_wait3A_833 = arith.constant 0 : i32
          %dma_wait3A_834 = tpu.memref_slice %arg4[%dma_wait3A_821, %dma_wait3A_822, %dma_wait3A_823, %dma_wait3A_832, %dma_wait3A_833] : memref<50x8x128x8x128xf32, #tpu.memory_space<hbm>> -> memref<1x1x1x8x128xf32, #tpu.memory_space<hbm>>
          %dma_wait3A_835 = tpu.memref_squeeze %dma_wait3A_834 : memref<1x1x1x8x128xf32, #tpu.memory_space<hbm>> -> memref<8x128xf32, #tpu.memory_space<hbm>>
          %dma_wait3A_836 = arith.constant 0 : i32
          %dma_wait3A_837 = arith.constant 0 : i32
          %dma_wait3A_838 = tpu.memref_slice %arg9[%dma_wait3A_820, %dma_wait3A_836, %dma_wait3A_837] : memref<8x8x128xf32, #tpu.memory_space<vmem>> -> memref<1x8x128xf32, #tpu.memory_space<vmem>>
          %dma_wait3A_839 = tpu.memref_squeeze %dma_wait3A_838 : memref<1x8x128xf32, #tpu.memory_space<vmem>> -> memref<8x128xf32, #tpu.memory_space<vmem>>
          tpu.wait_dma2 semaphore(%arg13 : memref<!tpu.dma_semaphore, #tpu.memory_space<semaphore_mem>>) src(%dma_wait3A_839 : memref<8x128xf32, #tpu.memory_space<vmem>>) dst(%dma_wait3A_835 : memref<8x128xf32, #tpu.memory_space<hbm>>)
          %dma_wait3A_840 = arith.constant 7 : i32
          %dma_wait3A_841 = arith.constant 0 : i32
          %dma_wait3A_842 = arith.constant 7 : i32
          %dma_wait3A_843 = arith.constant 0 : i32
          %dma_wait3A_844 = arith.constant 0 : i32
          %dma_wait3A_845 = arith.constant 0 : i32
          %dma_wait3A_846 = tpu.memref_slice %arg9[%dma_wait3A_840, %dma_wait3A_844, %dma_wait3A_845] : memref<8x8x128xf32, #tpu.memory_space<vmem>> -> memref<1x8x128xf32, #tpu.memory_space<vmem>>
          %dma_wait3A_847 = tpu.memref_squeeze %dma_wait3A_846 : memref<1x8x128xf32, #tpu.memory_space<vmem>> -> memref<8x128xf32, #tpu.memory_space<vmem>>
          %dma_wait3A_848 = arith.constant 0 : i32
          %dma_wait3A_849 = arith.constant 0 : i32
          %dma_wait3A_850 = tpu.memref_slice %arg4[%dma_wait3A_841, %dma_wait3A_842, %dma_wait3A_843, %dma_wait3A_848, %dma_wait3A_849] : memref<50x8x128x8x128xf32, #tpu.memory_space<hbm>> -> memref<1x1x1x8x128xf32, #tpu.memory_space<hbm>>
          %dma_wait3A_851 = tpu.memref_squeeze %dma_wait3A_850 : memref<1x1x1x8x128xf32, #tpu.memory_space<hbm>> -> memref<8x128xf32, #tpu.memory_space<hbm>>
          %dma_wait3A_852 = arith.constant 0 : i32
          %dma_wait3A_853 = arith.constant 0 : i32
          %dma_wait3A_854 = tpu.memref_slice %arg4[%dma_wait3A_841, %dma_wait3A_842, %dma_wait3A_843, %dma_wait3A_852, %dma_wait3A_853] : memref<50x8x128x8x128xf32, #tpu.memory_space<hbm>> -> memref<1x1x1x8x128xf32, #tpu.memory_space<hbm>>
          %dma_wait3A_855 = tpu.memref_squeeze %dma_wait3A_854 : memref<1x1x1x8x128xf32, #tpu.memory_space<hbm>> -> memref<8x128xf32, #tpu.memory_space<hbm>>
          %dma_wait3A_856 = arith.constant 0 : i32
          %dma_wait3A_857 = arith.constant 0 : i32
          %dma_wait3A_858 = tpu.memref_slice %arg9[%dma_wait3A_840, %dma_wait3A_856, %dma_wait3A_857] : memref<8x8x128xf32, #tpu.memory_space<vmem>> -> memref<1x8x128xf32, #tpu.memory_space<vmem>>
          %dma_wait3A_859 = tpu.memref_squeeze %dma_wait3A_858 : memref<1x8x128xf32, #tpu.memory_space<vmem>> -> memref<8x128xf32, #tpu.memory_space<vmem>>
          tpu.wait_dma2 semaphore(%arg13 : memref<!tpu.dma_semaphore, #tpu.memory_space<semaphore_mem>>) src(%dma_wait3A_859 : memref<8x128xf32, #tpu.memory_space<vmem>>) dst(%dma_wait3A_855 : memref<8x128xf32, #tpu.memory_space<hbm>>)
        } else {
        }
        %parallel_loop3A_385 = arith.constant 0 : i32
        %parallel_loop3A_386 = arith.constant 512 : i32
        %parallel_loop3A_387 = arith.constant 1 : i32
        scf.for %parallel_loop3A_700 = %parallel_loop3A_385 to %parallel_loop3A_386 step %parallel_loop3A_387  : i32 {
          %parallel_loop3A_701 = arith.constant 8 : i32
          %parallel_loop3A_702 = arith.divsi %parallel_loop3A_700, %parallel_loop3A_701 : i32
          %parallel_loop3A_703 = arith.constant 0 : i32
          %parallel_loop3A_704 = arith.cmpi sgt, %parallel_loop3A_700, %parallel_loop3A_703 : i32
          %parallel_loop3A_705 = arith.extui %parallel_loop3A_704 : i1 to i32
          %parallel_loop3A_706 = arith.constant 0 : i32
          %parallel_loop3A_707 = arith.cmpi slt, %parallel_loop3A_700, %parallel_loop3A_706 : i32
          %parallel_loop3A_708 = arith.extui %parallel_loop3A_707 : i1 to i32
          %parallel_loop3A_709 = arith.subi %parallel_loop3A_705, %parallel_loop3A_708 : i32
          %parallel_loop3A_710 = arith.constant 0 : i32
          %parallel_loop3A_711 = arith.cmpi sgt, %parallel_loop3A_701, %parallel_loop3A_710 : i32
          %parallel_loop3A_712 = arith.extui %parallel_loop3A_711 : i1 to i32
          %parallel_loop3A_713 = arith.constant 0 : i32
          %parallel_loop3A_714 = arith.cmpi slt, %parallel_loop3A_701, %parallel_loop3A_713 : i32
          %parallel_loop3A_715 = arith.extui %parallel_loop3A_714 : i1 to i32
          %parallel_loop3A_716 = arith.subi %parallel_loop3A_712, %parallel_loop3A_715 : i32
          %parallel_loop3A_717 = arith.cmpi ne, %parallel_loop3A_709, %parallel_loop3A_716 : i32
          %parallel_loop3A_718 = arith.remsi %parallel_loop3A_700, %parallel_loop3A_701 : i32
          %parallel_loop3A_719 = arith.constant 0 : i32
          %parallel_loop3A_720 = arith.cmpi ne, %parallel_loop3A_718, %parallel_loop3A_719 : i32
          %parallel_loop3A_721 = arith.andi %parallel_loop3A_717, %parallel_loop3A_720 : i1
          %parallel_loop3A_722 = arith.constant 1 : i32
          %parallel_loop3A_723 = arith.subi %parallel_loop3A_702, %parallel_loop3A_722 : i32
          %parallel_loop3A_724 = arith.select %parallel_loop3A_721, %parallel_loop3A_723, %parallel_loop3A_702 : i32
          %parallel_loop3A_725 = arith.constant 8 : i32
          %parallel_loop3A_726 = arith.muli %parallel_loop3A_725, %parallel_loop3A_724 : i32
          %parallel_loop3A_727 = arith.subi %parallel_loop3A_700, %parallel_loop3A_726 : i32
          %parallel_loop3A_728 = arith.constant 8 : i32
          %parallel_loop3A_729 = arith.divsi %parallel_loop3A_724, %parallel_loop3A_728 : i32
          %parallel_loop3A_730 = arith.constant 0 : i32
          %parallel_loop3A_731 = arith.cmpi sgt, %parallel_loop3A_724, %parallel_loop3A_730 : i32
          %parallel_loop3A_732 = arith.extui %parallel_loop3A_731 : i1 to i32
          %parallel_loop3A_733 = arith.constant 0 : i32
          %parallel_loop3A_734 = arith.cmpi slt, %parallel_loop3A_724, %parallel_loop3A_733 : i32
          %parallel_loop3A_735 = arith.extui %parallel_loop3A_734 : i1 to i32
          %parallel_loop3A_736 = arith.subi %parallel_loop3A_732, %parallel_loop3A_735 : i32
          %parallel_loop3A_737 = arith.constant 0 : i32
          %parallel_loop3A_738 = arith.cmpi sgt, %parallel_loop3A_728, %parallel_loop3A_737 : i32
          %parallel_loop3A_739 = arith.extui %parallel_loop3A_738 : i1 to i32
          %parallel_loop3A_740 = arith.constant 0 : i32
          %parallel_loop3A_741 = arith.cmpi slt, %parallel_loop3A_728, %parallel_loop3A_740 : i32
          %parallel_loop3A_742 = arith.extui %parallel_loop3A_741 : i1 to i32
          %parallel_loop3A_743 = arith.subi %parallel_loop3A_739, %parallel_loop3A_742 : i32
          %parallel_loop3A_744 = arith.cmpi ne, %parallel_loop3A_736, %parallel_loop3A_743 : i32
          %parallel_loop3A_745 = arith.remsi %parallel_loop3A_724, %parallel_loop3A_728 : i32
          %parallel_loop3A_746 = arith.constant 0 : i32
          %parallel_loop3A_747 = arith.cmpi ne, %parallel_loop3A_745, %parallel_loop3A_746 : i32
          %parallel_loop3A_748 = arith.andi %parallel_loop3A_744, %parallel_loop3A_747 : i1
          %parallel_loop3A_749 = arith.constant 1 : i32
          %parallel_loop3A_750 = arith.subi %parallel_loop3A_729, %parallel_loop3A_749 : i32
          %parallel_loop3A_751 = arith.select %parallel_loop3A_748, %parallel_loop3A_750, %parallel_loop3A_729 : i32
          %parallel_loop3A_752 = arith.constant 8 : i32
          %parallel_loop3A_753 = arith.muli %parallel_loop3A_752, %parallel_loop3A_751 : i32
          %parallel_loop3A_754 = arith.subi %parallel_loop3A_724, %parallel_loop3A_753 : i32
          %parallel_loop3A_755 = arith.constant 0 : i32
          %parallel_loop3A_756 = vector.broadcast %parallel_loop3A_755 : i32 to vector<16xi32>
          %parallel_loop3A_757 = vector.broadcast %parallel_loop3A_724 : i32 to vector<16xi32>
          %parallel_loop3A_758 = arith.addi %parallel_loop3A_756, %parallel_loop3A_757 : vector<16xi32>
          %parallel_loop3A_759 = arith.constant 0 : i32
          %parallel_loop3A_760 = vector.broadcast %parallel_loop3A_759 : i32 to vector<16xi32>
          %parallel_loop3A_761 = arith.constant 16 : i32
          %parallel_loop3A_762 = arith.muli %parallel_loop3A_727, %parallel_loop3A_761 : i32
          %parallel_loop3A_763 = vector.broadcast %parallel_loop3A_762 : i32 to vector<16xi32>
          %parallel_loop3A_764 = arith.addi %parallel_loop3A_760, %parallel_loop3A_763 : vector<16xi32>
          %parallel_loop3A_765 = arith.addi %parallel_loop3A_764, %iota3A : vector<16xi32>
          %parallel_loop3A_766 = tpu.vector_load_idx %arg7[%parallel_loop3A_765, %parallel_loop3A_758] : memref<128x64xf32, #tpu.memory_space<vmem>>[vector<16xi32>, vector<16xi32>], vector<16xf32>,
          %parallel_loop3A_767 = arith.constant 16 : i32
          %parallel_loop3A_768 = arith.muli %parallel_loop3A_727, %parallel_loop3A_767 : i32
          %parallel_loop3A_769 = arith.index_cast %parallel_loop3A_751 : i32 to index
          %parallel_loop3A_770 = arith.index_cast %parallel_loop3A_754 : i32 to index
          %parallel_loop3A_771 = arith.index_cast %parallel_loop3A_768 : i32 to index
          %parallel_loop3A_772 = tpu.vector_load %arg9[%parallel_loop3A_769, %parallel_loop3A_770, %parallel_loop3A_771] {strides = array<i32>} : memref<8x8x128xf32, #tpu.memory_space<vmem>>, vector<16xf32>,
          tpu.vector_store %arg9[%parallel_loop3A_769, %parallel_loop3A_770, %parallel_loop3A_771], %parallel_loop3A_766 {strides = array<i32>} : memref<8x8x128xf32, #tpu.memory_space<vmem>>, vector<16xf32>,
        } {sc.loop_unroll_factor = 16 : i64, sc.parallel_access}
        %dma_start3A_388 = arith.constant 0 : i32
        %dma_start3A_389 = arith.constant 0 : i32
        %dma_start3A_390 = arith.constant 0 : i32
        %dma_start3A_391 = arith.constant 0 : i32
        %dma_start3A_392 = tpu.memref_slice %arg9[%dma_start3A_388, %dma_start3A_390, %dma_start3A_391] : memref<8x8x128xf32, #tpu.memory_space<vmem>> -> memref<1x8x128xf32, #tpu.memory_space<vmem>>
        %dma_start3A_393 = tpu.memref_squeeze %dma_start3A_392 : memref<1x8x128xf32, #tpu.memory_space<vmem>> -> memref<8x128xf32, #tpu.memory_space<vmem>>
        %dma_start3A_394 = arith.constant 0 : i32
        %dma_start3A_395 = arith.constant 0 : i32
        %dma_start3A_396 = tpu.memref_slice %arg4[%add3A_371, %dma_start3A_389, %add3A_32, %dma_start3A_394, %dma_start3A_395] : memref<50x8x128x8x128xf32, #tpu.memory_space<hbm>> -> memref<1x1x1x8x128xf32, #tpu.memory_space<hbm>>
        %dma_start3A_397 = tpu.memref_squeeze %dma_start3A_396 : memref<1x1x1x8x128xf32, #tpu.memory_space<hbm>> -> memref<8x128xf32, #tpu.memory_space<hbm>>
        %dma_start3A_398 = arith.constant 0 : i32
        %dma_start3A_399 = arith.constant 0 : i32
        %dma_start3A_400 = tpu.memref_slice %arg4[%add3A_371, %dma_start3A_389, %add3A_32, %dma_start3A_398, %dma_start3A_399] : memref<50x8x128x8x128xf32, #tpu.memory_space<hbm>> -> memref<1x1x1x8x128xf32, #tpu.memory_space<hbm>>
        %dma_start3A_401 = tpu.memref_squeeze %dma_start3A_400 : memref<1x1x1x8x128xf32, #tpu.memory_space<hbm>> -> memref<8x128xf32, #tpu.memory_space<hbm>>
        %dma_start3A_402 = arith.constant 0 : i32
        %dma_start3A_403 = arith.constant 0 : i32
        %dma_start3A_404 = tpu.memref_slice %arg9[%dma_start3A_388, %dma_start3A_402, %dma_start3A_403] : memref<8x8x128xf32, #tpu.memory_space<vmem>> -> memref<1x8x128xf32, #tpu.memory_space<vmem>>
        %dma_start3A_405 = tpu.memref_squeeze %dma_start3A_404 : memref<1x8x128xf32, #tpu.memory_space<vmem>> -> memref<8x128xf32, #tpu.memory_space<vmem>>
        tpu.enqueue_dma source(%dma_start3A_405 : memref<8x128xf32, #tpu.memory_space<vmem>>) target(%dma_start3A_401 : memref<8x128xf32, #tpu.memory_space<hbm>>) target_semaphore(%arg13 : memref<!tpu.dma_semaphore, #tpu.memory_space<semaphore_mem>>)
        %dma_start3A_406 = arith.constant 1 : i32
        %dma_start3A_407 = arith.constant 1 : i32
        %dma_start3A_408 = arith.constant 0 : i32
        %dma_start3A_409 = arith.constant 0 : i32
        %dma_start3A_410 = tpu.memref_slice %arg9[%dma_start3A_406, %dma_start3A_408, %dma_start3A_409] : memref<8x8x128xf32, #tpu.memory_space<vmem>> -> memref<1x8x128xf32, #tpu.memory_space<vmem>>
        %dma_start3A_411 = tpu.memref_squeeze %dma_start3A_410 : memref<1x8x128xf32, #tpu.memory_space<vmem>> -> memref<8x128xf32, #tpu.memory_space<vmem>>
        %dma_start3A_412 = arith.constant 0 : i32
        %dma_start3A_413 = arith.constant 0 : i32
        %dma_start3A_414 = tpu.memref_slice %arg4[%add3A_371, %dma_start3A_407, %add3A_32, %dma_start3A_412, %dma_start3A_413] : memref<50x8x128x8x128xf32, #tpu.memory_space<hbm>> -> memref<1x1x1x8x128xf32, #tpu.memory_space<hbm>>
        %dma_start3A_415 = tpu.memref_squeeze %dma_start3A_414 : memref<1x1x1x8x128xf32, #tpu.memory_space<hbm>> -> memref<8x128xf32, #tpu.memory_space<hbm>>
        %dma_start3A_416 = arith.constant 0 : i32
        %dma_start3A_417 = arith.constant 0 : i32
        %dma_start3A_418 = tpu.memref_slice %arg4[%add3A_371, %dma_start3A_407, %add3A_32, %dma_start3A_416, %dma_start3A_417] : memref<50x8x128x8x128xf32, #tpu.memory_space<hbm>> -> memref<1x1x1x8x128xf32, #tpu.memory_space<hbm>>
        %dma_start3A_419 = tpu.memref_squeeze %dma_start3A_418 : memref<1x1x1x8x128xf32, #tpu.memory_space<hbm>> -> memref<8x128xf32, #tpu.memory_space<hbm>>
        %dma_start3A_420 = arith.constant 0 : i32
        %dma_start3A_421 = arith.constant 0 : i32
        %dma_start3A_422 = tpu.memref_slice %arg9[%dma_start3A_406, %dma_start3A_420, %dma_start3A_421] : memref<8x8x128xf32, #tpu.memory_space<vmem>> -> memref<1x8x128xf32, #tpu.memory_space<vmem>>
        %dma_start3A_423 = tpu.memref_squeeze %dma_start3A_422 : memref<1x8x128xf32, #tpu.memory_space<vmem>> -> memref<8x128xf32, #tpu.memory_space<vmem>>
        tpu.enqueue_dma source(%dma_start3A_423 : memref<8x128xf32, #tpu.memory_space<vmem>>) target(%dma_start3A_419 : memref<8x128xf32, #tpu.memory_space<hbm>>) target_semaphore(%arg13 : memref<!tpu.dma_semaphore, #tpu.memory_space<semaphore_mem>>)
        %dma_start3A_424 = arith.constant 2 : i32
        %dma_start3A_425 = arith.constant 2 : i32
        %dma_start3A_426 = arith.constant 0 : i32
        %dma_start3A_427 = arith.constant 0 : i32
        %dma_start3A_428 = tpu.memref_slice %arg9[%dma_start3A_424, %dma_start3A_426, %dma_start3A_427] : memref<8x8x128xf32, #tpu.memory_space<vmem>> -> memref<1x8x128xf32, #tpu.memory_space<vmem>>
        %dma_start3A_429 = tpu.memref_squeeze %dma_start3A_428 : memref<1x8x128xf32, #tpu.memory_space<vmem>> -> memref<8x128xf32, #tpu.memory_space<vmem>>
        %dma_start3A_430 = arith.constant 0 : i32
        %dma_start3A_431 = arith.constant 0 : i32
        %dma_start3A_432 = tpu.memref_slice %arg4[%add3A_371, %dma_start3A_425, %add3A_32, %dma_start3A_430, %dma_start3A_431] : memref<50x8x128x8x128xf32, #tpu.memory_space<hbm>> -> memref<1x1x1x8x128xf32, #tpu.memory_space<hbm>>
        %dma_start3A_433 = tpu.memref_squeeze %dma_start3A_432 : memref<1x1x1x8x128xf32, #tpu.memory_space<hbm>> -> memref<8x128xf32, #tpu.memory_space<hbm>>
        %dma_start3A_434 = arith.constant 0 : i32
        %dma_start3A_435 = arith.constant 0 : i32
        %dma_start3A_436 = tpu.memref_slice %arg4[%add3A_371, %dma_start3A_425, %add3A_32, %dma_start3A_434, %dma_start3A_435] : memref<50x8x128x8x128xf32, #tpu.memory_space<hbm>> -> memref<1x1x1x8x128xf32, #tpu.memory_space<hbm>>
        %dma_start3A_437 = tpu.memref_squeeze %dma_start3A_436 : memref<1x1x1x8x128xf32, #tpu.memory_space<hbm>> -> memref<8x128xf32, #tpu.memory_space<hbm>>
        %dma_start3A_438 = arith.constant 0 : i32
        %dma_start3A_439 = arith.constant 0 : i32
        %dma_start3A_440 = tpu.memref_slice %arg9[%dma_start3A_424, %dma_start3A_438, %dma_start3A_439] : memref<8x8x128xf32, #tpu.memory_space<vmem>> -> memref<1x8x128xf32, #tpu.memory_space<vmem>>
        %dma_start3A_441 = tpu.memref_squeeze %dma_start3A_440 : memref<1x8x128xf32, #tpu.memory_space<vmem>> -> memref<8x128xf32, #tpu.memory_space<vmem>>
        tpu.enqueue_dma source(%dma_start3A_441 : memref<8x128xf32, #tpu.memory_space<vmem>>) target(%dma_start3A_437 : memref<8x128xf32, #tpu.memory_space<hbm>>) target_semaphore(%arg13 : memref<!tpu.dma_semaphore, #tpu.memory_space<semaphore_mem>>)
        %dma_start3A_442 = arith.constant 3 : i32
        %dma_start3A_443 = arith.constant 3 : i32
        %dma_start3A_444 = arith.constant 0 : i32
        %dma_start3A_445 = arith.constant 0 : i32
        %dma_start3A_446 = tpu.memref_slice %arg9[%dma_start3A_442, %dma_start3A_444, %dma_start3A_445] : memref<8x8x128xf32, #tpu.memory_space<vmem>> -> memref<1x8x128xf32, #tpu.memory_space<vmem>>
        %dma_start3A_447 = tpu.memref_squeeze %dma_start3A_446 : memref<1x8x128xf32, #tpu.memory_space<vmem>> -> memref<8x128xf32, #tpu.memory_space<vmem>>
        %dma_start3A_448 = arith.constant 0 : i32
        %dma_start3A_449 = arith.constant 0 : i32
        %dma_start3A_450 = tpu.memref_slice %arg4[%add3A_371, %dma_start3A_443, %add3A_32, %dma_start3A_448, %dma_start3A_449] : memref<50x8x128x8x128xf32, #tpu.memory_space<hbm>> -> memref<1x1x1x8x128xf32, #tpu.memory_space<hbm>>
        %dma_start3A_451 = tpu.memref_squeeze %dma_start3A_450 : memref<1x1x1x8x128xf32, #tpu.memory_space<hbm>> -> memref<8x128xf32, #tpu.memory_space<hbm>>
        %dma_start3A_452 = arith.constant 0 : i32
        %dma_start3A_453 = arith.constant 0 : i32
        %dma_start3A_454 = tpu.memref_slice %arg4[%add3A_371, %dma_start3A_443, %add3A_32, %dma_start3A_452, %dma_start3A_453] : memref<50x8x128x8x128xf32, #tpu.memory_space<hbm>> -> memref<1x1x1x8x128xf32, #tpu.memory_space<hbm>>
        %dma_start3A_455 = tpu.memref_squeeze %dma_start3A_454 : memref<1x1x1x8x128xf32, #tpu.memory_space<hbm>> -> memref<8x128xf32, #tpu.memory_space<hbm>>
        %dma_start3A_456 = arith.constant 0 : i32
        %dma_start3A_457 = arith.constant 0 : i32
        %dma_start3A_458 = tpu.memref_slice %arg9[%dma_start3A_442, %dma_start3A_456, %dma_start3A_457] : memref<8x8x128xf32, #tpu.memory_space<vmem>> -> memref<1x8x128xf32, #tpu.memory_space<vmem>>
        %dma_start3A_459 = tpu.memref_squeeze %dma_start3A_458 : memref<1x8x128xf32, #tpu.memory_space<vmem>> -> memref<8x128xf32, #tpu.memory_space<vmem>>
        tpu.enqueue_dma source(%dma_start3A_459 : memref<8x128xf32, #tpu.memory_space<vmem>>) target(%dma_start3A_455 : memref<8x128xf32, #tpu.memory_space<hbm>>) target_semaphore(%arg13 : memref<!tpu.dma_semaphore, #tpu.memory_space<semaphore_mem>>)
        %dma_start3A_460 = arith.constant 4 : i32
        %dma_start3A_461 = arith.constant 4 : i32
        %dma_start3A_462 = arith.constant 0 : i32
        %dma_start3A_463 = arith.constant 0 : i32
        %dma_start3A_464 = tpu.memref_slice %arg9[%dma_start3A_460, %dma_start3A_462, %dma_start3A_463] : memref<8x8x128xf32, #tpu.memory_space<vmem>> -> memref<1x8x128xf32, #tpu.memory_space<vmem>>
        %dma_start3A_465 = tpu.memref_squeeze %dma_start3A_464 : memref<1x8x128xf32, #tpu.memory_space<vmem>> -> memref<8x128xf32, #tpu.memory_space<vmem>>
        %dma_start3A_466 = arith.constant 0 : i32
        %dma_start3A_467 = arith.constant 0 : i32
        %dma_start3A_468 = tpu.memref_slice %arg4[%add3A_371, %dma_start3A_461, %add3A_32, %dma_start3A_466, %dma_start3A_467] : memref<50x8x128x8x128xf32, #tpu.memory_space<hbm>> -> memref<1x1x1x8x128xf32, #tpu.memory_space<hbm>>
        %dma_start3A_469 = tpu.memref_squeeze %dma_start3A_468 : memref<1x1x1x8x128xf32, #tpu.memory_space<hbm>> -> memref<8x128xf32, #tpu.memory_space<hbm>>
        %dma_start3A_470 = arith.constant 0 : i32
        %dma_start3A_471 = arith.constant 0 : i32
        %dma_start3A_472 = tpu.memref_slice %arg4[%add3A_371, %dma_start3A_461, %add3A_32, %dma_start3A_470, %dma_start3A_471] : memref<50x8x128x8x128xf32, #tpu.memory_space<hbm>> -> memref<1x1x1x8x128xf32, #tpu.memory_space<hbm>>
        %dma_start3A_473 = tpu.memref_squeeze %dma_start3A_472 : memref<1x1x1x8x128xf32, #tpu.memory_space<hbm>> -> memref<8x128xf32, #tpu.memory_space<hbm>>
        %dma_start3A_474 = arith.constant 0 : i32
        %dma_start3A_475 = arith.constant 0 : i32
        %dma_start3A_476 = tpu.memref_slice %arg9[%dma_start3A_460, %dma_start3A_474, %dma_start3A_475] : memref<8x8x128xf32, #tpu.memory_space<vmem>> -> memref<1x8x128xf32, #tpu.memory_space<vmem>>
        %dma_start3A_477 = tpu.memref_squeeze %dma_start3A_476 : memref<1x8x128xf32, #tpu.memory_space<vmem>> -> memref<8x128xf32, #tpu.memory_space<vmem>>
        tpu.enqueue_dma source(%dma_start3A_477 : memref<8x128xf32, #tpu.memory_space<vmem>>) target(%dma_start3A_473 : memref<8x128xf32, #tpu.memory_space<hbm>>) target_semaphore(%arg13 : memref<!tpu.dma_semaphore, #tpu.memory_space<semaphore_mem>>)
        %dma_start3A_478 = arith.constant 5 : i32
        %dma_start3A_479 = arith.constant 5 : i32
        %dma_start3A_480 = arith.constant 0 : i32
        %dma_start3A_481 = arith.constant 0 : i32
        %dma_start3A_482 = tpu.memref_slice %arg9[%dma_start3A_478, %dma_start3A_480, %dma_start3A_481] : memref<8x8x128xf32, #tpu.memory_space<vmem>> -> memref<1x8x128xf32, #tpu.memory_space<vmem>>
        %dma_start3A_483 = tpu.memref_squeeze %dma_start3A_482 : memref<1x8x128xf32, #tpu.memory_space<vmem>> -> memref<8x128xf32, #tpu.memory_space<vmem>>
        %dma_start3A_484 = arith.constant 0 : i32
        %dma_start3A_485 = arith.constant 0 : i32
        %dma_start3A_486 = tpu.memref_slice %arg4[%add3A_371, %dma_start3A_479, %add3A_32, %dma_start3A_484, %dma_start3A_485] : memref<50x8x128x8x128xf32, #tpu.memory_space<hbm>> -> memref<1x1x1x8x128xf32, #tpu.memory_space<hbm>>
        %dma_start3A_487 = tpu.memref_squeeze %dma_start3A_486 : memref<1x1x1x8x128xf32, #tpu.memory_space<hbm>> -> memref<8x128xf32, #tpu.memory_space<hbm>>
        %dma_start3A_488 = arith.constant 0 : i32
        %dma_start3A_489 = arith.constant 0 : i32
        %dma_start3A_490 = tpu.memref_slice %arg4[%add3A_371, %dma_start3A_479, %add3A_32, %dma_start3A_488, %dma_start3A_489] : memref<50x8x128x8x128xf32, #tpu.memory_space<hbm>> -> memref<1x1x1x8x128xf32, #tpu.memory_space<hbm>>
        %dma_start3A_491 = tpu.memref_squeeze %dma_start3A_490 : memref<1x1x1x8x128xf32, #tpu.memory_space<hbm>> -> memref<8x128xf32, #tpu.memory_space<hbm>>
        %dma_start3A_492 = arith.constant 0 : i32
        %dma_start3A_493 = arith.constant 0 : i32
        %dma_start3A_494 = tpu.memref_slice %arg9[%dma_start3A_478, %dma_start3A_492, %dma_start3A_493] : memref<8x8x128xf32, #tpu.memory_space<vmem>> -> memref<1x8x128xf32, #tpu.memory_space<vmem>>
        %dma_start3A_495 = tpu.memref_squeeze %dma_start3A_494 : memref<1x8x128xf32, #tpu.memory_space<vmem>> -> memref<8x128xf32, #tpu.memory_space<vmem>>
        tpu.enqueue_dma source(%dma_start3A_495 : memref<8x128xf32, #tpu.memory_space<vmem>>) target(%dma_start3A_491 : memref<8x128xf32, #tpu.memory_space<hbm>>) target_semaphore(%arg13 : memref<!tpu.dma_semaphore, #tpu.memory_space<semaphore_mem>>)
        %dma_start3A_496 = arith.constant 6 : i32
        %dma_start3A_497 = arith.constant 6 : i32
        %dma_start3A_498 = arith.constant 0 : i32
        %dma_start3A_499 = arith.constant 0 : i32
        %dma_start3A_500 = tpu.memref_slice %arg9[%dma_start3A_496, %dma_start3A_498, %dma_start3A_499] : memref<8x8x128xf32, #tpu.memory_space<vmem>> -> memref<1x8x128xf32, #tpu.memory_space<vmem>>
        %dma_start3A_501 = tpu.memref_squeeze %dma_start3A_500 : memref<1x8x128xf32, #tpu.memory_space<vmem>> -> memref<8x128xf32, #tpu.memory_space<vmem>>
        %dma_start3A_502 = arith.constant 0 : i32
        %dma_start3A_503 = arith.constant 0 : i32
        %dma_start3A_504 = tpu.memref_slice %arg4[%add3A_371, %dma_start3A_497, %add3A_32, %dma_start3A_502, %dma_start3A_503] : memref<50x8x128x8x128xf32, #tpu.memory_space<hbm>> -> memref<1x1x1x8x128xf32, #tpu.memory_space<hbm>>
        %dma_start3A_505 = tpu.memref_squeeze %dma_start3A_504 : memref<1x1x1x8x128xf32, #tpu.memory_space<hbm>> -> memref<8x128xf32, #tpu.memory_space<hbm>>
        %dma_start3A_506 = arith.constant 0 : i32
        %dma_start3A_507 = arith.constant 0 : i32
        %dma_start3A_508 = tpu.memref_slice %arg4[%add3A_371, %dma_start3A_497, %add3A_32, %dma_start3A_506, %dma_start3A_507] : memref<50x8x128x8x128xf32, #tpu.memory_space<hbm>> -> memref<1x1x1x8x128xf32, #tpu.memory_space<hbm>>
        %dma_start3A_509 = tpu.memref_squeeze %dma_start3A_508 : memref<1x1x1x8x128xf32, #tpu.memory_space<hbm>> -> memref<8x128xf32, #tpu.memory_space<hbm>>
        %dma_start3A_510 = arith.constant 0 : i32
        %dma_start3A_511 = arith.constant 0 : i32
        %dma_start3A_512 = tpu.memref_slice %arg9[%dma_start3A_496, %dma_start3A_510, %dma_start3A_511] : memref<8x8x128xf32, #tpu.memory_space<vmem>> -> memref<1x8x128xf32, #tpu.memory_space<vmem>>
        %dma_start3A_513 = tpu.memref_squeeze %dma_start3A_512 : memref<1x8x128xf32, #tpu.memory_space<vmem>> -> memref<8x128xf32, #tpu.memory_space<vmem>>
        tpu.enqueue_dma source(%dma_start3A_513 : memref<8x128xf32, #tpu.memory_space<vmem>>) target(%dma_start3A_509 : memref<8x128xf32, #tpu.memory_space<hbm>>) target_semaphore(%arg13 : memref<!tpu.dma_semaphore, #tpu.memory_space<semaphore_mem>>)
        %dma_start3A_514 = arith.constant 7 : i32
        %dma_start3A_515 = arith.constant 7 : i32
        %dma_start3A_516 = arith.constant 0 : i32
        %dma_start3A_517 = arith.constant 0 : i32
        %dma_start3A_518 = tpu.memref_slice %arg9[%dma_start3A_514, %dma_start3A_516, %dma_start3A_517] : memref<8x8x128xf32, #tpu.memory_space<vmem>> -> memref<1x8x128xf32, #tpu.memory_space<vmem>>
        %dma_start3A_519 = tpu.memref_squeeze %dma_start3A_518 : memref<1x8x128xf32, #tpu.memory_space<vmem>> -> memref<8x128xf32, #tpu.memory_space<vmem>>
        %dma_start3A_520 = arith.constant 0 : i32
        %dma_start3A_521 = arith.constant 0 : i32
        %dma_start3A_522 = tpu.memref_slice %arg4[%add3A_371, %dma_start3A_515, %add3A_32, %dma_start3A_520, %dma_start3A_521] : memref<50x8x128x8x128xf32, #tpu.memory_space<hbm>> -> memref<1x1x1x8x128xf32, #tpu.memory_space<hbm>>
        %dma_start3A_523 = tpu.memref_squeeze %dma_start3A_522 : memref<1x1x1x8x128xf32, #tpu.memory_space<hbm>> -> memref<8x128xf32, #tpu.memory_space<hbm>>
        %dma_start3A_524 = arith.constant 0 : i32
        %dma_start3A_525 = arith.constant 0 : i32
        %dma_start3A_526 = tpu.memref_slice %arg4[%add3A_371, %dma_start3A_515, %add3A_32, %dma_start3A_524, %dma_start3A_525] : memref<50x8x128x8x128xf32, #tpu.memory_space<hbm>> -> memref<1x1x1x8x128xf32, #tpu.memory_space<hbm>>
        %dma_start3A_527 = tpu.memref_squeeze %dma_start3A_526 : memref<1x1x1x8x128xf32, #tpu.memory_space<hbm>> -> memref<8x128xf32, #tpu.memory_space<hbm>>
        %dma_start3A_528 = arith.constant 0 : i32
        %dma_start3A_529 = arith.constant 0 : i32
        %dma_start3A_530 = tpu.memref_slice %arg9[%dma_start3A_514, %dma_start3A_528, %dma_start3A_529] : memref<8x8x128xf32, #tpu.memory_space<vmem>> -> memref<1x8x128xf32, #tpu.memory_space<vmem>>
        %dma_start3A_531 = tpu.memref_squeeze %dma_start3A_530 : memref<1x8x128xf32, #tpu.memory_space<vmem>> -> memref<8x128xf32, #tpu.memory_space<vmem>>
        tpu.enqueue_dma source(%dma_start3A_531 : memref<8x128xf32, #tpu.memory_space<vmem>>) target(%dma_start3A_527 : memref<8x128xf32, #tpu.memory_space<hbm>>) target_semaphore(%arg13 : memref<!tpu.dma_semaphore, #tpu.memory_space<semaphore_mem>>)
        %mul3A_532 = arith.constant 2 : i32
        %mul3A_533 = arith.muli %mul3A_532, %scan3A_367 : i32
        %add3A_534 = arith.constant 1 : i32
        %add3A_535 = arith.addi %mul3A_533, %add3A_534 : i32
        %lt3A_536 = arith.constant 49 : i32
        %lt3A_537 = arith.cmpi slt, %add3A_535, %lt3A_536 : i32
        %convert_element_type3A_538 = arith.extui %lt3A_537 : i1 to i32
        %cond3A_539 = arith.constant 0 : i32
        %cond3A_540 = arith.cmpi ne, %convert_element_type3A_538, %cond3A_539 : i32
        scf.if %cond3A_540 {
          %add3A_700 = arith.constant 1 : i32
          %add3A_701 = arith.addi %add3A_535, %add3A_700 : i32
          %dma_start3A_702 = arith.constant 0 : i32
          %dma_start3A_703 = tpu.memref_slice %arg6[%add3A_701, %dma_start3A_702] : memref<50x128xi32, #tpu.memory_space<vmem>> -> memref<1x128xi32, #tpu.memory_space<vmem>>
          %dma_start3A_704 = tpu.memref_squeeze %dma_start3A_703 : memref<1x128xi32, #tpu.memory_space<vmem>> -> memref<128xi32, #tpu.memory_space<vmem>>
          %dma_start3A_705 = arith.constant 0 : i32
          %dma_start3A_706 = arith.constant 0 : i32
          %dma_start3A_707 = tpu.memref_slice %arg3[%dma_start3A_705, %dma_start3A_706] : memref<1000000x64xf32, #tpu.memory_space<hbm>> -> memref<1000000x64xf32, #tpu.memory_space<hbm>>
          tpu.enqueue_indirect_dma source(%dma_start3A_707 : memref<1000000x64xf32, #tpu.memory_space<hbm>>) target(%arg7 : memref<128x64xf32, #tpu.memory_space<vmem>>) offsets(%dma_start3A_704 : memref<128xi32, #tpu.memory_space<vmem>>) semaphore(%arg11 : memref<!tpu.dma_semaphore, #tpu.memory_space<semaphore_mem>>)
        } else {
        }
        %dma_wait3A_541 = arith.constant 0 : i32
        %dma_wait3A_542 = arith.constant 0 : i32
        %dma_wait3A_543 = tpu.memref_slice %arg6[%dma_wait3A_541, %dma_wait3A_542] : memref<50x128xi32, #tpu.memory_space<vmem>> -> memref<1x128xi32, #tpu.memory_space<vmem>>
        %dma_wait3A_544 = tpu.memref_squeeze %dma_wait3A_543 : memref<1x128xi32, #tpu.memory_space<vmem>> -> memref<128xi32, #tpu.memory_space<vmem>>
        %dma_wait3A_545 = arith.constant 0 : i32
        %dma_wait3A_546 = arith.constant 0 : i32
        %dma_wait3A_547 = tpu.memref_slice %arg3[%dma_wait3A_545, %dma_wait3A_546] : memref<1000000x64xf32, #tpu.memory_space<hbm>> -> memref<1000000x64xf32, #tpu.memory_space<hbm>>
        tpu.wait_indirect_dma semaphore(%arg12 : memref<!tpu.dma_semaphore, #tpu.memory_space<semaphore_mem>>) src(%dma_wait3A_547 : memref<1000000x64xf32, #tpu.memory_space<hbm>>) dst(%arg8 : memref<128x64xf32, #tpu.memory_space<vmem>>)
        %ge3A_548 = arith.constant 2 : i32
        %ge3A_549 = arith.cmpi sge, %add3A_535, %ge3A_548 : i32
        %convert_element_type3A_550 = arith.extui %ge3A_549 : i1 to i32
        %cond3A_551 = arith.constant 0 : i32
        %cond3A_552 = arith.cmpi ne, %convert_element_type3A_550, %cond3A_551 : i32
        scf.if %cond3A_552 {
          %dma_wait3A_700 = arith.constant 0 : i32
          %dma_wait3A_701 = arith.constant 0 : i32
          %dma_wait3A_702 = arith.constant 0 : i32
          %dma_wait3A_703 = arith.constant 0 : i32
          %dma_wait3A_704 = arith.constant 0 : i32
          %dma_wait3A_705 = arith.constant 0 : i32
          %dma_wait3A_706 = tpu.memref_slice %arg10[%dma_wait3A_700, %dma_wait3A_704, %dma_wait3A_705] : memref<8x8x128xf32, #tpu.memory_space<vmem>> -> memref<1x8x128xf32, #tpu.memory_space<vmem>>
          %dma_wait3A_707 = tpu.memref_squeeze %dma_wait3A_706 : memref<1x8x128xf32, #tpu.memory_space<vmem>> -> memref<8x128xf32, #tpu.memory_space<vmem>>
          %dma_wait3A_708 = arith.constant 0 : i32
          %dma_wait3A_709 = arith.constant 0 : i32
          %dma_wait3A_710 = tpu.memref_slice %arg4[%dma_wait3A_701, %dma_wait3A_702, %dma_wait3A_703, %dma_wait3A_708, %dma_wait3A_709] : memref<50x8x128x8x128xf32, #tpu.memory_space<hbm>> -> memref<1x1x1x8x128xf32, #tpu.memory_space<hbm>>
          %dma_wait3A_711 = tpu.memref_squeeze %dma_wait3A_710 : memref<1x1x1x8x128xf32, #tpu.memory_space<hbm>> -> memref<8x128xf32, #tpu.memory_space<hbm>>
          %dma_wait3A_712 = arith.constant 0 : i32
          %dma_wait3A_713 = arith.constant 0 : i32
          %dma_wait3A_714 = tpu.memref_slice %arg4[%dma_wait3A_701, %dma_wait3A_702, %dma_wait3A_703, %dma_wait3A_712, %dma_wait3A_713] : memref<50x8x128x8x128xf32, #tpu.memory_space<hbm>> -> memref<1x1x1x8x128xf32, #tpu.memory_space<hbm>>
          %dma_wait3A_715 = tpu.memref_squeeze %dma_wait3A_714 : memref<1x1x1x8x128xf32, #tpu.memory_space<hbm>> -> memref<8x128xf32, #tpu.memory_space<hbm>>
          %dma_wait3A_716 = arith.constant 0 : i32
          %dma_wait3A_717 = arith.constant 0 : i32
          %dma_wait3A_718 = tpu.memref_slice %arg10[%dma_wait3A_700, %dma_wait3A_716, %dma_wait3A_717] : memref<8x8x128xf32, #tpu.memory_space<vmem>> -> memref<1x8x128xf32, #tpu.memory_space<vmem>>
          %dma_wait3A_719 = tpu.memref_squeeze %dma_wait3A_718 : memref<1x8x128xf32, #tpu.memory_space<vmem>> -> memref<8x128xf32, #tpu.memory_space<vmem>>
          tpu.wait_dma2 semaphore(%arg14 : memref<!tpu.dma_semaphore, #tpu.memory_space<semaphore_mem>>) src(%dma_wait3A_719 : memref<8x128xf32, #tpu.memory_space<vmem>>) dst(%dma_wait3A_715 : memref<8x128xf32, #tpu.memory_space<hbm>>)
          %dma_wait3A_720 = arith.constant 1 : i32
          %dma_wait3A_721 = arith.constant 0 : i32
          %dma_wait3A_722 = arith.constant 1 : i32
          %dma_wait3A_723 = arith.constant 0 : i32
          %dma_wait3A_724 = arith.constant 0 : i32
          %dma_wait3A_725 = arith.constant 0 : i32
          %dma_wait3A_726 = tpu.memref_slice %arg10[%dma_wait3A_720, %dma_wait3A_724, %dma_wait3A_725] : memref<8x8x128xf32, #tpu.memory_space<vmem>> -> memref<1x8x128xf32, #tpu.memory_space<vmem>>
          %dma_wait3A_727 = tpu.memref_squeeze %dma_wait3A_726 : memref<1x8x128xf32, #tpu.memory_space<vmem>> -> memref<8x128xf32, #tpu.memory_space<vmem>>
          %dma_wait3A_728 = arith.constant 0 : i32
          %dma_wait3A_729 = arith.constant 0 : i32
          %dma_wait3A_730 = tpu.memref_slice %arg4[%dma_wait3A_721, %dma_wait3A_722, %dma_wait3A_723, %dma_wait3A_728, %dma_wait3A_729] : memref<50x8x128x8x128xf32, #tpu.memory_space<hbm>> -> memref<1x1x1x8x128xf32, #tpu.memory_space<hbm>>
          %dma_wait3A_731 = tpu.memref_squeeze %dma_wait3A_730 : memref<1x1x1x8x128xf32, #tpu.memory_space<hbm>> -> memref<8x128xf32, #tpu.memory_space<hbm>>
          %dma_wait3A_732 = arith.constant 0 : i32
          %dma_wait3A_733 = arith.constant 0 : i32
          %dma_wait3A_734 = tpu.memref_slice %arg4[%dma_wait3A_721, %dma_wait3A_722, %dma_wait3A_723, %dma_wait3A_732, %dma_wait3A_733] : memref<50x8x128x8x128xf32, #tpu.memory_space<hbm>> -> memref<1x1x1x8x128xf32, #tpu.memory_space<hbm>>
          %dma_wait3A_735 = tpu.memref_squeeze %dma_wait3A_734 : memref<1x1x1x8x128xf32, #tpu.memory_space<hbm>> -> memref<8x128xf32, #tpu.memory_space<hbm>>
          %dma_wait3A_736 = arith.constant 0 : i32
          %dma_wait3A_737 = arith.constant 0 : i32
          %dma_wait3A_738 = tpu.memref_slice %arg10[%dma_wait3A_720, %dma_wait3A_736, %dma_wait3A_737] : memref<8x8x128xf32, #tpu.memory_space<vmem>> -> memref<1x8x128xf32, #tpu.memory_space<vmem>>
          %dma_wait3A_739 = tpu.memref_squeeze %dma_wait3A_738 : memref<1x8x128xf32, #tpu.memory_space<vmem>> -> memref<8x128xf32, #tpu.memory_space<vmem>>
          tpu.wait_dma2 semaphore(%arg14 : memref<!tpu.dma_semaphore, #tpu.memory_space<semaphore_mem>>) src(%dma_wait3A_739 : memref<8x128xf32, #tpu.memory_space<vmem>>) dst(%dma_wait3A_735 : memref<8x128xf32, #tpu.memory_space<hbm>>)
          %dma_wait3A_740 = arith.constant 2 : i32
          %dma_wait3A_741 = arith.constant 0 : i32
          %dma_wait3A_742 = arith.constant 2 : i32
          %dma_wait3A_743 = arith.constant 0 : i32
          %dma_wait3A_744 = arith.constant 0 : i32
          %dma_wait3A_745 = arith.constant 0 : i32
          %dma_wait3A_746 = tpu.memref_slice %arg10[%dma_wait3A_740, %dma_wait3A_744, %dma_wait3A_745] : memref<8x8x128xf32, #tpu.memory_space<vmem>> -> memref<1x8x128xf32, #tpu.memory_space<vmem>>
          %dma_wait3A_747 = tpu.memref_squeeze %dma_wait3A_746 : memref<1x8x128xf32, #tpu.memory_space<vmem>> -> memref<8x128xf32, #tpu.memory_space<vmem>>
          %dma_wait3A_748 = arith.constant 0 : i32
          %dma_wait3A_749 = arith.constant 0 : i32
          %dma_wait3A_750 = tpu.memref_slice %arg4[%dma_wait3A_741, %dma_wait3A_742, %dma_wait3A_743, %dma_wait3A_748, %dma_wait3A_749] : memref<50x8x128x8x128xf32, #tpu.memory_space<hbm>> -> memref<1x1x1x8x128xf32, #tpu.memory_space<hbm>>
          %dma_wait3A_751 = tpu.memref_squeeze %dma_wait3A_750 : memref<1x1x1x8x128xf32, #tpu.memory_space<hbm>> -> memref<8x128xf32, #tpu.memory_space<hbm>>
          %dma_wait3A_752 = arith.constant 0 : i32
          %dma_wait3A_753 = arith.constant 0 : i32
          %dma_wait3A_754 = tpu.memref_slice %arg4[%dma_wait3A_741, %dma_wait3A_742, %dma_wait3A_743, %dma_wait3A_752, %dma_wait3A_753] : memref<50x8x128x8x128xf32, #tpu.memory_space<hbm>> -> memref<1x1x1x8x128xf32, #tpu.memory_space<hbm>>
          %dma_wait3A_755 = tpu.memref_squeeze %dma_wait3A_754 : memref<1x1x1x8x128xf32, #tpu.memory_space<hbm>> -> memref<8x128xf32, #tpu.memory_space<hbm>>
          %dma_wait3A_756 = arith.constant 0 : i32
          %dma_wait3A_757 = arith.constant 0 : i32
          %dma_wait3A_758 = tpu.memref_slice %arg10[%dma_wait3A_740, %dma_wait3A_756, %dma_wait3A_757] : memref<8x8x128xf32, #tpu.memory_space<vmem>> -> memref<1x8x128xf32, #tpu.memory_space<vmem>>
          %dma_wait3A_759 = tpu.memref_squeeze %dma_wait3A_758 : memref<1x8x128xf32, #tpu.memory_space<vmem>> -> memref<8x128xf32, #tpu.memory_space<vmem>>
          tpu.wait_dma2 semaphore(%arg14 : memref<!tpu.dma_semaphore, #tpu.memory_space<semaphore_mem>>) src(%dma_wait3A_759 : memref<8x128xf32, #tpu.memory_space<vmem>>) dst(%dma_wait3A_755 : memref<8x128xf32, #tpu.memory_space<hbm>>)
          %dma_wait3A_760 = arith.constant 3 : i32
          %dma_wait3A_761 = arith.constant 0 : i32
          %dma_wait3A_762 = arith.constant 3 : i32
          %dma_wait3A_763 = arith.constant 0 : i32
          %dma_wait3A_764 = arith.constant 0 : i32
          %dma_wait3A_765 = arith.constant 0 : i32
          %dma_wait3A_766 = tpu.memref_slice %arg10[%dma_wait3A_760, %dma_wait3A_764, %dma_wait3A_765] : memref<8x8x128xf32, #tpu.memory_space<vmem>> -> memref<1x8x128xf32, #tpu.memory_space<vmem>>
          %dma_wait3A_767 = tpu.memref_squeeze %dma_wait3A_766 : memref<1x8x128xf32, #tpu.memory_space<vmem>> -> memref<8x128xf32, #tpu.memory_space<vmem>>
          %dma_wait3A_768 = arith.constant 0 : i32
          %dma_wait3A_769 = arith.constant 0 : i32
          %dma_wait3A_770 = tpu.memref_slice %arg4[%dma_wait3A_761, %dma_wait3A_762, %dma_wait3A_763, %dma_wait3A_768, %dma_wait3A_769] : memref<50x8x128x8x128xf32, #tpu.memory_space<hbm>> -> memref<1x1x1x8x128xf32, #tpu.memory_space<hbm>>
          %dma_wait3A_771 = tpu.memref_squeeze %dma_wait3A_770 : memref<1x1x1x8x128xf32, #tpu.memory_space<hbm>> -> memref<8x128xf32, #tpu.memory_space<hbm>>
          %dma_wait3A_772 = arith.constant 0 : i32
          %dma_wait3A_773 = arith.constant 0 : i32
          %dma_wait3A_774 = tpu.memref_slice %arg4[%dma_wait3A_761, %dma_wait3A_762, %dma_wait3A_763, %dma_wait3A_772, %dma_wait3A_773] : memref<50x8x128x8x128xf32, #tpu.memory_space<hbm>> -> memref<1x1x1x8x128xf32, #tpu.memory_space<hbm>>
          %dma_wait3A_775 = tpu.memref_squeeze %dma_wait3A_774 : memref<1x1x1x8x128xf32, #tpu.memory_space<hbm>> -> memref<8x128xf32, #tpu.memory_space<hbm>>
          %dma_wait3A_776 = arith.constant 0 : i32
          %dma_wait3A_777 = arith.constant 0 : i32
          %dma_wait3A_778 = tpu.memref_slice %arg10[%dma_wait3A_760, %dma_wait3A_776, %dma_wait3A_777] : memref<8x8x128xf32, #tpu.memory_space<vmem>> -> memref<1x8x128xf32, #tpu.memory_space<vmem>>
          %dma_wait3A_779 = tpu.memref_squeeze %dma_wait3A_778 : memref<1x8x128xf32, #tpu.memory_space<vmem>> -> memref<8x128xf32, #tpu.memory_space<vmem>>
          tpu.wait_dma2 semaphore(%arg14 : memref<!tpu.dma_semaphore, #tpu.memory_space<semaphore_mem>>) src(%dma_wait3A_779 : memref<8x128xf32, #tpu.memory_space<vmem>>) dst(%dma_wait3A_775 : memref<8x128xf32, #tpu.memory_space<hbm>>)
          %dma_wait3A_780 = arith.constant 4 : i32
          %dma_wait3A_781 = arith.constant 0 : i32
          %dma_wait3A_782 = arith.constant 4 : i32
          %dma_wait3A_783 = arith.constant 0 : i32
          %dma_wait3A_784 = arith.constant 0 : i32
          %dma_wait3A_785 = arith.constant 0 : i32
          %dma_wait3A_786 = tpu.memref_slice %arg10[%dma_wait3A_780, %dma_wait3A_784, %dma_wait3A_785] : memref<8x8x128xf32, #tpu.memory_space<vmem>> -> memref<1x8x128xf32, #tpu.memory_space<vmem>>
          %dma_wait3A_787 = tpu.memref_squeeze %dma_wait3A_786 : memref<1x8x128xf32, #tpu.memory_space<vmem>> -> memref<8x128xf32, #tpu.memory_space<vmem>>
          %dma_wait3A_788 = arith.constant 0 : i32
          %dma_wait3A_789 = arith.constant 0 : i32
          %dma_wait3A_790 = tpu.memref_slice %arg4[%dma_wait3A_781, %dma_wait3A_782, %dma_wait3A_783, %dma_wait3A_788, %dma_wait3A_789] : memref<50x8x128x8x128xf32, #tpu.memory_space<hbm>> -> memref<1x1x1x8x128xf32, #tpu.memory_space<hbm>>
          %dma_wait3A_791 = tpu.memref_squeeze %dma_wait3A_790 : memref<1x1x1x8x128xf32, #tpu.memory_space<hbm>> -> memref<8x128xf32, #tpu.memory_space<hbm>>
          %dma_wait3A_792 = arith.constant 0 : i32
          %dma_wait3A_793 = arith.constant 0 : i32
          %dma_wait3A_794 = tpu.memref_slice %arg4[%dma_wait3A_781, %dma_wait3A_782, %dma_wait3A_783, %dma_wait3A_792, %dma_wait3A_793] : memref<50x8x128x8x128xf32, #tpu.memory_space<hbm>> -> memref<1x1x1x8x128xf32, #tpu.memory_space<hbm>>
          %dma_wait3A_795 = tpu.memref_squeeze %dma_wait3A_794 : memref<1x1x1x8x128xf32, #tpu.memory_space<hbm>> -> memref<8x128xf32, #tpu.memory_space<hbm>>
          %dma_wait3A_796 = arith.constant 0 : i32
          %dma_wait3A_797 = arith.constant 0 : i32
          %dma_wait3A_798 = tpu.memref_slice %arg10[%dma_wait3A_780, %dma_wait3A_796, %dma_wait3A_797] : memref<8x8x128xf32, #tpu.memory_space<vmem>> -> memref<1x8x128xf32, #tpu.memory_space<vmem>>
          %dma_wait3A_799 = tpu.memref_squeeze %dma_wait3A_798 : memref<1x8x128xf32, #tpu.memory_space<vmem>> -> memref<8x128xf32, #tpu.memory_space<vmem>>
          tpu.wait_dma2 semaphore(%arg14 : memref<!tpu.dma_semaphore, #tpu.memory_space<semaphore_mem>>) src(%dma_wait3A_799 : memref<8x128xf32, #tpu.memory_space<vmem>>) dst(%dma_wait3A_795 : memref<8x128xf32, #tpu.memory_space<hbm>>)
          %dma_wait3A_800 = arith.constant 5 : i32
          %dma_wait3A_801 = arith.constant 0 : i32
          %dma_wait3A_802 = arith.constant 5 : i32
          %dma_wait3A_803 = arith.constant 0 : i32
          %dma_wait3A_804 = arith.constant 0 : i32
          %dma_wait3A_805 = arith.constant 0 : i32
          %dma_wait3A_806 = tpu.memref_slice %arg10[%dma_wait3A_800, %dma_wait3A_804, %dma_wait3A_805] : memref<8x8x128xf32, #tpu.memory_space<vmem>> -> memref<1x8x128xf32, #tpu.memory_space<vmem>>
          %dma_wait3A_807 = tpu.memref_squeeze %dma_wait3A_806 : memref<1x8x128xf32, #tpu.memory_space<vmem>> -> memref<8x128xf32, #tpu.memory_space<vmem>>
          %dma_wait3A_808 = arith.constant 0 : i32
          %dma_wait3A_809 = arith.constant 0 : i32
          %dma_wait3A_810 = tpu.memref_slice %arg4[%dma_wait3A_801, %dma_wait3A_802, %dma_wait3A_803, %dma_wait3A_808, %dma_wait3A_809] : memref<50x8x128x8x128xf32, #tpu.memory_space<hbm>> -> memref<1x1x1x8x128xf32, #tpu.memory_space<hbm>>
          %dma_wait3A_811 = tpu.memref_squeeze %dma_wait3A_810 : memref<1x1x1x8x128xf32, #tpu.memory_space<hbm>> -> memref<8x128xf32, #tpu.memory_space<hbm>>
          %dma_wait3A_812 = arith.constant 0 : i32
          %dma_wait3A_813 = arith.constant 0 : i32
          %dma_wait3A_814 = tpu.memref_slice %arg4[%dma_wait3A_801, %dma_wait3A_802, %dma_wait3A_803, %dma_wait3A_812, %dma_wait3A_813] : memref<50x8x128x8x128xf32, #tpu.memory_space<hbm>> -> memref<1x1x1x8x128xf32, #tpu.memory_space<hbm>>
          %dma_wait3A_815 = tpu.memref_squeeze %dma_wait3A_814 : memref<1x1x1x8x128xf32, #tpu.memory_space<hbm>> -> memref<8x128xf32, #tpu.memory_space<hbm>>
          %dma_wait3A_816 = arith.constant 0 : i32
          %dma_wait3A_817 = arith.constant 0 : i32
          %dma_wait3A_818 = tpu.memref_slice %arg10[%dma_wait3A_800, %dma_wait3A_816, %dma_wait3A_817] : memref<8x8x128xf32, #tpu.memory_space<vmem>> -> memref<1x8x128xf32, #tpu.memory_space<vmem>>
          %dma_wait3A_819 = tpu.memref_squeeze %dma_wait3A_818 : memref<1x8x128xf32, #tpu.memory_space<vmem>> -> memref<8x128xf32, #tpu.memory_space<vmem>>
          tpu.wait_dma2 semaphore(%arg14 : memref<!tpu.dma_semaphore, #tpu.memory_space<semaphore_mem>>) src(%dma_wait3A_819 : memref<8x128xf32, #tpu.memory_space<vmem>>) dst(%dma_wait3A_815 : memref<8x128xf32, #tpu.memory_space<hbm>>)
          %dma_wait3A_820 = arith.constant 6 : i32
          %dma_wait3A_821 = arith.constant 0 : i32
          %dma_wait3A_822 = arith.constant 6 : i32
          %dma_wait3A_823 = arith.constant 0 : i32
          %dma_wait3A_824 = arith.constant 0 : i32
          %dma_wait3A_825 = arith.constant 0 : i32
          %dma_wait3A_826 = tpu.memref_slice %arg10[%dma_wait3A_820, %dma_wait3A_824, %dma_wait3A_825] : memref<8x8x128xf32, #tpu.memory_space<vmem>> -> memref<1x8x128xf32, #tpu.memory_space<vmem>>
          %dma_wait3A_827 = tpu.memref_squeeze %dma_wait3A_826 : memref<1x8x128xf32, #tpu.memory_space<vmem>> -> memref<8x128xf32, #tpu.memory_space<vmem>>
          %dma_wait3A_828 = arith.constant 0 : i32
          %dma_wait3A_829 = arith.constant 0 : i32
          %dma_wait3A_830 = tpu.memref_slice %arg4[%dma_wait3A_821, %dma_wait3A_822, %dma_wait3A_823, %dma_wait3A_828, %dma_wait3A_829] : memref<50x8x128x8x128xf32, #tpu.memory_space<hbm>> -> memref<1x1x1x8x128xf32, #tpu.memory_space<hbm>>
          %dma_wait3A_831 = tpu.memref_squeeze %dma_wait3A_830 : memref<1x1x1x8x128xf32, #tpu.memory_space<hbm>> -> memref<8x128xf32, #tpu.memory_space<hbm>>
          %dma_wait3A_832 = arith.constant 0 : i32
          %dma_wait3A_833 = arith.constant 0 : i32
          %dma_wait3A_834 = tpu.memref_slice %arg4[%dma_wait3A_821, %dma_wait3A_822, %dma_wait3A_823, %dma_wait3A_832, %dma_wait3A_833] : memref<50x8x128x8x128xf32, #tpu.memory_space<hbm>> -> memref<1x1x1x8x128xf32, #tpu.memory_space<hbm>>
          %dma_wait3A_835 = tpu.memref_squeeze %dma_wait3A_834 : memref<1x1x1x8x128xf32, #tpu.memory_space<hbm>> -> memref<8x128xf32, #tpu.memory_space<hbm>>
          %dma_wait3A_836 = arith.constant 0 : i32
          %dma_wait3A_837 = arith.constant 0 : i32
          %dma_wait3A_838 = tpu.memref_slice %arg10[%dma_wait3A_820, %dma_wait3A_836, %dma_wait3A_837] : memref<8x8x128xf32, #tpu.memory_space<vmem>> -> memref<1x8x128xf32, #tpu.memory_space<vmem>>
          %dma_wait3A_839 = tpu.memref_squeeze %dma_wait3A_838 : memref<1x8x128xf32, #tpu.memory_space<vmem>> -> memref<8x128xf32, #tpu.memory_space<vmem>>
          tpu.wait_dma2 semaphore(%arg14 : memref<!tpu.dma_semaphore, #tpu.memory_space<semaphore_mem>>) src(%dma_wait3A_839 : memref<8x128xf32, #tpu.memory_space<vmem>>) dst(%dma_wait3A_835 : memref<8x128xf32, #tpu.memory_space<hbm>>)
          %dma_wait3A_840 = arith.constant 7 : i32
          %dma_wait3A_841 = arith.constant 0 : i32
          %dma_wait3A_842 = arith.constant 7 : i32
          %dma_wait3A_843 = arith.constant 0 : i32
          %dma_wait3A_844 = arith.constant 0 : i32
          %dma_wait3A_845 = arith.constant 0 : i32
          %dma_wait3A_846 = tpu.memref_slice %arg10[%dma_wait3A_840, %dma_wait3A_844, %dma_wait3A_845] : memref<8x8x128xf32, #tpu.memory_space<vmem>> -> memref<1x8x128xf32, #tpu.memory_space<vmem>>
          %dma_wait3A_847 = tpu.memref_squeeze %dma_wait3A_846 : memref<1x8x128xf32, #tpu.memory_space<vmem>> -> memref<8x128xf32, #tpu.memory_space<vmem>>
          %dma_wait3A_848 = arith.constant 0 : i32
          %dma_wait3A_849 = arith.constant 0 : i32
          %dma_wait3A_850 = tpu.memref_slice %arg4[%dma_wait3A_841, %dma_wait3A_842, %dma_wait3A_843, %dma_wait3A_848, %dma_wait3A_849] : memref<50x8x128x8x128xf32, #tpu.memory_space<hbm>> -> memref<1x1x1x8x128xf32, #tpu.memory_space<hbm>>
          %dma_wait3A_851 = tpu.memref_squeeze %dma_wait3A_850 : memref<1x1x1x8x128xf32, #tpu.memory_space<hbm>> -> memref<8x128xf32, #tpu.memory_space<hbm>>
          %dma_wait3A_852 = arith.constant 0 : i32
          %dma_wait3A_853 = arith.constant 0 : i32
          %dma_wait3A_854 = tpu.memref_slice %arg4[%dma_wait3A_841, %dma_wait3A_842, %dma_wait3A_843, %dma_wait3A_852, %dma_wait3A_853] : memref<50x8x128x8x128xf32, #tpu.memory_space<hbm>> -> memref<1x1x1x8x128xf32, #tpu.memory_space<hbm>>
          %dma_wait3A_855 = tpu.memref_squeeze %dma_wait3A_854 : memref<1x1x1x8x128xf32, #tpu.memory_space<hbm>> -> memref<8x128xf32, #tpu.memory_space<hbm>>
          %dma_wait3A_856 = arith.constant 0 : i32
          %dma_wait3A_857 = arith.constant 0 : i32
          %dma_wait3A_858 = tpu.memref_slice %arg10[%dma_wait3A_840, %dma_wait3A_856, %dma_wait3A_857] : memref<8x8x128xf32, #tpu.memory_space<vmem>> -> memref<1x8x128xf32, #tpu.memory_space<vmem>>
          %dma_wait3A_859 = tpu.memref_squeeze %dma_wait3A_858 : memref<1x8x128xf32, #tpu.memory_space<vmem>> -> memref<8x128xf32, #tpu.memory_space<vmem>>
          tpu.wait_dma2 semaphore(%arg14 : memref<!tpu.dma_semaphore, #tpu.memory_space<semaphore_mem>>) src(%dma_wait3A_859 : memref<8x128xf32, #tpu.memory_space<vmem>>) dst(%dma_wait3A_855 : memref<8x128xf32, #tpu.memory_space<hbm>>)
        } else {
        }
        %parallel_loop3A_553 = arith.constant 0 : i32
        %parallel_loop3A_554 = arith.constant 512 : i32
        %parallel_loop3A_555 = arith.constant 1 : i32
        scf.for %parallel_loop3A_700 = %parallel_loop3A_553 to %parallel_loop3A_554 step %parallel_loop3A_555  : i32 {
          %parallel_loop3A_701 = arith.constant 8 : i32
          %parallel_loop3A_702 = arith.divsi %parallel_loop3A_700, %parallel_loop3A_701 : i32
          %parallel_loop3A_703 = arith.constant 0 : i32
          %parallel_loop3A_704 = arith.cmpi sgt, %parallel_loop3A_700, %parallel_loop3A_703 : i32
          %parallel_loop3A_705 = arith.extui %parallel_loop3A_704 : i1 to i32
          %parallel_loop3A_706 = arith.constant 0 : i32
          %parallel_loop3A_707 = arith.cmpi slt, %parallel_loop3A_700, %parallel_loop3A_706 : i32
          %parallel_loop3A_708 = arith.extui %parallel_loop3A_707 : i1 to i32
          %parallel_loop3A_709 = arith.subi %parallel_loop3A_705, %parallel_loop3A_708 : i32
          %parallel_loop3A_710 = arith.constant 0 : i32
          %parallel_loop3A_711 = arith.cmpi sgt, %parallel_loop3A_701, %parallel_loop3A_710 : i32
          %parallel_loop3A_712 = arith.extui %parallel_loop3A_711 : i1 to i32
          %parallel_loop3A_713 = arith.constant 0 : i32
          %parallel_loop3A_714 = arith.cmpi slt, %parallel_loop3A_701, %parallel_loop3A_713 : i32
          %parallel_loop3A_715 = arith.extui %parallel_loop3A_714 : i1 to i32
          %parallel_loop3A_716 = arith.subi %parallel_loop3A_712, %parallel_loop3A_715 : i32
          %parallel_loop3A_717 = arith.cmpi ne, %parallel_loop3A_709, %parallel_loop3A_716 : i32
          %parallel_loop3A_718 = arith.remsi %parallel_loop3A_700, %parallel_loop3A_701 : i32
          %parallel_loop3A_719 = arith.constant 0 : i32
          %parallel_loop3A_720 = arith.cmpi ne, %parallel_loop3A_718, %parallel_loop3A_719 : i32
          %parallel_loop3A_721 = arith.andi %parallel_loop3A_717, %parallel_loop3A_720 : i1
          %parallel_loop3A_722 = arith.constant 1 : i32
          %parallel_loop3A_723 = arith.subi %parallel_loop3A_702, %parallel_loop3A_722 : i32
          %parallel_loop3A_724 = arith.select %parallel_loop3A_721, %parallel_loop3A_723, %parallel_loop3A_702 : i32
          %parallel_loop3A_725 = arith.constant 8 : i32
          %parallel_loop3A_726 = arith.muli %parallel_loop3A_725, %parallel_loop3A_724 : i32
          %parallel_loop3A_727 = arith.subi %parallel_loop3A_700, %parallel_loop3A_726 : i32
          %parallel_loop3A_728 = arith.constant 8 : i32
          %parallel_loop3A_729 = arith.divsi %parallel_loop3A_724, %parallel_loop3A_728 : i32
          %parallel_loop3A_730 = arith.constant 0 : i32
          %parallel_loop3A_731 = arith.cmpi sgt, %parallel_loop3A_724, %parallel_loop3A_730 : i32
          %parallel_loop3A_732 = arith.extui %parallel_loop3A_731 : i1 to i32
          %parallel_loop3A_733 = arith.constant 0 : i32
          %parallel_loop3A_734 = arith.cmpi slt, %parallel_loop3A_724, %parallel_loop3A_733 : i32
          %parallel_loop3A_735 = arith.extui %parallel_loop3A_734 : i1 to i32
          %parallel_loop3A_736 = arith.subi %parallel_loop3A_732, %parallel_loop3A_735 : i32
          %parallel_loop3A_737 = arith.constant 0 : i32
          %parallel_loop3A_738 = arith.cmpi sgt, %parallel_loop3A_728, %parallel_loop3A_737 : i32
          %parallel_loop3A_739 = arith.extui %parallel_loop3A_738 : i1 to i32
          %parallel_loop3A_740 = arith.constant 0 : i32
          %parallel_loop3A_741 = arith.cmpi slt, %parallel_loop3A_728, %parallel_loop3A_740 : i32
          %parallel_loop3A_742 = arith.extui %parallel_loop3A_741 : i1 to i32
          %parallel_loop3A_743 = arith.subi %parallel_loop3A_739, %parallel_loop3A_742 : i32
          %parallel_loop3A_744 = arith.cmpi ne, %parallel_loop3A_736, %parallel_loop3A_743 : i32
          %parallel_loop3A_745 = arith.remsi %parallel_loop3A_724, %parallel_loop3A_728 : i32
          %parallel_loop3A_746 = arith.constant 0 : i32
          %parallel_loop3A_747 = arith.cmpi ne, %parallel_loop3A_745, %parallel_loop3A_746 : i32
          %parallel_loop3A_748 = arith.andi %parallel_loop3A_744, %parallel_loop3A_747 : i1
          %parallel_loop3A_749 = arith.constant 1 : i32
          %parallel_loop3A_750 = arith.subi %parallel_loop3A_729, %parallel_loop3A_749 : i32
          %parallel_loop3A_751 = arith.select %parallel_loop3A_748, %parallel_loop3A_750, %parallel_loop3A_729 : i32
          %parallel_loop3A_752 = arith.constant 8 : i32
          %parallel_loop3A_753 = arith.muli %parallel_loop3A_752, %parallel_loop3A_751 : i32
          %parallel_loop3A_754 = arith.subi %parallel_loop3A_724, %parallel_loop3A_753 : i32
          %parallel_loop3A_755 = arith.constant 0 : i32
          %parallel_loop3A_756 = vector.broadcast %parallel_loop3A_755 : i32 to vector<16xi32>
          %parallel_loop3A_757 = vector.broadcast %parallel_loop3A_724 : i32 to vector<16xi32>
          %parallel_loop3A_758 = arith.addi %parallel_loop3A_756, %parallel_loop3A_757 : vector<16xi32>
          %parallel_loop3A_759 = arith.constant 0 : i32
          %parallel_loop3A_760 = vector.broadcast %parallel_loop3A_759 : i32 to vector<16xi32>
          %parallel_loop3A_761 = arith.constant 16 : i32
          %parallel_loop3A_762 = arith.muli %parallel_loop3A_727, %parallel_loop3A_761 : i32
          %parallel_loop3A_763 = vector.broadcast %parallel_loop3A_762 : i32 to vector<16xi32>
          %parallel_loop3A_764 = arith.addi %parallel_loop3A_760, %parallel_loop3A_763 : vector<16xi32>
          %parallel_loop3A_765 = arith.addi %parallel_loop3A_764, %iota3A : vector<16xi32>
          %parallel_loop3A_766 = tpu.vector_load_idx %arg8[%parallel_loop3A_765, %parallel_loop3A_758] : memref<128x64xf32, #tpu.memory_space<vmem>>[vector<16xi32>, vector<16xi32>], vector<16xf32>,
          %parallel_loop3A_767 = arith.constant 16 : i32
          %parallel_loop3A_768 = arith.muli %parallel_loop3A_727, %parallel_loop3A_767 : i32
          %parallel_loop3A_769 = arith.index_cast %parallel_loop3A_751 : i32 to index
          %parallel_loop3A_770 = arith.index_cast %parallel_loop3A_754 : i32 to index
          %parallel_loop3A_771 = arith.index_cast %parallel_loop3A_768 : i32 to index
          %parallel_loop3A_772 = tpu.vector_load %arg10[%parallel_loop3A_769, %parallel_loop3A_770, %parallel_loop3A_771] {strides = array<i32>} : memref<8x8x128xf32, #tpu.memory_space<vmem>>, vector<16xf32>,
          tpu.vector_store %arg10[%parallel_loop3A_769, %parallel_loop3A_770, %parallel_loop3A_771], %parallel_loop3A_766 {strides = array<i32>} : memref<8x8x128xf32, #tpu.memory_space<vmem>>, vector<16xf32>,
        } {sc.loop_unroll_factor = 16 : i64, sc.parallel_access}
        %dma_start3A_556 = arith.constant 0 : i32
        %dma_start3A_557 = arith.constant 0 : i32
        %dma_start3A_558 = arith.constant 0 : i32
        %dma_start3A_559 = arith.constant 0 : i32
        %dma_start3A_560 = tpu.memref_slice %arg10[%dma_start3A_556, %dma_start3A_558, %dma_start3A_559] : memref<8x8x128xf32, #tpu.memory_space<vmem>> -> memref<1x8x128xf32, #tpu.memory_space<vmem>>
        %dma_start3A_561 = tpu.memref_squeeze %dma_start3A_560 : memref<1x8x128xf32, #tpu.memory_space<vmem>> -> memref<8x128xf32, #tpu.memory_space<vmem>>
        %dma_start3A_562 = arith.constant 0 : i32
        %dma_start3A_563 = arith.constant 0 : i32
        %dma_start3A_564 = tpu.memref_slice %arg4[%add3A_535, %dma_start3A_557, %add3A_32, %dma_start3A_562, %dma_start3A_563] : memref<50x8x128x8x128xf32, #tpu.memory_space<hbm>> -> memref<1x1x1x8x128xf32, #tpu.memory_space<hbm>>
        %dma_start3A_565 = tpu.memref_squeeze %dma_start3A_564 : memref<1x1x1x8x128xf32, #tpu.memory_space<hbm>> -> memref<8x128xf32, #tpu.memory_space<hbm>>
        %dma_start3A_566 = arith.constant 0 : i32
        %dma_start3A_567 = arith.constant 0 : i32
        %dma_start3A_568 = tpu.memref_slice %arg4[%add3A_535, %dma_start3A_557, %add3A_32, %dma_start3A_566, %dma_start3A_567] : memref<50x8x128x8x128xf32, #tpu.memory_space<hbm>> -> memref<1x1x1x8x128xf32, #tpu.memory_space<hbm>>
        %dma_start3A_569 = tpu.memref_squeeze %dma_start3A_568 : memref<1x1x1x8x128xf32, #tpu.memory_space<hbm>> -> memref<8x128xf32, #tpu.memory_space<hbm>>
        %dma_start3A_570 = arith.constant 0 : i32
        %dma_start3A_571 = arith.constant 0 : i32
        %dma_start3A_572 = tpu.memref_slice %arg10[%dma_start3A_556, %dma_start3A_570, %dma_start3A_571] : memref<8x8x128xf32, #tpu.memory_space<vmem>> -> memref<1x8x128xf32, #tpu.memory_space<vmem>>
        %dma_start3A_573 = tpu.memref_squeeze %dma_start3A_572 : memref<1x8x128xf32, #tpu.memory_space<vmem>> -> memref<8x128xf32, #tpu.memory_space<vmem>>
        tpu.enqueue_dma source(%dma_start3A_573 : memref<8x128xf32, #tpu.memory_space<vmem>>) target(%dma_start3A_569 : memref<8x128xf32, #tpu.memory_space<hbm>>) target_semaphore(%arg14 : memref<!tpu.dma_semaphore, #tpu.memory_space<semaphore_mem>>)
        %dma_start3A_574 = arith.constant 1 : i32
        %dma_start3A_575 = arith.constant 1 : i32
        %dma_start3A_576 = arith.constant 0 : i32
        %dma_start3A_577 = arith.constant 0 : i32
        %dma_start3A_578 = tpu.memref_slice %arg10[%dma_start3A_574, %dma_start3A_576, %dma_start3A_577] : memref<8x8x128xf32, #tpu.memory_space<vmem>> -> memref<1x8x128xf32, #tpu.memory_space<vmem>>
        %dma_start3A_579 = tpu.memref_squeeze %dma_start3A_578 : memref<1x8x128xf32, #tpu.memory_space<vmem>> -> memref<8x128xf32, #tpu.memory_space<vmem>>
        %dma_start3A_580 = arith.constant 0 : i32
        %dma_start3A_581 = arith.constant 0 : i32
        %dma_start3A_582 = tpu.memref_slice %arg4[%add3A_535, %dma_start3A_575, %add3A_32, %dma_start3A_580, %dma_start3A_581] : memref<50x8x128x8x128xf32, #tpu.memory_space<hbm>> -> memref<1x1x1x8x128xf32, #tpu.memory_space<hbm>>
        %dma_start3A_583 = tpu.memref_squeeze %dma_start3A_582 : memref<1x1x1x8x128xf32, #tpu.memory_space<hbm>> -> memref<8x128xf32, #tpu.memory_space<hbm>>
        %dma_start3A_584 = arith.constant 0 : i32
        %dma_start3A_585 = arith.constant 0 : i32
        %dma_start3A_586 = tpu.memref_slice %arg4[%add3A_535, %dma_start3A_575, %add3A_32, %dma_start3A_584, %dma_start3A_585] : memref<50x8x128x8x128xf32, #tpu.memory_space<hbm>> -> memref<1x1x1x8x128xf32, #tpu.memory_space<hbm>>
        %dma_start3A_587 = tpu.memref_squeeze %dma_start3A_586 : memref<1x1x1x8x128xf32, #tpu.memory_space<hbm>> -> memref<8x128xf32, #tpu.memory_space<hbm>>
        %dma_start3A_588 = arith.constant 0 : i32
        %dma_start3A_589 = arith.constant 0 : i32
        %dma_start3A_590 = tpu.memref_slice %arg10[%dma_start3A_574, %dma_start3A_588, %dma_start3A_589] : memref<8x8x128xf32, #tpu.memory_space<vmem>> -> memref<1x8x128xf32, #tpu.memory_space<vmem>>
        %dma_start3A_591 = tpu.memref_squeeze %dma_start3A_590 : memref<1x8x128xf32, #tpu.memory_space<vmem>> -> memref<8x128xf32, #tpu.memory_space<vmem>>
        tpu.enqueue_dma source(%dma_start3A_591 : memref<8x128xf32, #tpu.memory_space<vmem>>) target(%dma_start3A_587 : memref<8x128xf32, #tpu.memory_space<hbm>>) target_semaphore(%arg14 : memref<!tpu.dma_semaphore, #tpu.memory_space<semaphore_mem>>)
        %dma_start3A_592 = arith.constant 2 : i32
        %dma_start3A_593 = arith.constant 2 : i32
        %dma_start3A_594 = arith.constant 0 : i32
        %dma_start3A_595 = arith.constant 0 : i32
        %dma_start3A_596 = tpu.memref_slice %arg10[%dma_start3A_592, %dma_start3A_594, %dma_start3A_595] : memref<8x8x128xf32, #tpu.memory_space<vmem>> -> memref<1x8x128xf32, #tpu.memory_space<vmem>>
        %dma_start3A_597 = tpu.memref_squeeze %dma_start3A_596 : memref<1x8x128xf32, #tpu.memory_space<vmem>> -> memref<8x128xf32, #tpu.memory_space<vmem>>
        %dma_start3A_598 = arith.constant 0 : i32
        %dma_start3A_599 = arith.constant 0 : i32
        %dma_start3A_600 = tpu.memref_slice %arg4[%add3A_535, %dma_start3A_593, %add3A_32, %dma_start3A_598, %dma_start3A_599] : memref<50x8x128x8x128xf32, #tpu.memory_space<hbm>> -> memref<1x1x1x8x128xf32, #tpu.memory_space<hbm>>
        %dma_start3A_601 = tpu.memref_squeeze %dma_start3A_600 : memref<1x1x1x8x128xf32, #tpu.memory_space<hbm>> -> memref<8x128xf32, #tpu.memory_space<hbm>>
        %dma_start3A_602 = arith.constant 0 : i32
        %dma_start3A_603 = arith.constant 0 : i32
        %dma_start3A_604 = tpu.memref_slice %arg4[%add3A_535, %dma_start3A_593, %add3A_32, %dma_start3A_602, %dma_start3A_603] : memref<50x8x128x8x128xf32, #tpu.memory_space<hbm>> -> memref<1x1x1x8x128xf32, #tpu.memory_space<hbm>>
        %dma_start3A_605 = tpu.memref_squeeze %dma_start3A_604 : memref<1x1x1x8x128xf32, #tpu.memory_space<hbm>> -> memref<8x128xf32, #tpu.memory_space<hbm>>
        %dma_start3A_606 = arith.constant 0 : i32
        %dma_start3A_607 = arith.constant 0 : i32
        %dma_start3A_608 = tpu.memref_slice %arg10[%dma_start3A_592, %dma_start3A_606, %dma_start3A_607] : memref<8x8x128xf32, #tpu.memory_space<vmem>> -> memref<1x8x128xf32, #tpu.memory_space<vmem>>
        %dma_start3A_609 = tpu.memref_squeeze %dma_start3A_608 : memref<1x8x128xf32, #tpu.memory_space<vmem>> -> memref<8x128xf32, #tpu.memory_space<vmem>>
        tpu.enqueue_dma source(%dma_start3A_609 : memref<8x128xf32, #tpu.memory_space<vmem>>) target(%dma_start3A_605 : memref<8x128xf32, #tpu.memory_space<hbm>>) target_semaphore(%arg14 : memref<!tpu.dma_semaphore, #tpu.memory_space<semaphore_mem>>)
        %dma_start3A_610 = arith.constant 3 : i32
        %dma_start3A_611 = arith.constant 3 : i32
        %dma_start3A_612 = arith.constant 0 : i32
        %dma_start3A_613 = arith.constant 0 : i32
        %dma_start3A_614 = tpu.memref_slice %arg10[%dma_start3A_610, %dma_start3A_612, %dma_start3A_613] : memref<8x8x128xf32, #tpu.memory_space<vmem>> -> memref<1x8x128xf32, #tpu.memory_space<vmem>>
        %dma_start3A_615 = tpu.memref_squeeze %dma_start3A_614 : memref<1x8x128xf32, #tpu.memory_space<vmem>> -> memref<8x128xf32, #tpu.memory_space<vmem>>
        %dma_start3A_616 = arith.constant 0 : i32
        %dma_start3A_617 = arith.constant 0 : i32
        %dma_start3A_618 = tpu.memref_slice %arg4[%add3A_535, %dma_start3A_611, %add3A_32, %dma_start3A_616, %dma_start3A_617] : memref<50x8x128x8x128xf32, #tpu.memory_space<hbm>> -> memref<1x1x1x8x128xf32, #tpu.memory_space<hbm>>
        %dma_start3A_619 = tpu.memref_squeeze %dma_start3A_618 : memref<1x1x1x8x128xf32, #tpu.memory_space<hbm>> -> memref<8x128xf32, #tpu.memory_space<hbm>>
        %dma_start3A_620 = arith.constant 0 : i32
        %dma_start3A_621 = arith.constant 0 : i32
        %dma_start3A_622 = tpu.memref_slice %arg4[%add3A_535, %dma_start3A_611, %add3A_32, %dma_start3A_620, %dma_start3A_621] : memref<50x8x128x8x128xf32, #tpu.memory_space<hbm>> -> memref<1x1x1x8x128xf32, #tpu.memory_space<hbm>>
        %dma_start3A_623 = tpu.memref_squeeze %dma_start3A_622 : memref<1x1x1x8x128xf32, #tpu.memory_space<hbm>> -> memref<8x128xf32, #tpu.memory_space<hbm>>
        %dma_start3A_624 = arith.constant 0 : i32
        %dma_start3A_625 = arith.constant 0 : i32
        %dma_start3A_626 = tpu.memref_slice %arg10[%dma_start3A_610, %dma_start3A_624, %dma_start3A_625] : memref<8x8x128xf32, #tpu.memory_space<vmem>> -> memref<1x8x128xf32, #tpu.memory_space<vmem>>
        %dma_start3A_627 = tpu.memref_squeeze %dma_start3A_626 : memref<1x8x128xf32, #tpu.memory_space<vmem>> -> memref<8x128xf32, #tpu.memory_space<vmem>>
        tpu.enqueue_dma source(%dma_start3A_627 : memref<8x128xf32, #tpu.memory_space<vmem>>) target(%dma_start3A_623 : memref<8x128xf32, #tpu.memory_space<hbm>>) target_semaphore(%arg14 : memref<!tpu.dma_semaphore, #tpu.memory_space<semaphore_mem>>)
        %dma_start3A_628 = arith.constant 4 : i32
        %dma_start3A_629 = arith.constant 4 : i32
        %dma_start3A_630 = arith.constant 0 : i32
        %dma_start3A_631 = arith.constant 0 : i32
        %dma_start3A_632 = tpu.memref_slice %arg10[%dma_start3A_628, %dma_start3A_630, %dma_start3A_631] : memref<8x8x128xf32, #tpu.memory_space<vmem>> -> memref<1x8x128xf32, #tpu.memory_space<vmem>>
        %dma_start3A_633 = tpu.memref_squeeze %dma_start3A_632 : memref<1x8x128xf32, #tpu.memory_space<vmem>> -> memref<8x128xf32, #tpu.memory_space<vmem>>
        %dma_start3A_634 = arith.constant 0 : i32
        %dma_start3A_635 = arith.constant 0 : i32
        %dma_start3A_636 = tpu.memref_slice %arg4[%add3A_535, %dma_start3A_629, %add3A_32, %dma_start3A_634, %dma_start3A_635] : memref<50x8x128x8x128xf32, #tpu.memory_space<hbm>> -> memref<1x1x1x8x128xf32, #tpu.memory_space<hbm>>
        %dma_start3A_637 = tpu.memref_squeeze %dma_start3A_636 : memref<1x1x1x8x128xf32, #tpu.memory_space<hbm>> -> memref<8x128xf32, #tpu.memory_space<hbm>>
        %dma_start3A_638 = arith.constant 0 : i32
        %dma_start3A_639 = arith.constant 0 : i32
        %dma_start3A_640 = tpu.memref_slice %arg4[%add3A_535, %dma_start3A_629, %add3A_32, %dma_start3A_638, %dma_start3A_639] : memref<50x8x128x8x128xf32, #tpu.memory_space<hbm>> -> memref<1x1x1x8x128xf32, #tpu.memory_space<hbm>>
        %dma_start3A_641 = tpu.memref_squeeze %dma_start3A_640 : memref<1x1x1x8x128xf32, #tpu.memory_space<hbm>> -> memref<8x128xf32, #tpu.memory_space<hbm>>
        %dma_start3A_642 = arith.constant 0 : i32
        %dma_start3A_643 = arith.constant 0 : i32
        %dma_start3A_644 = tpu.memref_slice %arg10[%dma_start3A_628, %dma_start3A_642, %dma_start3A_643] : memref<8x8x128xf32, #tpu.memory_space<vmem>> -> memref<1x8x128xf32, #tpu.memory_space<vmem>>
        %dma_start3A_645 = tpu.memref_squeeze %dma_start3A_644 : memref<1x8x128xf32, #tpu.memory_space<vmem>> -> memref<8x128xf32, #tpu.memory_space<vmem>>
        tpu.enqueue_dma source(%dma_start3A_645 : memref<8x128xf32, #tpu.memory_space<vmem>>) target(%dma_start3A_641 : memref<8x128xf32, #tpu.memory_space<hbm>>) target_semaphore(%arg14 : memref<!tpu.dma_semaphore, #tpu.memory_space<semaphore_mem>>)
        %dma_start3A_646 = arith.constant 5 : i32
        %dma_start3A_647 = arith.constant 5 : i32
        %dma_start3A_648 = arith.constant 0 : i32
        %dma_start3A_649 = arith.constant 0 : i32
        %dma_start3A_650 = tpu.memref_slice %arg10[%dma_start3A_646, %dma_start3A_648, %dma_start3A_649] : memref<8x8x128xf32, #tpu.memory_space<vmem>> -> memref<1x8x128xf32, #tpu.memory_space<vmem>>
        %dma_start3A_651 = tpu.memref_squeeze %dma_start3A_650 : memref<1x8x128xf32, #tpu.memory_space<vmem>> -> memref<8x128xf32, #tpu.memory_space<vmem>>
        %dma_start3A_652 = arith.constant 0 : i32
        %dma_start3A_653 = arith.constant 0 : i32
        %dma_start3A_654 = tpu.memref_slice %arg4[%add3A_535, %dma_start3A_647, %add3A_32, %dma_start3A_652, %dma_start3A_653] : memref<50x8x128x8x128xf32, #tpu.memory_space<hbm>> -> memref<1x1x1x8x128xf32, #tpu.memory_space<hbm>>
        %dma_start3A_655 = tpu.memref_squeeze %dma_start3A_654 : memref<1x1x1x8x128xf32, #tpu.memory_space<hbm>> -> memref<8x128xf32, #tpu.memory_space<hbm>>
        %dma_start3A_656 = arith.constant 0 : i32
        %dma_start3A_657 = arith.constant 0 : i32
        %dma_start3A_658 = tpu.memref_slice %arg4[%add3A_535, %dma_start3A_647, %add3A_32, %dma_start3A_656, %dma_start3A_657] : memref<50x8x128x8x128xf32, #tpu.memory_space<hbm>> -> memref<1x1x1x8x128xf32, #tpu.memory_space<hbm>>
        %dma_start3A_659 = tpu.memref_squeeze %dma_start3A_658 : memref<1x1x1x8x128xf32, #tpu.memory_space<hbm>> -> memref<8x128xf32, #tpu.memory_space<hbm>>
        %dma_start3A_660 = arith.constant 0 : i32
        %dma_start3A_661 = arith.constant 0 : i32
        %dma_start3A_662 = tpu.memref_slice %arg10[%dma_start3A_646, %dma_start3A_660, %dma_start3A_661] : memref<8x8x128xf32, #tpu.memory_space<vmem>> -> memref<1x8x128xf32, #tpu.memory_space<vmem>>
        %dma_start3A_663 = tpu.memref_squeeze %dma_start3A_662 : memref<1x8x128xf32, #tpu.memory_space<vmem>> -> memref<8x128xf32, #tpu.memory_space<vmem>>
        tpu.enqueue_dma source(%dma_start3A_663 : memref<8x128xf32, #tpu.memory_space<vmem>>) target(%dma_start3A_659 : memref<8x128xf32, #tpu.memory_space<hbm>>) target_semaphore(%arg14 : memref<!tpu.dma_semaphore, #tpu.memory_space<semaphore_mem>>)
        %dma_start3A_664 = arith.constant 6 : i32
        %dma_start3A_665 = arith.constant 6 : i32
        %dma_start3A_666 = arith.constant 0 : i32
        %dma_start3A_667 = arith.constant 0 : i32
        %dma_start3A_668 = tpu.memref_slice %arg10[%dma_start3A_664, %dma_start3A_666, %dma_start3A_667] : memref<8x8x128xf32, #tpu.memory_space<vmem>> -> memref<1x8x128xf32, #tpu.memory_space<vmem>>
        %dma_start3A_669 = tpu.memref_squeeze %dma_start3A_668 : memref<1x8x128xf32, #tpu.memory_space<vmem>> -> memref<8x128xf32, #tpu.memory_space<vmem>>
        %dma_start3A_670 = arith.constant 0 : i32
        %dma_start3A_671 = arith.constant 0 : i32
        %dma_start3A_672 = tpu.memref_slice %arg4[%add3A_535, %dma_start3A_665, %add3A_32, %dma_start3A_670, %dma_start3A_671] : memref<50x8x128x8x128xf32, #tpu.memory_space<hbm>> -> memref<1x1x1x8x128xf32, #tpu.memory_space<hbm>>
        %dma_start3A_673 = tpu.memref_squeeze %dma_start3A_672 : memref<1x1x1x8x128xf32, #tpu.memory_space<hbm>> -> memref<8x128xf32, #tpu.memory_space<hbm>>
        %dma_start3A_674 = arith.constant 0 : i32
        %dma_start3A_675 = arith.constant 0 : i32
        %dma_start3A_676 = tpu.memref_slice %arg4[%add3A_535, %dma_start3A_665, %add3A_32, %dma_start3A_674, %dma_start3A_675] : memref<50x8x128x8x128xf32, #tpu.memory_space<hbm>> -> memref<1x1x1x8x128xf32, #tpu.memory_space<hbm>>
        %dma_start3A_677 = tpu.memref_squeeze %dma_start3A_676 : memref<1x1x1x8x128xf32, #tpu.memory_space<hbm>> -> memref<8x128xf32, #tpu.memory_space<hbm>>
        %dma_start3A_678 = arith.constant 0 : i32
        %dma_start3A_679 = arith.constant 0 : i32
        %dma_start3A_680 = tpu.memref_slice %arg10[%dma_start3A_664, %dma_start3A_678, %dma_start3A_679] : memref<8x8x128xf32, #tpu.memory_space<vmem>> -> memref<1x8x128xf32, #tpu.memory_space<vmem>>
        %dma_start3A_681 = tpu.memref_squeeze %dma_start3A_680 : memref<1x8x128xf32, #tpu.memory_space<vmem>> -> memref<8x128xf32, #tpu.memory_space<vmem>>
        tpu.enqueue_dma source(%dma_start3A_681 : memref<8x128xf32, #tpu.memory_space<vmem>>) target(%dma_start3A_677 : memref<8x128xf32, #tpu.memory_space<hbm>>) target_semaphore(%arg14 : memref<!tpu.dma_semaphore, #tpu.memory_space<semaphore_mem>>)
        %dma_start3A_682 = arith.constant 7 : i32
        %dma_start3A_683 = arith.constant 7 : i32
        %dma_start3A_684 = arith.constant 0 : i32
        %dma_start3A_685 = arith.constant 0 : i32
        %dma_start3A_686 = tpu.memref_slice %arg10[%dma_start3A_682, %dma_start3A_684, %dma_start3A_685] : memref<8x8x128xf32, #tpu.memory_space<vmem>> -> memref<1x8x128xf32, #tpu.memory_space<vmem>>
        %dma_start3A_687 = tpu.memref_squeeze %dma_start3A_686 : memref<1x8x128xf32, #tpu.memory_space<vmem>> -> memref<8x128xf32, #tpu.memory_space<vmem>>
        %dma_start3A_688 = arith.constant 0 : i32
        %dma_start3A_689 = arith.constant 0 : i32
        %dma_start3A_690 = tpu.memref_slice %arg4[%add3A_535, %dma_start3A_683, %add3A_32, %dma_start3A_688, %dma_start3A_689] : memref<50x8x128x8x128xf32, #tpu.memory_space<hbm>> -> memref<1x1x1x8x128xf32, #tpu.memory_space<hbm>>
        %dma_start3A_691 = tpu.memref_squeeze %dma_start3A_690 : memref<1x1x1x8x128xf32, #tpu.memory_space<hbm>> -> memref<8x128xf32, #tpu.memory_space<hbm>>
        %dma_start3A_692 = arith.constant 0 : i32
        %dma_start3A_693 = arith.constant 0 : i32
        %dma_start3A_694 = tpu.memref_slice %arg4[%add3A_535, %dma_start3A_683, %add3A_32, %dma_start3A_692, %dma_start3A_693] : memref<50x8x128x8x128xf32, #tpu.memory_space<hbm>> -> memref<1x1x1x8x128xf32, #tpu.memory_space<hbm>>
        %dma_start3A_695 = tpu.memref_squeeze %dma_start3A_694 : memref<1x1x1x8x128xf32, #tpu.memory_space<hbm>> -> memref<8x128xf32, #tpu.memory_space<hbm>>
        %dma_start3A_696 = arith.constant 0 : i32
        %dma_start3A_697 = arith.constant 0 : i32
        %dma_start3A_698 = tpu.memref_slice %arg10[%dma_start3A_682, %dma_start3A_696, %dma_start3A_697] : memref<8x8x128xf32, #tpu.memory_space<vmem>> -> memref<1x8x128xf32, #tpu.memory_space<vmem>>
        %dma_start3A_699 = tpu.memref_squeeze %dma_start3A_698 : memref<1x8x128xf32, #tpu.memory_space<vmem>> -> memref<8x128xf32, #tpu.memory_space<vmem>>
        tpu.enqueue_dma source(%dma_start3A_699 : memref<8x128xf32, #tpu.memory_space<vmem>>) target(%dma_start3A_695 : memref<8x128xf32, #tpu.memory_space<hbm>>) target_semaphore(%arg14 : memref<!tpu.dma_semaphore, #tpu.memory_space<semaphore_mem>>)
      }
      %scan3A_47 = arith.constant 25 : i32
      %dma_wait3A = arith.constant 0 : i32
      %dma_wait3A_48 = arith.constant 0 : i32
      %dma_wait3A_49 = arith.constant 0 : i32
      %dma_wait3A_50 = arith.constant 0 : i32
      %dma_wait3A_51 = arith.constant 0 : i32
      %dma_wait3A_52 = arith.constant 0 : i32
      %dma_wait3A_53 = tpu.memref_slice %arg9[%dma_wait3A, %dma_wait3A_51, %dma_wait3A_52] : memref<8x8x128xf32, #tpu.memory_space<vmem>> -> memref<1x8x128xf32, #tpu.memory_space<vmem>>
      %dma_wait3A_54 = tpu.memref_squeeze %dma_wait3A_53 : memref<1x8x128xf32, #tpu.memory_space<vmem>> -> memref<8x128xf32, #tpu.memory_space<vmem>>
      %dma_wait3A_55 = arith.constant 0 : i32
      %dma_wait3A_56 = arith.constant 0 : i32
      %dma_wait3A_57 = tpu.memref_slice %arg4[%dma_wait3A_48, %dma_wait3A_49, %dma_wait3A_50, %dma_wait3A_55, %dma_wait3A_56] : memref<50x8x128x8x128xf32, #tpu.memory_space<hbm>> -> memref<1x1x1x8x128xf32, #tpu.memory_space<hbm>>
      %dma_wait3A_58 = tpu.memref_squeeze %dma_wait3A_57 : memref<1x1x1x8x128xf32, #tpu.memory_space<hbm>> -> memref<8x128xf32, #tpu.memory_space<hbm>>
      %dma_wait3A_59 = arith.constant 0 : i32
      %dma_wait3A_60 = arith.constant 0 : i32
      %dma_wait3A_61 = tpu.memref_slice %arg4[%dma_wait3A_48, %dma_wait3A_49, %dma_wait3A_50, %dma_wait3A_59, %dma_wait3A_60] : memref<50x8x128x8x128xf32, #tpu.memory_space<hbm>> -> memref<1x1x1x8x128xf32, #tpu.memory_space<hbm>>
      %dma_wait3A_62 = tpu.memref_squeeze %dma_wait3A_61 : memref<1x1x1x8x128xf32, #tpu.memory_space<hbm>> -> memref<8x128xf32, #tpu.memory_space<hbm>>
      %dma_wait3A_63 = arith.constant 0 : i32
      %dma_wait3A_64 = arith.constant 0 : i32
      %dma_wait3A_65 = tpu.memref_slice %arg9[%dma_wait3A, %dma_wait3A_63, %dma_wait3A_64] : memref<8x8x128xf32, #tpu.memory_space<vmem>> -> memref<1x8x128xf32, #tpu.memory_space<vmem>>
      %dma_wait3A_66 = tpu.memref_squeeze %dma_wait3A_65 : memref<1x8x128xf32, #tpu.memory_space<vmem>> -> memref<8x128xf32, #tpu.memory_space<vmem>>
      tpu.wait_dma2 semaphore(%arg13 : memref<!tpu.dma_semaphore, #tpu.memory_space<semaphore_mem>>) src(%dma_wait3A_66 : memref<8x128xf32, #tpu.memory_space<vmem>>) dst(%dma_wait3A_62 : memref<8x128xf32, #tpu.memory_space<hbm>>)
      %dma_wait3A_67 = arith.constant 1 : i32
      %dma_wait3A_68 = arith.constant 0 : i32
      %dma_wait3A_69 = arith.constant 1 : i32
      %dma_wait3A_70 = arith.constant 0 : i32
      %dma_wait3A_71 = arith.constant 0 : i32
      %dma_wait3A_72 = arith.constant 0 : i32
      %dma_wait3A_73 = tpu.memref_slice %arg9[%dma_wait3A_67, %dma_wait3A_71, %dma_wait3A_72] : memref<8x8x128xf32, #tpu.memory_space<vmem>> -> memref<1x8x128xf32, #tpu.memory_space<vmem>>
      %dma_wait3A_74 = tpu.memref_squeeze %dma_wait3A_73 : memref<1x8x128xf32, #tpu.memory_space<vmem>> -> memref<8x128xf32, #tpu.memory_space<vmem>>
      %dma_wait3A_75 = arith.constant 0 : i32
      %dma_wait3A_76 = arith.constant 0 : i32
      %dma_wait3A_77 = tpu.memref_slice %arg4[%dma_wait3A_68, %dma_wait3A_69, %dma_wait3A_70, %dma_wait3A_75, %dma_wait3A_76] : memref<50x8x128x8x128xf32, #tpu.memory_space<hbm>> -> memref<1x1x1x8x128xf32, #tpu.memory_space<hbm>>
      %dma_wait3A_78 = tpu.memref_squeeze %dma_wait3A_77 : memref<1x1x1x8x128xf32, #tpu.memory_space<hbm>> -> memref<8x128xf32, #tpu.memory_space<hbm>>
      %dma_wait3A_79 = arith.constant 0 : i32
      %dma_wait3A_80 = arith.constant 0 : i32
      %dma_wait3A_81 = tpu.memref_slice %arg4[%dma_wait3A_68, %dma_wait3A_69, %dma_wait3A_70, %dma_wait3A_79, %dma_wait3A_80] : memref<50x8x128x8x128xf32, #tpu.memory_space<hbm>> -> memref<1x1x1x8x128xf32, #tpu.memory_space<hbm>>
      %dma_wait3A_82 = tpu.memref_squeeze %dma_wait3A_81 : memref<1x1x1x8x128xf32, #tpu.memory_space<hbm>> -> memref<8x128xf32, #tpu.memory_space<hbm>>
      %dma_wait3A_83 = arith.constant 0 : i32
      %dma_wait3A_84 = arith.constant 0 : i32
      %dma_wait3A_85 = tpu.memref_slice %arg9[%dma_wait3A_67, %dma_wait3A_83, %dma_wait3A_84] : memref<8x8x128xf32, #tpu.memory_space<vmem>> -> memref<1x8x128xf32, #tpu.memory_space<vmem>>
      %dma_wait3A_86 = tpu.memref_squeeze %dma_wait3A_85 : memref<1x8x128xf32, #tpu.memory_space<vmem>> -> memref<8x128xf32, #tpu.memory_space<vmem>>
      tpu.wait_dma2 semaphore(%arg13 : memref<!tpu.dma_semaphore, #tpu.memory_space<semaphore_mem>>) src(%dma_wait3A_86 : memref<8x128xf32, #tpu.memory_space<vmem>>) dst(%dma_wait3A_82 : memref<8x128xf32, #tpu.memory_space<hbm>>)
      %dma_wait3A_87 = arith.constant 2 : i32
      %dma_wait3A_88 = arith.constant 0 : i32
      %dma_wait3A_89 = arith.constant 2 : i32
      %dma_wait3A_90 = arith.constant 0 : i32
      %dma_wait3A_91 = arith.constant 0 : i32
      %dma_wait3A_92 = arith.constant 0 : i32
      %dma_wait3A_93 = tpu.memref_slice %arg9[%dma_wait3A_87, %dma_wait3A_91, %dma_wait3A_92] : memref<8x8x128xf32, #tpu.memory_space<vmem>> -> memref<1x8x128xf32, #tpu.memory_space<vmem>>
      %dma_wait3A_94 = tpu.memref_squeeze %dma_wait3A_93 : memref<1x8x128xf32, #tpu.memory_space<vmem>> -> memref<8x128xf32, #tpu.memory_space<vmem>>
      %dma_wait3A_95 = arith.constant 0 : i32
      %dma_wait3A_96 = arith.constant 0 : i32
      %dma_wait3A_97 = tpu.memref_slice %arg4[%dma_wait3A_88, %dma_wait3A_89, %dma_wait3A_90, %dma_wait3A_95, %dma_wait3A_96] : memref<50x8x128x8x128xf32, #tpu.memory_space<hbm>> -> memref<1x1x1x8x128xf32, #tpu.memory_space<hbm>>
      %dma_wait3A_98 = tpu.memref_squeeze %dma_wait3A_97 : memref<1x1x1x8x128xf32, #tpu.memory_space<hbm>> -> memref<8x128xf32, #tpu.memory_space<hbm>>
      %dma_wait3A_99 = arith.constant 0 : i32
      %dma_wait3A_100 = arith.constant 0 : i32
      %dma_wait3A_101 = tpu.memref_slice %arg4[%dma_wait3A_88, %dma_wait3A_89, %dma_wait3A_90, %dma_wait3A_99, %dma_wait3A_100] : memref<50x8x128x8x128xf32, #tpu.memory_space<hbm>> -> memref<1x1x1x8x128xf32, #tpu.memory_space<hbm>>
      %dma_wait3A_102 = tpu.memref_squeeze %dma_wait3A_101 : memref<1x1x1x8x128xf32, #tpu.memory_space<hbm>> -> memref<8x128xf32, #tpu.memory_space<hbm>>
      %dma_wait3A_103 = arith.constant 0 : i32
      %dma_wait3A_104 = arith.constant 0 : i32
      %dma_wait3A_105 = tpu.memref_slice %arg9[%dma_wait3A_87, %dma_wait3A_103, %dma_wait3A_104] : memref<8x8x128xf32, #tpu.memory_space<vmem>> -> memref<1x8x128xf32, #tpu.memory_space<vmem>>
      %dma_wait3A_106 = tpu.memref_squeeze %dma_wait3A_105 : memref<1x8x128xf32, #tpu.memory_space<vmem>> -> memref<8x128xf32, #tpu.memory_space<vmem>>
      tpu.wait_dma2 semaphore(%arg13 : memref<!tpu.dma_semaphore, #tpu.memory_space<semaphore_mem>>) src(%dma_wait3A_106 : memref<8x128xf32, #tpu.memory_space<vmem>>) dst(%dma_wait3A_102 : memref<8x128xf32, #tpu.memory_space<hbm>>)
      %dma_wait3A_107 = arith.constant 3 : i32
      %dma_wait3A_108 = arith.constant 0 : i32
      %dma_wait3A_109 = arith.constant 3 : i32
      %dma_wait3A_110 = arith.constant 0 : i32
      %dma_wait3A_111 = arith.constant 0 : i32
      %dma_wait3A_112 = arith.constant 0 : i32
      %dma_wait3A_113 = tpu.memref_slice %arg9[%dma_wait3A_107, %dma_wait3A_111, %dma_wait3A_112] : memref<8x8x128xf32, #tpu.memory_space<vmem>> -> memref<1x8x128xf32, #tpu.memory_space<vmem>>
      %dma_wait3A_114 = tpu.memref_squeeze %dma_wait3A_113 : memref<1x8x128xf32, #tpu.memory_space<vmem>> -> memref<8x128xf32, #tpu.memory_space<vmem>>
      %dma_wait3A_115 = arith.constant 0 : i32
      %dma_wait3A_116 = arith.constant 0 : i32
      %dma_wait3A_117 = tpu.memref_slice %arg4[%dma_wait3A_108, %dma_wait3A_109, %dma_wait3A_110, %dma_wait3A_115, %dma_wait3A_116] : memref<50x8x128x8x128xf32, #tpu.memory_space<hbm>> -> memref<1x1x1x8x128xf32, #tpu.memory_space<hbm>>
      %dma_wait3A_118 = tpu.memref_squeeze %dma_wait3A_117 : memref<1x1x1x8x128xf32, #tpu.memory_space<hbm>> -> memref<8x128xf32, #tpu.memory_space<hbm>>
      %dma_wait3A_119 = arith.constant 0 : i32
      %dma_wait3A_120 = arith.constant 0 : i32
      %dma_wait3A_121 = tpu.memref_slice %arg4[%dma_wait3A_108, %dma_wait3A_109, %dma_wait3A_110, %dma_wait3A_119, %dma_wait3A_120] : memref<50x8x128x8x128xf32, #tpu.memory_space<hbm>> -> memref<1x1x1x8x128xf32, #tpu.memory_space<hbm>>
      %dma_wait3A_122 = tpu.memref_squeeze %dma_wait3A_121 : memref<1x1x1x8x128xf32, #tpu.memory_space<hbm>> -> memref<8x128xf32, #tpu.memory_space<hbm>>
      %dma_wait3A_123 = arith.constant 0 : i32
      %dma_wait3A_124 = arith.constant 0 : i32
      %dma_wait3A_125 = tpu.memref_slice %arg9[%dma_wait3A_107, %dma_wait3A_123, %dma_wait3A_124] : memref<8x8x128xf32, #tpu.memory_space<vmem>> -> memref<1x8x128xf32, #tpu.memory_space<vmem>>
      %dma_wait3A_126 = tpu.memref_squeeze %dma_wait3A_125 : memref<1x8x128xf32, #tpu.memory_space<vmem>> -> memref<8x128xf32, #tpu.memory_space<vmem>>
      tpu.wait_dma2 semaphore(%arg13 : memref<!tpu.dma_semaphore, #tpu.memory_space<semaphore_mem>>) src(%dma_wait3A_126 : memref<8x128xf32, #tpu.memory_space<vmem>>) dst(%dma_wait3A_122 : memref<8x128xf32, #tpu.memory_space<hbm>>)
      %dma_wait3A_127 = arith.constant 4 : i32
      %dma_wait3A_128 = arith.constant 0 : i32
      %dma_wait3A_129 = arith.constant 4 : i32
      %dma_wait3A_130 = arith.constant 0 : i32
      %dma_wait3A_131 = arith.constant 0 : i32
      %dma_wait3A_132 = arith.constant 0 : i32
      %dma_wait3A_133 = tpu.memref_slice %arg9[%dma_wait3A_127, %dma_wait3A_131, %dma_wait3A_132] : memref<8x8x128xf32, #tpu.memory_space<vmem>> -> memref<1x8x128xf32, #tpu.memory_space<vmem>>
      %dma_wait3A_134 = tpu.memref_squeeze %dma_wait3A_133 : memref<1x8x128xf32, #tpu.memory_space<vmem>> -> memref<8x128xf32, #tpu.memory_space<vmem>>
      %dma_wait3A_135 = arith.constant 0 : i32
      %dma_wait3A_136 = arith.constant 0 : i32
      %dma_wait3A_137 = tpu.memref_slice %arg4[%dma_wait3A_128, %dma_wait3A_129, %dma_wait3A_130, %dma_wait3A_135, %dma_wait3A_136] : memref<50x8x128x8x128xf32, #tpu.memory_space<hbm>> -> memref<1x1x1x8x128xf32, #tpu.memory_space<hbm>>
      %dma_wait3A_138 = tpu.memref_squeeze %dma_wait3A_137 : memref<1x1x1x8x128xf32, #tpu.memory_space<hbm>> -> memref<8x128xf32, #tpu.memory_space<hbm>>
      %dma_wait3A_139 = arith.constant 0 : i32
      %dma_wait3A_140 = arith.constant 0 : i32
      %dma_wait3A_141 = tpu.memref_slice %arg4[%dma_wait3A_128, %dma_wait3A_129, %dma_wait3A_130, %dma_wait3A_139, %dma_wait3A_140] : memref<50x8x128x8x128xf32, #tpu.memory_space<hbm>> -> memref<1x1x1x8x128xf32, #tpu.memory_space<hbm>>
      %dma_wait3A_142 = tpu.memref_squeeze %dma_wait3A_141 : memref<1x1x1x8x128xf32, #tpu.memory_space<hbm>> -> memref<8x128xf32, #tpu.memory_space<hbm>>
      %dma_wait3A_143 = arith.constant 0 : i32
      %dma_wait3A_144 = arith.constant 0 : i32
      %dma_wait3A_145 = tpu.memref_slice %arg9[%dma_wait3A_127, %dma_wait3A_143, %dma_wait3A_144] : memref<8x8x128xf32, #tpu.memory_space<vmem>> -> memref<1x8x128xf32, #tpu.memory_space<vmem>>
      %dma_wait3A_146 = tpu.memref_squeeze %dma_wait3A_145 : memref<1x8x128xf32, #tpu.memory_space<vmem>> -> memref<8x128xf32, #tpu.memory_space<vmem>>
      tpu.wait_dma2 semaphore(%arg13 : memref<!tpu.dma_semaphore, #tpu.memory_space<semaphore_mem>>) src(%dma_wait3A_146 : memref<8x128xf32, #tpu.memory_space<vmem>>) dst(%dma_wait3A_142 : memref<8x128xf32, #tpu.memory_space<hbm>>)
      %dma_wait3A_147 = arith.constant 5 : i32
      %dma_wait3A_148 = arith.constant 0 : i32
      %dma_wait3A_149 = arith.constant 5 : i32
      %dma_wait3A_150 = arith.constant 0 : i32
      %dma_wait3A_151 = arith.constant 0 : i32
      %dma_wait3A_152 = arith.constant 0 : i32
      %dma_wait3A_153 = tpu.memref_slice %arg9[%dma_wait3A_147, %dma_wait3A_151, %dma_wait3A_152] : memref<8x8x128xf32, #tpu.memory_space<vmem>> -> memref<1x8x128xf32, #tpu.memory_space<vmem>>
      %dma_wait3A_154 = tpu.memref_squeeze %dma_wait3A_153 : memref<1x8x128xf32, #tpu.memory_space<vmem>> -> memref<8x128xf32, #tpu.memory_space<vmem>>
      %dma_wait3A_155 = arith.constant 0 : i32
      %dma_wait3A_156 = arith.constant 0 : i32
      %dma_wait3A_157 = tpu.memref_slice %arg4[%dma_wait3A_148, %dma_wait3A_149, %dma_wait3A_150, %dma_wait3A_155, %dma_wait3A_156] : memref<50x8x128x8x128xf32, #tpu.memory_space<hbm>> -> memref<1x1x1x8x128xf32, #tpu.memory_space<hbm>>
      %dma_wait3A_158 = tpu.memref_squeeze %dma_wait3A_157 : memref<1x1x1x8x128xf32, #tpu.memory_space<hbm>> -> memref<8x128xf32, #tpu.memory_space<hbm>>
      %dma_wait3A_159 = arith.constant 0 : i32
      %dma_wait3A_160 = arith.constant 0 : i32
      %dma_wait3A_161 = tpu.memref_slice %arg4[%dma_wait3A_148, %dma_wait3A_149, %dma_wait3A_150, %dma_wait3A_159, %dma_wait3A_160] : memref<50x8x128x8x128xf32, #tpu.memory_space<hbm>> -> memref<1x1x1x8x128xf32, #tpu.memory_space<hbm>>
      %dma_wait3A_162 = tpu.memref_squeeze %dma_wait3A_161 : memref<1x1x1x8x128xf32, #tpu.memory_space<hbm>> -> memref<8x128xf32, #tpu.memory_space<hbm>>
      %dma_wait3A_163 = arith.constant 0 : i32
      %dma_wait3A_164 = arith.constant 0 : i32
      %dma_wait3A_165 = tpu.memref_slice %arg9[%dma_wait3A_147, %dma_wait3A_163, %dma_wait3A_164] : memref<8x8x128xf32, #tpu.memory_space<vmem>> -> memref<1x8x128xf32, #tpu.memory_space<vmem>>
      %dma_wait3A_166 = tpu.memref_squeeze %dma_wait3A_165 : memref<1x8x128xf32, #tpu.memory_space<vmem>> -> memref<8x128xf32, #tpu.memory_space<vmem>>
      tpu.wait_dma2 semaphore(%arg13 : memref<!tpu.dma_semaphore, #tpu.memory_space<semaphore_mem>>) src(%dma_wait3A_166 : memref<8x128xf32, #tpu.memory_space<vmem>>) dst(%dma_wait3A_162 : memref<8x128xf32, #tpu.memory_space<hbm>>)
      %dma_wait3A_167 = arith.constant 6 : i32
      %dma_wait3A_168 = arith.constant 0 : i32
      %dma_wait3A_169 = arith.constant 6 : i32
      %dma_wait3A_170 = arith.constant 0 : i32
      %dma_wait3A_171 = arith.constant 0 : i32
      %dma_wait3A_172 = arith.constant 0 : i32
      %dma_wait3A_173 = tpu.memref_slice %arg9[%dma_wait3A_167, %dma_wait3A_171, %dma_wait3A_172] : memref<8x8x128xf32, #tpu.memory_space<vmem>> -> memref<1x8x128xf32, #tpu.memory_space<vmem>>
      %dma_wait3A_174 = tpu.memref_squeeze %dma_wait3A_173 : memref<1x8x128xf32, #tpu.memory_space<vmem>> -> memref<8x128xf32, #tpu.memory_space<vmem>>
      %dma_wait3A_175 = arith.constant 0 : i32
      %dma_wait3A_176 = arith.constant 0 : i32
      %dma_wait3A_177 = tpu.memref_slice %arg4[%dma_wait3A_168, %dma_wait3A_169, %dma_wait3A_170, %dma_wait3A_175, %dma_wait3A_176] : memref<50x8x128x8x128xf32, #tpu.memory_space<hbm>> -> memref<1x1x1x8x128xf32, #tpu.memory_space<hbm>>
      %dma_wait3A_178 = tpu.memref_squeeze %dma_wait3A_177 : memref<1x1x1x8x128xf32, #tpu.memory_space<hbm>> -> memref<8x128xf32, #tpu.memory_space<hbm>>
      %dma_wait3A_179 = arith.constant 0 : i32
      %dma_wait3A_180 = arith.constant 0 : i32
      %dma_wait3A_181 = tpu.memref_slice %arg4[%dma_wait3A_168, %dma_wait3A_169, %dma_wait3A_170, %dma_wait3A_179, %dma_wait3A_180] : memref<50x8x128x8x128xf32, #tpu.memory_space<hbm>> -> memref<1x1x1x8x128xf32, #tpu.memory_space<hbm>>
      %dma_wait3A_182 = tpu.memref_squeeze %dma_wait3A_181 : memref<1x1x1x8x128xf32, #tpu.memory_space<hbm>> -> memref<8x128xf32, #tpu.memory_space<hbm>>
      %dma_wait3A_183 = arith.constant 0 : i32
      %dma_wait3A_184 = arith.constant 0 : i32
      %dma_wait3A_185 = tpu.memref_slice %arg9[%dma_wait3A_167, %dma_wait3A_183, %dma_wait3A_184] : memref<8x8x128xf32, #tpu.memory_space<vmem>> -> memref<1x8x128xf32, #tpu.memory_space<vmem>>
      %dma_wait3A_186 = tpu.memref_squeeze %dma_wait3A_185 : memref<1x8x128xf32, #tpu.memory_space<vmem>> -> memref<8x128xf32, #tpu.memory_space<vmem>>
      tpu.wait_dma2 semaphore(%arg13 : memref<!tpu.dma_semaphore, #tpu.memory_space<semaphore_mem>>) src(%dma_wait3A_186 : memref<8x128xf32, #tpu.memory_space<vmem>>) dst(%dma_wait3A_182 : memref<8x128xf32, #tpu.memory_space<hbm>>)
      %dma_wait3A_187 = arith.constant 7 : i32
      %dma_wait3A_188 = arith.constant 0 : i32
      %dma_wait3A_189 = arith.constant 7 : i32
      %dma_wait3A_190 = arith.constant 0 : i32
      %dma_wait3A_191 = arith.constant 0 : i32
      %dma_wait3A_192 = arith.constant 0 : i32
      %dma_wait3A_193 = tpu.memref_slice %arg9[%dma_wait3A_187, %dma_wait3A_191, %dma_wait3A_192] : memref<8x8x128xf32, #tpu.memory_space<vmem>> -> memref<1x8x128xf32, #tpu.memory_space<vmem>>
      %dma_wait3A_194 = tpu.memref_squeeze %dma_wait3A_193 : memref<1x8x128xf32, #tpu.memory_space<vmem>> -> memref<8x128xf32, #tpu.memory_space<vmem>>
      %dma_wait3A_195 = arith.constant 0 : i32
      %dma_wait3A_196 = arith.constant 0 : i32
      %dma_wait3A_197 = tpu.memref_slice %arg4[%dma_wait3A_188, %dma_wait3A_189, %dma_wait3A_190, %dma_wait3A_195, %dma_wait3A_196] : memref<50x8x128x8x128xf32, #tpu.memory_space<hbm>> -> memref<1x1x1x8x128xf32, #tpu.memory_space<hbm>>
      %dma_wait3A_198 = tpu.memref_squeeze %dma_wait3A_197 : memref<1x1x1x8x128xf32, #tpu.memory_space<hbm>> -> memref<8x128xf32, #tpu.memory_space<hbm>>
      %dma_wait3A_199 = arith.constant 0 : i32
      %dma_wait3A_200 = arith.constant 0 : i32
      %dma_wait3A_201 = tpu.memref_slice %arg4[%dma_wait3A_188, %dma_wait3A_189, %dma_wait3A_190, %dma_wait3A_199, %dma_wait3A_200] : memref<50x8x128x8x128xf32, #tpu.memory_space<hbm>> -> memref<1x1x1x8x128xf32, #tpu.memory_space<hbm>>
      %dma_wait3A_202 = tpu.memref_squeeze %dma_wait3A_201 : memref<1x1x1x8x128xf32, #tpu.memory_space<hbm>> -> memref<8x128xf32, #tpu.memory_space<hbm>>
      %dma_wait3A_203 = arith.constant 0 : i32
      %dma_wait3A_204 = arith.constant 0 : i32
      %dma_wait3A_205 = tpu.memref_slice %arg9[%dma_wait3A_187, %dma_wait3A_203, %dma_wait3A_204] : memref<8x8x128xf32, #tpu.memory_space<vmem>> -> memref<1x8x128xf32, #tpu.memory_space<vmem>>
      %dma_wait3A_206 = tpu.memref_squeeze %dma_wait3A_205 : memref<1x8x128xf32, #tpu.memory_space<vmem>> -> memref<8x128xf32, #tpu.memory_space<vmem>>
      tpu.wait_dma2 semaphore(%arg13 : memref<!tpu.dma_semaphore, #tpu.memory_space<semaphore_mem>>) src(%dma_wait3A_206 : memref<8x128xf32, #tpu.memory_space<vmem>>) dst(%dma_wait3A_202 : memref<8x128xf32, #tpu.memory_space<hbm>>)
      %dma_wait3A_207 = arith.constant 0 : i32
      %dma_wait3A_208 = arith.constant 0 : i32
      %dma_wait3A_209 = arith.constant 0 : i32
      %dma_wait3A_210 = arith.constant 0 : i32
      %dma_wait3A_211 = arith.constant 0 : i32
      %dma_wait3A_212 = arith.constant 0 : i32
      %dma_wait3A_213 = tpu.memref_slice %arg10[%dma_wait3A_207, %dma_wait3A_211, %dma_wait3A_212] : memref<8x8x128xf32, #tpu.memory_space<vmem>> -> memref<1x8x128xf32, #tpu.memory_space<vmem>>
      %dma_wait3A_214 = tpu.memref_squeeze %dma_wait3A_213 : memref<1x8x128xf32, #tpu.memory_space<vmem>> -> memref<8x128xf32, #tpu.memory_space<vmem>>
      %dma_wait3A_215 = arith.constant 0 : i32
      %dma_wait3A_216 = arith.constant 0 : i32
      %dma_wait3A_217 = tpu.memref_slice %arg4[%dma_wait3A_208, %dma_wait3A_209, %dma_wait3A_210, %dma_wait3A_215, %dma_wait3A_216] : memref<50x8x128x8x128xf32, #tpu.memory_space<hbm>> -> memref<1x1x1x8x128xf32, #tpu.memory_space<hbm>>
      %dma_wait3A_218 = tpu.memref_squeeze %dma_wait3A_217 : memref<1x1x1x8x128xf32, #tpu.memory_space<hbm>> -> memref<8x128xf32, #tpu.memory_space<hbm>>
      %dma_wait3A_219 = arith.constant 0 : i32
      %dma_wait3A_220 = arith.constant 0 : i32
      %dma_wait3A_221 = tpu.memref_slice %arg4[%dma_wait3A_208, %dma_wait3A_209, %dma_wait3A_210, %dma_wait3A_219, %dma_wait3A_220] : memref<50x8x128x8x128xf32, #tpu.memory_space<hbm>> -> memref<1x1x1x8x128xf32, #tpu.memory_space<hbm>>
      %dma_wait3A_222 = tpu.memref_squeeze %dma_wait3A_221 : memref<1x1x1x8x128xf32, #tpu.memory_space<hbm>> -> memref<8x128xf32, #tpu.memory_space<hbm>>
      %dma_wait3A_223 = arith.constant 0 : i32
      %dma_wait3A_224 = arith.constant 0 : i32
      %dma_wait3A_225 = tpu.memref_slice %arg10[%dma_wait3A_207, %dma_wait3A_223, %dma_wait3A_224] : memref<8x8x128xf32, #tpu.memory_space<vmem>> -> memref<1x8x128xf32, #tpu.memory_space<vmem>>
      %dma_wait3A_226 = tpu.memref_squeeze %dma_wait3A_225 : memref<1x8x128xf32, #tpu.memory_space<vmem>> -> memref<8x128xf32, #tpu.memory_space<vmem>>
      tpu.wait_dma2 semaphore(%arg14 : memref<!tpu.dma_semaphore, #tpu.memory_space<semaphore_mem>>) src(%dma_wait3A_226 : memref<8x128xf32, #tpu.memory_space<vmem>>) dst(%dma_wait3A_222 : memref<8x128xf32, #tpu.memory_space<hbm>>)
      %dma_wait3A_227 = arith.constant 1 : i32
      %dma_wait3A_228 = arith.constant 0 : i32
      %dma_wait3A_229 = arith.constant 1 : i32
      %dma_wait3A_230 = arith.constant 0 : i32
      %dma_wait3A_231 = arith.constant 0 : i32
      %dma_wait3A_232 = arith.constant 0 : i32
      %dma_wait3A_233 = tpu.memref_slice %arg10[%dma_wait3A_227, %dma_wait3A_231, %dma_wait3A_232] : memref<8x8x128xf32, #tpu.memory_space<vmem>> -> memref<1x8x128xf32, #tpu.memory_space<vmem>>
      %dma_wait3A_234 = tpu.memref_squeeze %dma_wait3A_233 : memref<1x8x128xf32, #tpu.memory_space<vmem>> -> memref<8x128xf32, #tpu.memory_space<vmem>>
      %dma_wait3A_235 = arith.constant 0 : i32
      %dma_wait3A_236 = arith.constant 0 : i32
      %dma_wait3A_237 = tpu.memref_slice %arg4[%dma_wait3A_228, %dma_wait3A_229, %dma_wait3A_230, %dma_wait3A_235, %dma_wait3A_236] : memref<50x8x128x8x128xf32, #tpu.memory_space<hbm>> -> memref<1x1x1x8x128xf32, #tpu.memory_space<hbm>>
      %dma_wait3A_238 = tpu.memref_squeeze %dma_wait3A_237 : memref<1x1x1x8x128xf32, #tpu.memory_space<hbm>> -> memref<8x128xf32, #tpu.memory_space<hbm>>
      %dma_wait3A_239 = arith.constant 0 : i32
      %dma_wait3A_240 = arith.constant 0 : i32
      %dma_wait3A_241 = tpu.memref_slice %arg4[%dma_wait3A_228, %dma_wait3A_229, %dma_wait3A_230, %dma_wait3A_239, %dma_wait3A_240] : memref<50x8x128x8x128xf32, #tpu.memory_space<hbm>> -> memref<1x1x1x8x128xf32, #tpu.memory_space<hbm>>
      %dma_wait3A_242 = tpu.memref_squeeze %dma_wait3A_241 : memref<1x1x1x8x128xf32, #tpu.memory_space<hbm>> -> memref<8x128xf32, #tpu.memory_space<hbm>>
      %dma_wait3A_243 = arith.constant 0 : i32
      %dma_wait3A_244 = arith.constant 0 : i32
      %dma_wait3A_245 = tpu.memref_slice %arg10[%dma_wait3A_227, %dma_wait3A_243, %dma_wait3A_244] : memref<8x8x128xf32, #tpu.memory_space<vmem>> -> memref<1x8x128xf32, #tpu.memory_space<vmem>>
      %dma_wait3A_246 = tpu.memref_squeeze %dma_wait3A_245 : memref<1x8x128xf32, #tpu.memory_space<vmem>> -> memref<8x128xf32, #tpu.memory_space<vmem>>
      tpu.wait_dma2 semaphore(%arg14 : memref<!tpu.dma_semaphore, #tpu.memory_space<semaphore_mem>>) src(%dma_wait3A_246 : memref<8x128xf32, #tpu.memory_space<vmem>>) dst(%dma_wait3A_242 : memref<8x128xf32, #tpu.memory_space<hbm>>)
      %dma_wait3A_247 = arith.constant 2 : i32
      %dma_wait3A_248 = arith.constant 0 : i32
      %dma_wait3A_249 = arith.constant 2 : i32
      %dma_wait3A_250 = arith.constant 0 : i32
      %dma_wait3A_251 = arith.constant 0 : i32
      %dma_wait3A_252 = arith.constant 0 : i32
      %dma_wait3A_253 = tpu.memref_slice %arg10[%dma_wait3A_247, %dma_wait3A_251, %dma_wait3A_252] : memref<8x8x128xf32, #tpu.memory_space<vmem>> -> memref<1x8x128xf32, #tpu.memory_space<vmem>>
      %dma_wait3A_254 = tpu.memref_squeeze %dma_wait3A_253 : memref<1x8x128xf32, #tpu.memory_space<vmem>> -> memref<8x128xf32, #tpu.memory_space<vmem>>
      %dma_wait3A_255 = arith.constant 0 : i32
      %dma_wait3A_256 = arith.constant 0 : i32
      %dma_wait3A_257 = tpu.memref_slice %arg4[%dma_wait3A_248, %dma_wait3A_249, %dma_wait3A_250, %dma_wait3A_255, %dma_wait3A_256] : memref<50x8x128x8x128xf32, #tpu.memory_space<hbm>> -> memref<1x1x1x8x128xf32, #tpu.memory_space<hbm>>
      %dma_wait3A_258 = tpu.memref_squeeze %dma_wait3A_257 : memref<1x1x1x8x128xf32, #tpu.memory_space<hbm>> -> memref<8x128xf32, #tpu.memory_space<hbm>>
      %dma_wait3A_259 = arith.constant 0 : i32
      %dma_wait3A_260 = arith.constant 0 : i32
      %dma_wait3A_261 = tpu.memref_slice %arg4[%dma_wait3A_248, %dma_wait3A_249, %dma_wait3A_250, %dma_wait3A_259, %dma_wait3A_260] : memref<50x8x128x8x128xf32, #tpu.memory_space<hbm>> -> memref<1x1x1x8x128xf32, #tpu.memory_space<hbm>>
      %dma_wait3A_262 = tpu.memref_squeeze %dma_wait3A_261 : memref<1x1x1x8x128xf32, #tpu.memory_space<hbm>> -> memref<8x128xf32, #tpu.memory_space<hbm>>
      %dma_wait3A_263 = arith.constant 0 : i32
      %dma_wait3A_264 = arith.constant 0 : i32
      %dma_wait3A_265 = tpu.memref_slice %arg10[%dma_wait3A_247, %dma_wait3A_263, %dma_wait3A_264] : memref<8x8x128xf32, #tpu.memory_space<vmem>> -> memref<1x8x128xf32, #tpu.memory_space<vmem>>
      %dma_wait3A_266 = tpu.memref_squeeze %dma_wait3A_265 : memref<1x8x128xf32, #tpu.memory_space<vmem>> -> memref<8x128xf32, #tpu.memory_space<vmem>>
      tpu.wait_dma2 semaphore(%arg14 : memref<!tpu.dma_semaphore, #tpu.memory_space<semaphore_mem>>) src(%dma_wait3A_266 : memref<8x128xf32, #tpu.memory_space<vmem>>) dst(%dma_wait3A_262 : memref<8x128xf32, #tpu.memory_space<hbm>>)
      %dma_wait3A_267 = arith.constant 3 : i32
      %dma_wait3A_268 = arith.constant 0 : i32
      %dma_wait3A_269 = arith.constant 3 : i32
      %dma_wait3A_270 = arith.constant 0 : i32
      %dma_wait3A_271 = arith.constant 0 : i32
      %dma_wait3A_272 = arith.constant 0 : i32
      %dma_wait3A_273 = tpu.memref_slice %arg10[%dma_wait3A_267, %dma_wait3A_271, %dma_wait3A_272] : memref<8x8x128xf32, #tpu.memory_space<vmem>> -> memref<1x8x128xf32, #tpu.memory_space<vmem>>
      %dma_wait3A_274 = tpu.memref_squeeze %dma_wait3A_273 : memref<1x8x128xf32, #tpu.memory_space<vmem>> -> memref<8x128xf32, #tpu.memory_space<vmem>>
      %dma_wait3A_275 = arith.constant 0 : i32
      %dma_wait3A_276 = arith.constant 0 : i32
      %dma_wait3A_277 = tpu.memref_slice %arg4[%dma_wait3A_268, %dma_wait3A_269, %dma_wait3A_270, %dma_wait3A_275, %dma_wait3A_276] : memref<50x8x128x8x128xf32, #tpu.memory_space<hbm>> -> memref<1x1x1x8x128xf32, #tpu.memory_space<hbm>>
      %dma_wait3A_278 = tpu.memref_squeeze %dma_wait3A_277 : memref<1x1x1x8x128xf32, #tpu.memory_space<hbm>> -> memref<8x128xf32, #tpu.memory_space<hbm>>
      %dma_wait3A_279 = arith.constant 0 : i32
      %dma_wait3A_280 = arith.constant 0 : i32
      %dma_wait3A_281 = tpu.memref_slice %arg4[%dma_wait3A_268, %dma_wait3A_269, %dma_wait3A_270, %dma_wait3A_279, %dma_wait3A_280] : memref<50x8x128x8x128xf32, #tpu.memory_space<hbm>> -> memref<1x1x1x8x128xf32, #tpu.memory_space<hbm>>
      %dma_wait3A_282 = tpu.memref_squeeze %dma_wait3A_281 : memref<1x1x1x8x128xf32, #tpu.memory_space<hbm>> -> memref<8x128xf32, #tpu.memory_space<hbm>>
      %dma_wait3A_283 = arith.constant 0 : i32
      %dma_wait3A_284 = arith.constant 0 : i32
      %dma_wait3A_285 = tpu.memref_slice %arg10[%dma_wait3A_267, %dma_wait3A_283, %dma_wait3A_284] : memref<8x8x128xf32, #tpu.memory_space<vmem>> -> memref<1x8x128xf32, #tpu.memory_space<vmem>>
      %dma_wait3A_286 = tpu.memref_squeeze %dma_wait3A_285 : memref<1x8x128xf32, #tpu.memory_space<vmem>> -> memref<8x128xf32, #tpu.memory_space<vmem>>
      tpu.wait_dma2 semaphore(%arg14 : memref<!tpu.dma_semaphore, #tpu.memory_space<semaphore_mem>>) src(%dma_wait3A_286 : memref<8x128xf32, #tpu.memory_space<vmem>>) dst(%dma_wait3A_282 : memref<8x128xf32, #tpu.memory_space<hbm>>)
      %dma_wait3A_287 = arith.constant 4 : i32
      %dma_wait3A_288 = arith.constant 0 : i32
      %dma_wait3A_289 = arith.constant 4 : i32
      %dma_wait3A_290 = arith.constant 0 : i32
      %dma_wait3A_291 = arith.constant 0 : i32
      %dma_wait3A_292 = arith.constant 0 : i32
      %dma_wait3A_293 = tpu.memref_slice %arg10[%dma_wait3A_287, %dma_wait3A_291, %dma_wait3A_292] : memref<8x8x128xf32, #tpu.memory_space<vmem>> -> memref<1x8x128xf32, #tpu.memory_space<vmem>>
      %dma_wait3A_294 = tpu.memref_squeeze %dma_wait3A_293 : memref<1x8x128xf32, #tpu.memory_space<vmem>> -> memref<8x128xf32, #tpu.memory_space<vmem>>
      %dma_wait3A_295 = arith.constant 0 : i32
      %dma_wait3A_296 = arith.constant 0 : i32
      %dma_wait3A_297 = tpu.memref_slice %arg4[%dma_wait3A_288, %dma_wait3A_289, %dma_wait3A_290, %dma_wait3A_295, %dma_wait3A_296] : memref<50x8x128x8x128xf32, #tpu.memory_space<hbm>> -> memref<1x1x1x8x128xf32, #tpu.memory_space<hbm>>
      %dma_wait3A_298 = tpu.memref_squeeze %dma_wait3A_297 : memref<1x1x1x8x128xf32, #tpu.memory_space<hbm>> -> memref<8x128xf32, #tpu.memory_space<hbm>>
      %dma_wait3A_299 = arith.constant 0 : i32
      %dma_wait3A_300 = arith.constant 0 : i32
      %dma_wait3A_301 = tpu.memref_slice %arg4[%dma_wait3A_288, %dma_wait3A_289, %dma_wait3A_290, %dma_wait3A_299, %dma_wait3A_300] : memref<50x8x128x8x128xf32, #tpu.memory_space<hbm>> -> memref<1x1x1x8x128xf32, #tpu.memory_space<hbm>>
      %dma_wait3A_302 = tpu.memref_squeeze %dma_wait3A_301 : memref<1x1x1x8x128xf32, #tpu.memory_space<hbm>> -> memref<8x128xf32, #tpu.memory_space<hbm>>
      %dma_wait3A_303 = arith.constant 0 : i32
      %dma_wait3A_304 = arith.constant 0 : i32
      %dma_wait3A_305 = tpu.memref_slice %arg10[%dma_wait3A_287, %dma_wait3A_303, %dma_wait3A_304] : memref<8x8x128xf32, #tpu.memory_space<vmem>> -> memref<1x8x128xf32, #tpu.memory_space<vmem>>
      %dma_wait3A_306 = tpu.memref_squeeze %dma_wait3A_305 : memref<1x8x128xf32, #tpu.memory_space<vmem>> -> memref<8x128xf32, #tpu.memory_space<vmem>>
      tpu.wait_dma2 semaphore(%arg14 : memref<!tpu.dma_semaphore, #tpu.memory_space<semaphore_mem>>) src(%dma_wait3A_306 : memref<8x128xf32, #tpu.memory_space<vmem>>) dst(%dma_wait3A_302 : memref<8x128xf32, #tpu.memory_space<hbm>>)
      %dma_wait3A_307 = arith.constant 5 : i32
      %dma_wait3A_308 = arith.constant 0 : i32
      %dma_wait3A_309 = arith.constant 5 : i32
      %dma_wait3A_310 = arith.constant 0 : i32
      %dma_wait3A_311 = arith.constant 0 : i32
      %dma_wait3A_312 = arith.constant 0 : i32
      %dma_wait3A_313 = tpu.memref_slice %arg10[%dma_wait3A_307, %dma_wait3A_311, %dma_wait3A_312] : memref<8x8x128xf32, #tpu.memory_space<vmem>> -> memref<1x8x128xf32, #tpu.memory_space<vmem>>
      %dma_wait3A_314 = tpu.memref_squeeze %dma_wait3A_313 : memref<1x8x128xf32, #tpu.memory_space<vmem>> -> memref<8x128xf32, #tpu.memory_space<vmem>>
      %dma_wait3A_315 = arith.constant 0 : i32
      %dma_wait3A_316 = arith.constant 0 : i32
      %dma_wait3A_317 = tpu.memref_slice %arg4[%dma_wait3A_308, %dma_wait3A_309, %dma_wait3A_310, %dma_wait3A_315, %dma_wait3A_316] : memref<50x8x128x8x128xf32, #tpu.memory_space<hbm>> -> memref<1x1x1x8x128xf32, #tpu.memory_space<hbm>>
      %dma_wait3A_318 = tpu.memref_squeeze %dma_wait3A_317 : memref<1x1x1x8x128xf32, #tpu.memory_space<hbm>> -> memref<8x128xf32, #tpu.memory_space<hbm>>
      %dma_wait3A_319 = arith.constant 0 : i32
      %dma_wait3A_320 = arith.constant 0 : i32
      %dma_wait3A_321 = tpu.memref_slice %arg4[%dma_wait3A_308, %dma_wait3A_309, %dma_wait3A_310, %dma_wait3A_319, %dma_wait3A_320] : memref<50x8x128x8x128xf32, #tpu.memory_space<hbm>> -> memref<1x1x1x8x128xf32, #tpu.memory_space<hbm>>
      %dma_wait3A_322 = tpu.memref_squeeze %dma_wait3A_321 : memref<1x1x1x8x128xf32, #tpu.memory_space<hbm>> -> memref<8x128xf32, #tpu.memory_space<hbm>>
      %dma_wait3A_323 = arith.constant 0 : i32
      %dma_wait3A_324 = arith.constant 0 : i32
      %dma_wait3A_325 = tpu.memref_slice %arg10[%dma_wait3A_307, %dma_wait3A_323, %dma_wait3A_324] : memref<8x8x128xf32, #tpu.memory_space<vmem>> -> memref<1x8x128xf32, #tpu.memory_space<vmem>>
      %dma_wait3A_326 = tpu.memref_squeeze %dma_wait3A_325 : memref<1x8x128xf32, #tpu.memory_space<vmem>> -> memref<8x128xf32, #tpu.memory_space<vmem>>
      tpu.wait_dma2 semaphore(%arg14 : memref<!tpu.dma_semaphore, #tpu.memory_space<semaphore_mem>>) src(%dma_wait3A_326 : memref<8x128xf32, #tpu.memory_space<vmem>>) dst(%dma_wait3A_322 : memref<8x128xf32, #tpu.memory_space<hbm>>)
      %dma_wait3A_327 = arith.constant 6 : i32
      %dma_wait3A_328 = arith.constant 0 : i32
      %dma_wait3A_329 = arith.constant 6 : i32
      %dma_wait3A_330 = arith.constant 0 : i32
      %dma_wait3A_331 = arith.constant 0 : i32
      %dma_wait3A_332 = arith.constant 0 : i32
      %dma_wait3A_333 = tpu.memref_slice %arg10[%dma_wait3A_327, %dma_wait3A_331, %dma_wait3A_332] : memref<8x8x128xf32, #tpu.memory_space<vmem>> -> memref<1x8x128xf32, #tpu.memory_space<vmem>>
      %dma_wait3A_334 = tpu.memref_squeeze %dma_wait3A_333 : memref<1x8x128xf32, #tpu.memory_space<vmem>> -> memref<8x128xf32, #tpu.memory_space<vmem>>
      %dma_wait3A_335 = arith.constant 0 : i32
      %dma_wait3A_336 = arith.constant 0 : i32
      %dma_wait3A_337 = tpu.memref_slice %arg4[%dma_wait3A_328, %dma_wait3A_329, %dma_wait3A_330, %dma_wait3A_335, %dma_wait3A_336] : memref<50x8x128x8x128xf32, #tpu.memory_space<hbm>> -> memref<1x1x1x8x128xf32, #tpu.memory_space<hbm>>
      %dma_wait3A_338 = tpu.memref_squeeze %dma_wait3A_337 : memref<1x1x1x8x128xf32, #tpu.memory_space<hbm>> -> memref<8x128xf32, #tpu.memory_space<hbm>>
      %dma_wait3A_339 = arith.constant 0 : i32
      %dma_wait3A_340 = arith.constant 0 : i32
      %dma_wait3A_341 = tpu.memref_slice %arg4[%dma_wait3A_328, %dma_wait3A_329, %dma_wait3A_330, %dma_wait3A_339, %dma_wait3A_340] : memref<50x8x128x8x128xf32, #tpu.memory_space<hbm>> -> memref<1x1x1x8x128xf32, #tpu.memory_space<hbm>>
      %dma_wait3A_342 = tpu.memref_squeeze %dma_wait3A_341 : memref<1x1x1x8x128xf32, #tpu.memory_space<hbm>> -> memref<8x128xf32, #tpu.memory_space<hbm>>
      %dma_wait3A_343 = arith.constant 0 : i32
      %dma_wait3A_344 = arith.constant 0 : i32
      %dma_wait3A_345 = tpu.memref_slice %arg10[%dma_wait3A_327, %dma_wait3A_343, %dma_wait3A_344] : memref<8x8x128xf32, #tpu.memory_space<vmem>> -> memref<1x8x128xf32, #tpu.memory_space<vmem>>
      %dma_wait3A_346 = tpu.memref_squeeze %dma_wait3A_345 : memref<1x8x128xf32, #tpu.memory_space<vmem>> -> memref<8x128xf32, #tpu.memory_space<vmem>>
      tpu.wait_dma2 semaphore(%arg14 : memref<!tpu.dma_semaphore, #tpu.memory_space<semaphore_mem>>) src(%dma_wait3A_346 : memref<8x128xf32, #tpu.memory_space<vmem>>) dst(%dma_wait3A_342 : memref<8x128xf32, #tpu.memory_space<hbm>>)
      %dma_wait3A_347 = arith.constant 7 : i32
      %dma_wait3A_348 = arith.constant 0 : i32
      %dma_wait3A_349 = arith.constant 7 : i32
      %dma_wait3A_350 = arith.constant 0 : i32
      %dma_wait3A_351 = arith.constant 0 : i32
      %dma_wait3A_352 = arith.constant 0 : i32
      %dma_wait3A_353 = tpu.memref_slice %arg10[%dma_wait3A_347, %dma_wait3A_351, %dma_wait3A_352] : memref<8x8x128xf32, #tpu.memory_space<vmem>> -> memref<1x8x128xf32, #tpu.memory_space<vmem>>
      %dma_wait3A_354 = tpu.memref_squeeze %dma_wait3A_353 : memref<1x8x128xf32, #tpu.memory_space<vmem>> -> memref<8x128xf32, #tpu.memory_space<vmem>>
      %dma_wait3A_355 = arith.constant 0 : i32
      %dma_wait3A_356 = arith.constant 0 : i32
      %dma_wait3A_357 = tpu.memref_slice %arg4[%dma_wait3A_348, %dma_wait3A_349, %dma_wait3A_350, %dma_wait3A_355, %dma_wait3A_356] : memref<50x8x128x8x128xf32, #tpu.memory_space<hbm>> -> memref<1x1x1x8x128xf32, #tpu.memory_space<hbm>>
      %dma_wait3A_358 = tpu.memref_squeeze %dma_wait3A_357 : memref<1x1x1x8x128xf32, #tpu.memory_space<hbm>> -> memref<8x128xf32, #tpu.memory_space<hbm>>
      %dma_wait3A_359 = arith.constant 0 : i32
      %dma_wait3A_360 = arith.constant 0 : i32
      %dma_wait3A_361 = tpu.memref_slice %arg4[%dma_wait3A_348, %dma_wait3A_349, %dma_wait3A_350, %dma_wait3A_359, %dma_wait3A_360] : memref<50x8x128x8x128xf32, #tpu.memory_space<hbm>> -> memref<1x1x1x8x128xf32, #tpu.memory_space<hbm>>
      %dma_wait3A_362 = tpu.memref_squeeze %dma_wait3A_361 : memref<1x1x1x8x128xf32, #tpu.memory_space<hbm>> -> memref<8x128xf32, #tpu.memory_space<hbm>>
      %dma_wait3A_363 = arith.constant 0 : i32
      %dma_wait3A_364 = arith.constant 0 : i32
      %dma_wait3A_365 = tpu.memref_slice %arg10[%dma_wait3A_347, %dma_wait3A_363, %dma_wait3A_364] : memref<8x8x128xf32, #tpu.memory_space<vmem>> -> memref<1x8x128xf32, #tpu.memory_space<vmem>>
      %dma_wait3A_366 = tpu.memref_squeeze %dma_wait3A_365 : memref<1x8x128xf32, #tpu.memory_space<vmem>> -> memref<8x128xf32, #tpu.memory_space<vmem>>
      tpu.wait_dma2 semaphore(%arg14 : memref<!tpu.dma_semaphore, #tpu.memory_space<semaphore_mem>>) src(%dma_wait3A_366 : memref<8x128xf32, #tpu.memory_space<vmem>>) dst(%dma_wait3A_362 : memref<8x128xf32, #tpu.memory_space<hbm>>)
    }
    %scan3A_28 = arith.constant 4 : i32
    return
  }
}

</mosaic_0001>

<sc_bundles>
// kernel: _embedding_lookup.3.cloned.1.call-start
scs
__scs_entry_jumppad:
0x0: {  	(pc) =	sbr.rel $0x88, $3  }
0x1: {  	(tag) =	ssettag $0x0;
	lr =	simm.s32 $0x1  }
0x2: {  	[smem:$0x3F9F] =	sst lr;
	_ =	strace $0xD0000000  }
0x3: {  	_ = 	snop  }
0x4: {  	_ = 	snop  }
0x5: {  	_ = 	snop  }
0x6: {  	_ = 	snop  }
0x7: {  	_ = 	snop  }
__scs_overlays_trampoline_lowered:
0x8: {  	[smem:$0x3FAE] =	sst s0  }
0x9: {  	[smem:$0x3FAF] =	sst s1  }
0xa: {  	[smem:$0x3FB0] =	sst s2  }
0xb: {  	[smem:$0x3FB1] =	sst s3  }
0xc: {  	[smem:$0x3FB2] =	sst s4  }
0xd: {  	[smem:$0x3FB3] =	sst s5  }
0xe: {  	[smem:$0x3FB4] =	sst s6  }
0xf: {  	[smem:$0x3FB5] =	sst s7  }
0x10: {  	[smem:$0x3FB6] =	sst s8  }
0x11: {  	[smem:$0x3FB7] =	sst s9;
	s0 =	simm.s32 @!p0 $0x0  }
0x12: {  	s1 =	sld [smem:$0x3F9D];
	s0 =	simm.s32 @p0 $0x1  }
0x13: {  	[smem:$0x3FB8] =	sst s0;
	s0 =	simm.s32 @!p1 $0x0  }
0x14: {  	s2 =	sld [smem:$0x3F9C];
	s0 =	simm.s32 @p1 $0x1  }
0x15: {  	[smem:$0x3FB9] =	sst s0;
	s0 =	simm.s32 @!p2 $0x0  }
0x16: {  	s3 =	sld [smem:$0x3FDB];
	s0 =	simm.s32 @p2 $0x1  }
0x17: {  	s4 =	simm.s32 $0x1BF5;
	[smem:$0x3FBB] =	sst s0  }
0x18: {  	s0 =	sld [smem:$0x3F9E];
	_ =	swait.ge [sflag:s4], $0x0  }
0x19: {  	s7 =	sld [smem:$0x3F9F]  }
0x1a: {  	s8 =	sadd.s32 $0xFFFFE003, lr  }
0x1b: {  	s9 =	sadd.s32 $0xFFFFFEF7, lr;
	s5 =	simm.s32 $0xFFFFFFFF;
	p2 =	slt.u32 s8, $0xFFFFF086  }
0x1c: {  	p1 =	slt.u32 s9, $0xF7A;
	s5 =	simm.s32 @!p2 $0x0  }
0x1d: {  	s5 =	simm.s32 @p1 $0x1;
	p0 =	seq.s32 s7, s2  }
0x1e: {  	s7 =	smul.u32 @!p0 $0xF7A, s2;
	p2 =	seq.s32 @!p0 s5, $0x0  }
0x1f: {  	s9 =	smul.u32 $0xF7A, s1;
	s8 =	simm.s32 @!p0 $0x1BF5;
	p2 =	por !p2, p0  }
0x20: {  	[sflag:s8] =	ssyncset.s32 @!p0 $0xFFFFF086;
	s6 =	sadd.s32 @!p0 s3, s7;
	s7 =	simm.s32 @!p0 $0x108  }
0x21: {  	s3 =	sadd.s32 s3, s9;
	s6 =	sadd.s32 @!p0 $0x88, s6;
	s7 =	simm.s32 @p2 $0x1082  }
0x22: {  	[simem:s7], [sflag:s8] =	dma.local @!p0 [hbm:s6], $0xF7A  }
0x23: {  	s9 =	sor.u32 $0xD0000000, s2;
	s6 =	simm.s32 $0x108;
	_ =	swait.ge @!p0 [sflag:s8], $0x0  }
0x24: {  	s3 =	sadd.s32 $0x88, s3;
	s6 =	simm.s32 @!p1 $0x1082;
	[sflag:s4] =	ssyncset.s32 $0xFFFFF086  }
0x25: {  	[simem:s6], [sflag:s4] =	dma.local [hbm:s3], $0xF7A  }
0x26: {  	[smem:$0x3F9F] =	sst s1;
	(tag) =	ssettag s2;
	_ =	strace s9  }
0x27: {  	s1 =	sld [smem:$0x3FAF]  }
0x28: {  	s2 =	sld [smem:$0x3FB0]  }
0x29: {  	s4 =	sld [smem:$0x3FB2]  }
0x2a: {  	p0 =	seq.s32 s5, $0x0;
	s5 =	sld [smem:$0x3FB3]  }
0x2b: {  	s6 =	sld [smem:$0x3FB4]  }
0x2c: {  	s7 =	sld [smem:$0x3FB5]  }
0x2d: {  	s3 =	simm.s32 $0x108;
	s8 =	sld [smem:$0x3FB6]  }
0x2e: {  	s3 =	simm.s32 @!p0 $0x1082;
	s9 =	sld [smem:$0x3FB7]  }
0x2f: {  	lr =	sadd.s32 s0, s3;
	s0 =	sld [smem:$0x3FAE]  }
0x30: {  	s3 =	sld [smem:$0x3FB1]  }
0x31: {  	[smem:$0x3FBA] =	sst s10  }
0x32: {  	s10 =	sld [smem:$0x3FB8];
	_ =	sdelay $0x3  }
0x33: {  	p0 =	seq.s32 s10, $0x1;
	s10 =	sld [smem:$0x3FBA];
	_ =	sdelay $0x3  }
0x34: {  	[smem:$0x3FBA] =	sst s10  }
0x35: {  	s10 =	sld [smem:$0x3FB9];
	_ =	sdelay $0x3  }
0x36: {  	p1 =	seq.s32 s10, $0x1;
	s10 =	sld [smem:$0x3FBA];
	_ =	sdelay $0x3  }
0x37: {  	[smem:$0x3FBA] =	sst s10  }
0x38: {  	s10 =	sld [smem:$0x3FBB]  }
0x39: {  	_ = 	snop;
	(pc) =	sbr.ind lr, $3  }
0x3a: {  	_ = 	snop  }
0x3b: {  	_ = 	snop  }
0x3c: {  	p2 =	seq.s32 s10, $0x1;
	s10 =	sld [smem:$0x3FBA]  }
0x3d: {  	_ =	shalt  }
0x3e: {  	_ =	shalt  }
0x3f: {  	_ =	shalt  }
0x40: {  	_ =	shalt  }
0x41: {  	_ =	shalt  }
0x42: {  	_ =	shalt  }
0x43: {  	_ =	shalt  }
0x44: {  	_ =	shalt  }
0x45: {  	_ =	shalt  }
0x46: {  	_ =	shalt  }
0x47: {  	_ =	shalt  }
0x48: {  	_ =	shalt  }
0x49: {  	_ =	shalt  }
0x4a: {  	_ =	shalt  }
0x4b: {  	_ =	shalt  }
0x4c: {  	_ =	shalt  }
0x4d: {  	_ =	shalt  }
0x4e: {  	_ =	shalt  }
0x4f: {  	_ =	shalt  }
0x50: {  	_ =	shalt  }
0x51: {  	_ =	shalt  }
0x52: {  	_ =	shalt  }
0x53: {  	_ =	shalt  }
0x54: {  	_ =	shalt  }
0x55: {  	_ =	shalt  }
0x56: {  	_ =	shalt  }
0x57: {  	_ =	shalt  }
0x58: {  	_ =	shalt  }
0x59: {  	_ =	shalt  }
0x5a: {  	_ =	shalt  }
0x5b: {  	_ =	shalt  }
0x5c: {  	_ =	shalt  }
0x5d: {  	_ =	shalt  }
0x5e: {  	_ =	shalt  }
0x5f: {  	_ =	shalt  }
0x60: {  	_ =	shalt  }
0x61: {  	_ =	shalt  }
0x62: {  	_ =	shalt  }
0x63: {  	_ =	shalt  }
0x64: {  	_ =	shalt  }
0x65: {  	_ =	shalt  }
0x66: {  	_ =	shalt  }
0x67: {  	_ =	shalt  }
0x68: {  	_ =	shalt  }
0x69: {  	_ =	shalt  }
0x6a: {  	_ =	shalt  }
0x6b: {  	_ =	shalt  }
0x6c: {  	_ =	shalt  }
0x6d: {  	_ =	shalt  }
0x6e: {  	_ =	shalt  }
0x6f: {  	_ =	shalt  }
0x70: {  	_ =	shalt  }
0x71: {  	_ =	shalt  }
0x72: {  	_ =	shalt  }
0x73: {  	_ =	shalt  }
0x74: {  	_ =	shalt  }
0x75: {  	_ =	shalt  }
0x76: {  	_ =	shalt  }
0x77: {  	_ =	shalt  }
0x78: {  	_ =	shalt  }
0x79: {  	_ =	shalt  }
0x7a: {  	_ =	shalt  }
0x7b: {  	_ =	shalt  }
0x7c: {  	_ =	shalt  }
0x7d: {  	_ =	shalt  }
0x7e: {  	_ =	shalt  }
0x7f: {  	_ =	shalt  }
0x80: {  	_ =	shalt  }
0x81: {  	_ =	shalt  }
0x82: {  	_ =	shalt  }
0x83: {  	_ =	shalt  }
0x84: {  	_ =	shalt  }
0x85: {  	_ =	shalt  }
0x86: {  	_ =	shalt  }
0x87: {  	_ =	shalt  }
.Lfunc_end0:
.L_simem_size_0:
called_computation_lowered:
.L_overlay_start_0:
0x88: {  	s2 =	sld [smem:$0x3FD9]  }
0x89: {  	s3 =	sld [smem:$0x3FFE];
	_ =	sdelay $0x1  }
0x8a: {  	s1 =	srdreg.scid  }
0x8b: {  	s0 =	sand.u32 $0x1, s1  }
0x8c: {  	s17 =	sshll.u32 s0, $0xA;
	s2 =	sadd.s32 s3, s2  }
0x8d: {  	s2 =	sadd.s32 s2, s17  }
0x8e: {  	[smem:$0x3FC6] =	sst s2  }
0x8f: {  	_ = 	snop  }
0x90: {  	s2 =	sld [smem:$0x3FD0];
	(tm) =	ssettm $0x1  }
0x91: {  	s18 =	sld [smem:$0x3FFB];
	_ =	sdelay $0x3  }
0x92: {  	_ =	strace s18  }
0x93: {  	s3 =	sld [smem:$0x3FFC];
	_ =	sdelay $0x3  }
0x94: {  	_ =	strace s3  }
0x95: {  	s3 =	sld [smem:$0x3FFD];
	_ =	sdelay $0x3  }
0x96: {  	_ =	strace s3  }
0x97: {  	_ =	strace $0x8FFFFFFF  }
0x98: {  	s19 =	sld [smem:$0x3FDB];
	_ =	sdelay $0x1  }
0x99: {  	s4 =	simm.s32 $_scs_section_size  }
0x9a: {  	s5 =	simm.s32 $_size__tile_overlayer_lowered;
	s6 =	simm.s32 $_tile_overlayer_lowered  }
0x9b: {  	s22 =	simm.s32 $0x1BFF;
	s21 =	sshll.u32 s6, $0x1;
	s3 =	sadd.s32 s4, s19  }
0x9c: {  	s7 =	simm.s32 $0x0;
	s20 =	sshll.u32 s5, $0x1;
	s5 =	sadd.s32 s21, s3  }
0x9d: {  	[timem:s7], [sflag:s22] =	dma.local [hbm:s5], s20  }
0x9e: {  	_ =	swait.ge [sflag:s22], s20  }
0x9f: {  	s4 =	ssub.s32 $0x0, s20;
	[sflag:s22] =	ssyncset.done $0x0  }
0xa0: {  	[sflag:s22] =	ssyncadd.s32 s4;
	_ =	sdelay $0x1  }
0xa1: {  	s23 =	simm.s32 $0x1B8B  }
0xa2: {  	_ =	swait.ge [sflag:s23], $0x1  }
0xa3: {  	[sflag:s23] =	ssyncset.done $0x0  }
0xa4: {  	s25 =	simm.s32 $0x1B8E;
	s24 =	sld [smem:$0x3FFE];
	[sflag:s23] =	ssyncadd.s32 $0xFFFFFFFF  }
0xa5: {  	s26 =	simm.s32 $execute0_lowered;
	[smem:$0x3FD2] =	sst s25  }
0xa6: {  	s5 =	sshll.u32 s26, $0x1;
	_ =	strace $0x80000046;
	[dreg:$0x1] =	wrdreg $0xFFFFFFFF  }
0xa7: {  	s28 =	simm.s32 $_size_execute0_lowered;
	s3 =	sadd.s32 s3, s5;
	[dreg:$0x0] =	wrdreg $0x0  }
0xa8: {  	s5 =	sshll.u32 s28, $0x1;
	[dreg:$0x2] =	wrdreg s3  }
0xa9: {  	[dreg:$0x3] =	wrdreg s5  }
0xaa: {  	[dreg:$0x4] =	wrdreg $0xC0  }
0xab: {  	_ =	task [dreg:s7], $0x5FFFF  }
0xac: {  	[dreg:$0x1] =	wrdreg $0xFFFFFFFF  }
0xad: {  	[dreg:$0x0] =	wrdreg $0x60  }
0xae: {  	[dreg:$0x2] =	wrdreg s24  }
0xaf: {  	[dreg:$0x3] =	wrdreg s2  }
0xb0: {  	[dreg:$0x4] =	wrdreg $0x9  }
0xb1: {  	_ =	task.clear_ibuf [dreg:s7], $0x5FFFF;
	_ =	strace $0x90000046  }
0xb2: {  	s29 =	simm.s32 $0x9;
	_ =	strace $0x80000048  }
0xb3: {  	_ =	swait.ge [sflag:s29], $0x1  }
0xb4: {  	[sflag:s29] =	ssyncadd.s32 $0xFFFFFFFF  }
0xb5: {  	_ =	strace $0x90000048  }
0xb6: {  	_ =	sfence  }
0xb7: {  	s30 =	sld [smem:$0x0];
	_ =	sdelay $0x2  }
0xb8: {  	s31 =	sshll.u32 s1, $0xD;
	s1 =	sshrl.u32 s1, $0x2  }
0xb9: {  	s3 =	sand.u32 $0x4000, s31;
	s1 =	sadd.s32 s1, s30  }
0xba: {  	s0 =	sor.u32 s3, s0;
	s1 =	sshll.u32 s1, $0x11  }
0xbb: {  	s0 =	sor.u32 s1, s0  }
0xbc: {  	s0 =	sadd.s32 $0x8F2B, s0  }
0xbd: {  	[sflag:s0] =	ssyncadd.remote.s32 $0x1  }
0xbe: {  	_ =	sfence.sel $0xFFFF  }
0xbf: {  	[dreg:$0x0] =	wrdreg $0xFFFFFFFF;
	(pc) =	sbr.abs _section_cstart, $3  }
0xc0: {  	[dreg:$0x1] =	wrdreg $0xFFFFFFFF  }
0xc1: {  	_ =	task.clear_ibuf [dreg:s7], $0x2FFFF;
	_ =	strace $0x9FFFFFFF  }
0xc2: {  	(tm) =	ssettm $0x7FFFFFFF  }
0xc3: {  	_ =	shalt  }
tec
execute0_lowered:
.L_overlay_start_1:
0x0: {  	(tag) =	ssettag $0x1  }
0x1: {  	s0 =	rddreg [dreg:$0x0]  }
0x2: {  	s1 =	rddreg [dreg:$0x1];
	s2 =	simm.s32 $0x0  }
0x3: {  	s3 =	srdreg.scid;
	s5 =	stileid.u32;
	s9 =	simm.s32 $0x80  }
0x4: {  	s11 =	simm.s32 $0x3500;
	s12 =	simm.s32 $0x5500;
	s13 =	simm.s32 $0x1  }
0x5: {  	s17 =	simm.s32 $0x8100;
	s18 =	simm.s32 $0x8500;
	s19 =	simm.s32 $0x8900  }
0x6: {  	s20 =	simm.s32 $0x8D00;
	s21 =	simm.s32 $0x9100;
	s22 =	simm.s32 $0x2  }
0x7: {  	v3 =	vlaneseq.u32;
	s23 =	simm.s32 $0x9500;
	s24 =	simm.s32 $0x9900;
	s28 =	simm.s32 $0xA500  }
0x8: {  	s29 =	simm.s32 $0xA900;
	s30 =	simm.s32 $0xAD00;
	s31 =	simm.s32 $0xB100;
	v0 =	vmul.u32 $0x38, v3  }
0x9: {  	[smem:$0x7FF] =	sst s2;
	s3 =	sand.u32 $0x1, s3;
	s4 =	sadd.s32 $0x600, s0  }
0xa: {  	s7 =	sshll.u32 s5, $0x3;
	s5 =	sadd.s32 $0xF42A00, s0;
	v3 =	vmul.u32 $0x40, v3;
	s25 =	ssub.s32 $0x2, s3;
	v1 =	vadd.s32 $0x380, v0;
	v2 =	vadd.s32 $0x700, v0  }
0xb: {  	_ =	strace $0x80000047;
	s3 =	sshll.u32 s3, $0x2;
	s6 =	sshrl.u32 s25, $0x1;
	v4 =	vadd.s32 $0xA80, v0;
	v5 =	vadd.s32 $0xE00, v0;
	v6 =	vadd.s32 $0x1180, v0  }
0xc: {  	[dreg:$0x3] =	wrdreg s4;
	s3 =	sor.u32 s3, s7;
	v7 =	vadd.s32 $0x1500, v0;
	v8 =	vadd.s32 $0x1880, v0;
	v9 =	vor.u32 $0x400, v3;
	s26 =	ssub.s32 s25, s6  }
0xd: {  	v10 =	vor.u32 $0x800, v3;
	v11 =	vor.u32 $0xC00, v3;
	v12 =	vor.u32 $0x1000, v3;
	[dreg:$0x4] =	wrdreg s3;
	s25 =	simm.s32 $0x9D00;
	s0 =	smax.u32 s26, $0x1  }
0xe: {  	v13 =	vor.u32 $0x1400, v3;
	v14 =	vor.u32 $0x1800, v3;
	v15 =	vor.u32 $0x1C00, v3;
	s3 =	simm.s32 $0x0;
	s26 =	simm.s32 $0xA100;
	[dreg:$0x5] =	wrdreg s0  }
.LBB2_1:
0xf: {  	[dreg:$0x6] =	wrdreg s3;
	s3 =	simm.s32 $0x0  }
.LBB2_2:
0x10: {  	s0 =	rddreg [dreg:$0x4]  }
0x11: {  	s6 =	simm.s32 $0x4;
	s10 =	sadd.s32 s0, s3  }
0x12: {  	[dreg:$0x7] =	wrdreg s3;
	s4 =	simm.s32 $0x1;
	v16 =	vmov s6;
	s3 =	smul.u32 $0x380, s10  }
0x13: {  	s7 =	simm.s32 $0x2;
	s8 =	rddreg [dreg:$0x3];
	s14 =	simm.s32 $0x0;
	v17 =	vmov s4;
	v20 =	vand.u32 $0x7F, v16  }
0x14: {  	s15 =	simm.s32 $0x3;
	s16 =	simm.s32 $0x5;
	v24 =	vand.u32 $0x7F, v17;
	v16 =	vmov s7;
	v17 =	vadd.s32 v0, v20;
	s3 =	sadd.s32 s8, s3  }
0x15: {  	v18 =	vadd.s32 v0, v24;
	v25 =	vand.u32 $0x7F, v16;
	v16 =	vmov s15;
	[tilespmem:s14], [sflag:$0x5] =	stream.linear.gather [hbm4b:s3+s14], $0x1C00, $0x38;
	[tilespmem:$0xB500] =	vst v63  }
0x16: {  	v19 =	vmov s14;
	v21 =	vadd.s32 v0, v25;
	v23 =	vand.u32 $0x7F, v16;
	_ =	swait.ge [sflag:s16], $0x1C00  }
0x17: {  	v22 =	vand.u32 $0x3F, v19;
	v16 =	vadd.s32 v0, v23;
	[sflag:s16] =	ssyncset.done $0x0  }
0x18: {  	v19 =	vadd.s32 v0, v22;
	[sflag:s16] =	ssyncadd.s32 $0xFFFFE400  }
0x19: {  	v17 =	vld.idx.msk [tilespmem:v17+s2+$0x0], $0xffff  }
0x1a: {  	v26 =	vadd.s32 v1, v20;
	v18 =	vld.idx.msk [tilespmem:v18+s2+$0x0], $0xffff  }
0x1b: {  	v27 =	vadd.s32 v1, v24;
	v21 =	vld.idx.msk [tilespmem:v21+s2+$0x0], $0xffff  }
0x1c: {  	v28 =	vadd.s32 v1, v25;
	v16 =	vld.idx.msk [tilespmem:v16+s2+$0x0], $0xffff  }
0x1d: {  	s6 =	simm.s32 $0x1D40;
	v29 =	vadd.s32 v1, v23;
	v19 =	vld.idx.msk [tilespmem:v19+s2+$0x0], $0xffff  }
0x1e: {  	[tilespmem:s6+$0xC0] =	vst v17;
	v17 =	vadd.s32 v1, v22  }
0x1f: {  	[tilespmem:s6+$0xFFFFFF40] =	vst v18;
	v18 =	vld.idx.msk [tilespmem:v26+s2+$0x0], $0xffff  }
0x20: {  	[tilespmem:s6+$0xFFFFFFC0] =	vst v21;
	v21 =	vadd.s32 v2, v20;
	v26 =	vld.idx.msk [tilespmem:v27+s2+$0x0], $0xffff  }
0x21: {  	v27 =	vadd.s32 v2, v24;
	v28 =	vld.idx.msk [tilespmem:v28+s2+$0x0], $0xffff;
	[tilespmem:s6+$0x40] =	vst v16  }
0x22: {  	[tilespmem:s6+$0xFFFFFEC0] =	vst v19;
	v19 =	vadd.s32 v2, v25;
	v16 =	vld.idx.msk [tilespmem:v29+s2+$0x0], $0xffff  }
0x23: {  	v29 =	vadd.s32 v2, v23;
	v17 =	vld.idx.msk [tilespmem:v17+s2+$0x0], $0xffff  }
0x24: {  	[tilespmem:s6+$0xD0] =	vst v18;
	v18 =	vadd.s32 v2, v22  }
0x25: {  	[tilespmem:s6+$0xFFFFFF50] =	vst v26;
	v21 =	vld.idx.msk [tilespmem:v21+s2+$0x0], $0xffff  }
0x26: {  	[tilespmem:s6+$0xFFFFFFD0] =	vst v28;
	v26 =	vld.idx.msk [tilespmem:v27+s2+$0x0], $0xffff;
	v27 =	vadd.s32 v4, v20  }
0x27: {  	v28 =	vadd.s32 v4, v24;
	v19 =	vld.idx.msk [tilespmem:v19+s2+$0x0], $0xffff;
	[tilespmem:s6+$0x50] =	vst v16  }
0x28: {  	s3 =	simm.s32 $0x5;
	[tilespmem:s6+$0xFFFFFED0] =	vst v17;
	v17 =	vld.idx.msk [tilespmem:v29+s2+$0x0], $0xffff;
	v29 =	vadd.s32 v4, v25  }
0x29: {  	v30 =	vadd.s32 v4, v23;
	v16 =	vmov s3;
	v18 =	vld.idx.msk [tilespmem:v18+s2+$0x0], $0xffff  }
0x2a: {  	v16 =	vand.u32 $0x3F, v16;
	[tilespmem:s6+$0xE0] =	vst v21;
	v21 =	vadd.s32 v4, v22  }
0x2b: {  	v31 =	vadd.s32 v0, v16;
	[tilespmem:s6+$0xFFFFFF60] =	vst v26;
	v26 =	vld.idx.msk [tilespmem:v27+s2+$0x0], $0xffff  }
0x2c: {  	[tilespmem:s6+$0xFFFFFFE0] =	vst v19;
	v27 =	vld.idx.msk [tilespmem:v28+s2+$0x0], $0xffff;
	v28 =	vadd.s32 v5, v20  }
0x2d: {  	v32 =	vadd.s32 v5, v24;
	v29 =	vld.idx.msk [tilespmem:v29+s2+$0x0], $0xffff;
	[tilespmem:s6+$0x60] =	vst v17  }
0x2e: {  	s4 =	simm.s32 $0x6;
	[tilespmem:s6+$0xFFFFFEE0] =	vst v18;
	v18 =	vld.idx.msk [tilespmem:v30+s2+$0x0], $0xffff;
	v30 =	vadd.s32 v5, v25  }
0x2f: {  	v33 =	vadd.s32 v5, v23;
	v17 =	vmov s4;
	v21 =	vld.idx.msk [tilespmem:v21+s2+$0x0], $0xffff  }
0x30: {  	v31 =	vld.idx.msk [tilespmem:v31+s2+$0x0], $0xffff;
	v19 =	vand.u32 $0x7F, v17;
	[tilespmem:s6+$0xF0] =	vst v26;
	v26 =	vadd.s32 v5, v22  }
0x31: {  	s7 =	simm.s32 $0x7;
	[tilespmem:s6+$0xFFFFFF70] =	vst v27;
	v27 =	vld.idx.msk [tilespmem:v28+s2+$0x0], $0xffff;
	v28 =	vadd.s32 v0, v19  }
0x32: {  	v17 =	vmov s7;
	v32 =	vld.idx.msk [tilespmem:v32+s2+$0x0], $0xffff;
	[tilespmem:s6+$0xFFFFFFF0] =	vst v29;
	v29 =	vadd.s32 v6, v20  }
0x33: {  	v34 =	vadd.s32 v6, v24;
	v17 =	vand.u32 $0x7F, v17;
	v30 =	vld.idx.msk [tilespmem:v30+s2+$0x0], $0xffff;
	[tilespmem:s6+$0x70] =	vst v18  }
0x34: {  	s8 =	simm.s32 $0x9;
	v18 =	vadd.s32 v0, v17;
	[tilespmem:s6+$0xFFFFFEF0] =	vst v21;
	v33 =	vld.idx.msk [tilespmem:v33+s2+$0x0], $0xffff  }
0x35: {  	v35 =	vadd.s32 v6, v25;
	v21 =	vmov s8;
	v26 =	vld.idx.msk [tilespmem:v26+s2+$0x0], $0xffff  }
0x36: {  	v36 =	vadd.s32 v6, v23;
	v21 =	vand.u32 $0x7F, v21;
	v28 =	vld.idx.msk [tilespmem:v28+s2+$0x0], $0xffff;
	[tilespmem:s6+$0x100] =	vst v27  }
0x37: {  	v27 =	vadd.s32 v0, v21;
	[tilespmem:s6+$0xFFFFFF80] =	vst v32;
	v29 =	vld.idx.msk [tilespmem:v29+s2+$0x0], $0xffff  }
0x38: {  	v42 =	vadd.s32 v6, v22;
	v34 =	vld.idx.msk [tilespmem:v34+s2+$0x0], $0xffff  }
0x39: {  	s14 =	simm.s32 $0x8;
	v37 =	vld.idx.msk [tilespmem:v18+s2+$0x0], $0xffff;
	[tilespmem:s6+$0x0] =	vst v30;
	v30 =	vadd.s32 v7, v20  }
0x3a: {  	v38 =	vadd.s32 v7, v24;
	v18 =	vmov s14;
	v35 =	vld.idx.msk [tilespmem:v35+s2+$0x0], $0xffff;
	[tilespmem:s6+$0x80] =	vst v33  }
0x3b: {  	v45 =	vadd.s32 v1, v17;
	v18 =	vand.u32 $0x7F, v18;
	v36 =	vld.idx.msk [tilespmem:v36+s2+$0x0], $0xffff  }
0x3c: {  	v43 =	vadd.s32 v0, v18;
	[tilespmem:s6+$0xFFFFFF00] =	vst v26;
	v26 =	vld.idx.msk [tilespmem:v27+s2+$0x0], $0xffff  }
0x3d: {  	v27 =	vadd.s32 v7, v25;
	v32 =	vld.idx.msk [tilespmem:v42+s2+$0x0], $0xffff;
	[tilespmem:s6+$0x110] =	vst v29  }
0x3e: {  	v39 =	vadd.s32 v7, v23;
	s4 =	simm.s32 $0x1FC0;
	[tilespmem:s6+$0xFFFFFF90] =	vst v34;
	v30 =	vld.idx.msk [tilespmem:v30+s2+$0x0], $0xffff  }
0x3f: {  	v29 =	vadd.s32 v1, v21;
	v38 =	vld.idx.msk [tilespmem:v38+s2+$0x0], $0xffff;
	[tilespmem:s4+$0xFFFFFFC0] =	vst v37  }
0x40: {  	v44 =	vadd.s32 v1, v19;
	[tilespmem:s6+$0x10] =	vst v35;
	v35 =	vld.idx.msk [tilespmem:v45+s2+$0x0], $0xffff  }
0x41: {  	[tilespmem:s4+$0xFFFFFEC0] =	vst v31;
	v20 =	vadd.s32 v8, v20;
	v33 =	vld.idx.msk [tilespmem:v43+s2+$0x0], $0xffff  }
0x42: {  	v50 =	vadd.s32 v2, v17;
	[tilespmem:s6+$0x90] =	vst v36;
	v27 =	vld.idx.msk [tilespmem:v27+s2+$0x0], $0xffff  }
0x43: {  	v46 =	vadd.s32 v1, v18;
	[tilespmem:s4+$0xC0] =	vst v26;
	v39 =	vld.idx.msk [tilespmem:v39+s2+$0x0], $0xffff  }
0x44: {  	[tilespmem:s4+$0xFFFFFF40] =	vst v28;
	v26 =	vadd.s32 v1, v16;
	v28 =	vld.idx.msk [tilespmem:v29+s2+$0x0], $0xffff  }
0x45: {  	v47 =	vadd.s32 v7, v22;
	v29 =	vld.idx.msk [tilespmem:v44+s2+$0x0], $0xffff;
	[tilespmem:s6+$0x120] =	vst v30  }
0x46: {  	v23 =	vadd.s32 v8, v23;
	s8 =	simm.s32 $0xA;
	v40 =	vld.idx.msk [tilespmem:v20+s2+$0x0], $0xffff;
	[tilespmem:s4+$0xFFFFFFD0] =	vst v35  }
0x47: {  	v48 =	vadd.s32 v2, v21;
	v30 =	vmov s8;
	[tilespmem:s4+$0x40] =	vst v33;
	v36 =	vld.idx.msk [tilespmem:v50+s2+$0x0], $0xffff  }
0x48: {  	[tilespmem:s6+$0xFFFFFF10] =	vst v32;
	v20 =	vand.u32 $0x3F, v30;
	v30 =	vadd.s32 v2, v19;
	v31 =	vld.idx.msk [tilespmem:v46+s2+$0x0], $0xffff  }
0x49: {  	v49 =	vadd.s32 v0, v20;
	v26 =	vld.idx.msk [tilespmem:v26+s2+$0x0], $0xffff;
	[tilespmem:s6+$0xA0] =	vst v39  }
0x4a: {  	v53 =	vadd.s32 v8, v24;
	[tilespmem:s4+$0xD0] =	vst v28;
	v28 =	vld.idx.msk [tilespmem:v47+s2+$0x0], $0xffff  }
0x4b: {  	v51 =	vadd.s32 v2, v18;
	[tilespmem:s6+$0x20] =	vst v27;
	v27 =	vld.idx.msk [tilespmem:v23+s2+$0x0], $0xffff  }
0x4c: {  	v52 =	vadd.s32 v2, v16;
	[tilespmem:s4+$0xFFFFFF50] =	vst v29;
	v29 =	vld.idx.msk [tilespmem:v48+s2+$0x0], $0xffff  }
0x4d: {  	v57 =	vadd.s32 v4, v17;
	[tilespmem:s6+$0xFFFFFFA0] =	vst v38;
	v30 =	vld.idx.msk [tilespmem:v30+s2+$0x0], $0xffff  }
0x4e: {  	v54 =	vadd.s32 v4, v21;
	v24 =	vld.idx.msk [tilespmem:v49+s2+$0x0], $0xffff;
	[tilespmem:s4+$0x50] =	vst v31  }
0x4f: {  	v55 =	vadd.s32 v4, v19;
	[tilespmem:s4+$0xFFFFFED0] =	vst v26;
	v26 =	vadd.s32 v8, v25;
	v25 =	vld.idx.msk [tilespmem:v53+s2+$0x0], $0xffff  }
0x50: {  	v62 =	vadd.s32 v8, v22;
	v31 =	vld.idx.msk [tilespmem:v51+s2+$0x0], $0xffff  }
0x51: {  	v58 =	vadd.s32 v4, v18;
	[tilespmem:s4+$0xFFFFFFE0] =	vst v36;
	v56 =	vld.idx.msk [tilespmem:v52+s2+$0x0], $0xffff  }
0x52: {  	v34 =	vld.idx.msk [tilespmem:v57+s2+$0x0], $0xffff;
	[tilespmem:s4+$0xE0] =	vst v29;
	v29 =	vadd.s32 v4, v16  }
0x53: {  	[tilespmem:s4+$0xFFFFFF60] =	vst v30;
	v30 =	vld.idx.msk [tilespmem:v54+s2+$0x0], $0xffff  }
0x54: {  	v60 =	vadd.s32 v5, v21;
	[tilespmem:s6+$0xFFFFFF20] =	vst v28;
	v59 =	vld.idx.msk [tilespmem:v55+s2+$0x0], $0xffff  }
0x55: {  	v61 =	vadd.s32 v5, v19;
	v28 =	vld.idx.msk [tilespmem:v62+s2+$0x0], $0xffff;
	[tilespmem:s4+$0x60] =	vst v31  }
0x56: {  	s15 =	simm.s32 $0xB;
	v42 =	vadd.s32 v5, v17;
	[tilespmem:s4+$0xFFFFFEE0] =	vst v56;
	v38 =	vld.idx.msk [tilespmem:v58+s2+$0x0], $0xffff  }
0x57: {  	v22 =	vmov s15;
	v63 =	vadd.s32 v5, v18;
	[tilespmem:s6+$0x130] =	vst v40;
	v41 =	vld.idx.msk [tilespmem:v29+s2+$0x0], $0xffff  }
0x58: {  	v22 =	vand.u32 $0x7F, v22;
	v37 =	vadd.s32 v5, v16;
	v26 =	vld.idx.msk [tilespmem:v26+s2+$0x0], $0xffff;
	[tilespmem:s4+$0xF0] =	vst v30  }
0x59: {  	s16 =	simm.s32 $0xC;
	v29 =	vadd.s32 v0, v22;
	[tilespmem:s4+$0xFFFFFF70] =	vst v59;
	v31 =	vld.idx.msk [tilespmem:v60+s2+$0x0], $0xffff  }
0x5a: {  	v35 =	vadd.s32 v6, v21;
	v23 =	vmov s16;
	[tilespmem:s4+$0xFFFFFFF0] =	vst v34;
	v32 =	vld.idx.msk [tilespmem:v61+s2+$0x0], $0xffff  }
0x5b: {  	v23 =	vand.u32 $0x7F, v23;
	v36 =	vadd.s32 v6, v19;
	v33 =	vld.idx.msk [tilespmem:v42+s2+$0x0], $0xffff;
	[tilespmem:s4+$0x70] =	vst v38  }
0x5c: {  	s0 =	simm.s32 $0xE;
	s7 =	simm.s32 $0xF;
	v30 =	vadd.s32 v0, v23;
	[tilespmem:s4+$0xFFFFFEF0] =	vst v41;
	v34 =	vld.idx.msk [tilespmem:v63+s2+$0x0], $0xffff  }
.LBB2_3:
0x5d: {  	p0 =	slt.u32 s7, $0x2D;
	v38 =	vmov s0;
	v37 =	vld.idx.msk [tilespmem:v37+s2+$0x0], $0xffff;
	v39 =	vadd.s32 v6, v17;
	[tilespmem:s6+$0xFFFFFFB0] =	vst v25  }
0x5e: {  	v25 =	vld.idx.msk [tilespmem:v29+s2+$0x0], $0xffff;
	v29 =	vand.u32 $0x7F, v38;
	v38 =	vadd.s32 v6, v18;
	[tilespmem:s4+$0x100] =	vst v31  }
0x5f: {  	v31 =	vadd.s32 v0, v29;
	[tilespmem:s4+$0xFFFFFF80] =	vst v32;
	v32 =	vld.idx.msk [tilespmem:v35+s2+$0x0], $0xffff  }
0x60: {  	s0 =	sadd.s32 $0x3, s8;
	s8 =	smov.u32 s7;
	v35 =	vadd.s32 v6, v16;
	v36 =	vld.idx.msk [tilespmem:v36+s2+$0x0], $0xffff;
	[tilespmem:s6+$0x30] =	vst v26  }
0x61: {  	v26 =	vld.idx.msk [tilespmem:v30+s2+$0x0], $0xffff;
	v30 =	vmov s0;
	[tilespmem:s4+$0x0] =	vst v33;
	v33 =	vadd.s32 v7, v21  }
0x62: {  	v40 =	vadd.s32 v7, v19;
	v30 =	vand.u32 $0x7F, v30;
	v39 =	vld.idx.msk [tilespmem:v39+s2+$0x0], $0xffff;
	[tilespmem:s4+$0x80] =	vst v34  }
0x63: {  	v34 =	vadd.s32 v0, v30;
	[tilespmem:s4+$0xFFFFFF00] =	vst v37;
	v37 =	vld.idx.msk [tilespmem:v38+s2+$0x0], $0xffff  }
0x64: {  	v38 =	vadd.s32 v7, v17;
	v31 =	vld.idx.msk [tilespmem:v31+s2+$0x0], $0xffff;
	[tilespmem:s6+$0xB0] =	vst v27  }
0x65: {  	v27 =	vld.idx.msk [tilespmem:v35+s2+$0x0], $0xffff;
	v35 =	vadd.s32 v7, v18;
	[tilespmem:s4+$0x110] =	vst v32  }
0x66: {  	v32 =	vadd.s32 v1, v29;
	[tilespmem:s4+$0xFFFFFF90] =	vst v36;
	v33 =	vld.idx.msk [tilespmem:v33+s2+$0x0], $0xffff  }
0x67: {  	v36 =	vadd.s32 v1, v22;
	v40 =	vld.idx.msk [tilespmem:v40+s2+$0x0], $0xffff;
	[tilespmem:s6+$0xFFFFFF30] =	vst v28;
	s6 =	smov.u32 s4  }
0x68: {  	v28 =	vld.idx.msk [tilespmem:v34+s2+$0x0], $0xffff;
	[tilespmem:s4+$0x10] =	vst v39;
	v34 =	vadd.s32 v8, v21;
	v21 =	vmov v29  }
0x69: {  	v29 =	vadd.s32 v1, v23;
	s4 =	sadd.s32 $0x280, s4;
	v38 =	vld.idx.msk [tilespmem:v38+s2+$0x0], $0xffff;
	[tilespmem:s6+$0x90] =	vst v37  }
0x6a: {  	v37 =	vadd.s32 v1, v30;
	[tilespmem:s4+$0xC0] =	vst v31;
	v31 =	vld.idx.msk [tilespmem:v35+s2+$0x0], $0xffff  }
0x6b: {  	v35 =	vadd.s32 v1, v20;
	[tilespmem:s4+$0xFFFFFF40] =	vst v25;
	v25 =	vld.idx.msk [tilespmem:v32+s2+$0x0], $0xffff  }
0x6c: {  	v32 =	vld.idx.msk [tilespmem:v36+s2+$0x0], $0xffff;
	v36 =	vadd.s32 v7, v16;
	[tilespmem:s6+$0x120] =	vst v33  }
0x6d: {  	v33 =	vmov s7;
	[tilespmem:s4+$0xFFFFFFC0] =	vst v26;
	v26 =	vadd.s32 v2, v21;
	v34 =	vld.idx.msk [tilespmem:v34+s2+$0x0], $0xffff  }
0x6e: {  	v39 =	vadd.s32 v2, v22;
	v33 =	vand.u32 $0x3F, v33;
	v29 =	vld.idx.msk [tilespmem:v29+s2+$0x0], $0xffff;
	[tilespmem:s4+$0x40] =	vst v28  }
0x6f: {  	v28 =	vadd.s32 v0, v33;
	[tilespmem:s4+$0xFFFFFEC0] =	vst v24;
	v37 =	vld.idx.msk [tilespmem:v37+s2+$0x0], $0xffff  }
0x70: {  	v41 =	vadd.s32 v2, v23;
	v35 =	vld.idx.msk [tilespmem:v35+s2+$0x0], $0xffff;
	[tilespmem:s6+$0xFFFFFF10] =	vst v27  }
0x71: {  	v27 =	vadd.s32 v2, v30;
	[tilespmem:s4+$0xD0] =	vst v25;
	v36 =	vld.idx.msk [tilespmem:v36+s2+$0x0], $0xffff  }
0x72: {  	v25 =	vadd.s32 v2, v20;
	[tilespmem:s4+$0xFFFFFF50] =	vst v32;
	v26 =	vld.idx.msk [tilespmem:v26+s2+$0x0], $0xffff  }
0x73: {  	v32 =	vld.idx.msk [tilespmem:v39+s2+$0x0], $0xffff;
	v39 =	vadd.s32 v8, v19;
	[tilespmem:s6+$0x130] =	vst v34;
	v19 =	vmov v22  }
0x74: {  	v22 =	vadd.s32 v4, v21;
	v24 =	vld.idx.msk [tilespmem:v28+s2+$0x0], $0xffff;
	[tilespmem:s4+$0xFFFFFFD0] =	vst v29  }
0x75: {  	v28 =	vadd.s32 v4, v19;
	v29 =	vld.idx.msk [tilespmem:v41+s2+$0x0], $0xffff;
	[tilespmem:s4+$0x50] =	vst v37  }
0x76: {  	v34 =	vadd.s32 v8, v17;
	v17 =	vmov v23;
	[tilespmem:s4+$0xFFFFFED0] =	vst v35;
	v27 =	vld.idx.msk [tilespmem:v27+s2+$0x0], $0xffff  }
0x77: {  	v35 =	vadd.s32 v4, v17;
	v23 =	vld.idx.msk [tilespmem:v25+s2+$0x0], $0xffff;
	[tilespmem:s6+$0xFFFFFFA0] =	vst v40  }
0x78: {  	v37 =	vadd.s32 v4, v30;
	[tilespmem:s4+$0xE0] =	vst v26;
	v25 =	vld.idx.msk [tilespmem:v39+s2+$0x0], $0xffff  }
0x79: {  	v39 =	vadd.s32 v4, v20;
	[tilespmem:s4+$0xFFFFFF60] =	vst v32;
	v22 =	vld.idx.msk [tilespmem:v22+s2+$0x0], $0xffff  }
0x7a: {  	v32 =	vadd.s32 v8, v18;
	v18 =	vmov v30;
	v28 =	vld.idx.msk [tilespmem:v28+s2+$0x0], $0xffff;
	[tilespmem:s6+$0x20] =	vst v38  }
0x7b: {  	[tilespmem:s4+$0xFFFFFFE0] =	vst v29;
	v29 =	vadd.s32 v5, v21;
	v26 =	vld.idx.msk [tilespmem:v34+s2+$0x0], $0xffff  }
0x7c: {  	v30 =	vadd.s32 v5, v19;
	v34 =	vld.idx.msk [tilespmem:v35+s2+$0x0], $0xffff;
	[tilespmem:s4+$0x60] =	vst v27  }
0x7d: {  	[tilespmem:s4+$0xFFFFFEE0] =	vst v23;
	v38 =	vld.idx.msk [tilespmem:v37+s2+$0x0], $0xffff;
	v23 =	vadd.s32 v8, v16;
	v16 =	vmov v20;
	v20 =	vmov v33  }
0x7e: {  	s0 =	sadd.s32 $0x1, s7;
	v33 =	vadd.s32 v5, v17;
	v39 =	vld.idx.msk [tilespmem:v39+s2+$0x0], $0xffff;
	[tilespmem:s6+$0xA0] =	vst v31  }
0x7f: {  	v40 =	vadd.s32 v5, v18;
	v31 =	vmov s0;
	[tilespmem:s4+$0xF0] =	vst v22;
	v27 =	vld.idx.msk [tilespmem:v32+s2+$0x0], $0xffff  }
.Ltmp0:
0x80: {  	v37 =	vadd.s32 v5, v16;
	v22 =	vand.u32 $0x7F, v31;
	[tilespmem:s4+$0xFFFFFF70] =	vst v28;
	v31 =	vld.idx.msk [tilespmem:v29+s2+$0x0], $0xffff;
	(pc) =	sbr.rel @p0 .LBB2_3-.Ltmp0, $4  }
0x81: {  	s0 =	sadd.s32 $0x2, s7;
	v29 =	vadd.s32 v0, v22;
	v32 =	vld.idx.msk [tilespmem:v30+s2+$0x0], $0xffff;
	[tilespmem:s6+$0xFFFFFF20] =	vst v36  }
0x82: {  	v35 =	vadd.s32 v6, v21;
	v30 =	vmov s0;
	[tilespmem:s4+$0xFFFFFFF0] =	vst v34;
	v28 =	vld.idx.msk [tilespmem:v23+s2+$0x0], $0xffff  }
0x83: {  	v36 =	vadd.s32 v6, v19;
	v23 =	vand.u32 $0x7F, v30;
	v33 =	vld.idx.msk [tilespmem:v33+s2+$0x0], $0xffff;
	[tilespmem:s4+$0x70] =	vst v38  }
0x84: {  	s7 =	sadd.s32 $0x5, s7;
	s0 =	sadd.s32 $0x4, s8;
	v30 =	vadd.s32 v0, v23;
	[tilespmem:s4+$0xFFFFFEF0] =	vst v39;
	v34 =	vld.idx.msk [tilespmem:v40+s2+$0x0], $0xffff  }
0x85: {  	[tilespmem:s6+$0xFFFFFFB0] =	vst v25  }
0x86: {  	[tilespmem:s4+$0x100] =	vst v31  }
0x87: {  	[tilespmem:s6+$0x30] =	vst v26  }
0x88: {  	[tilespmem:s6+$0xB0] =	vst v27  }
0x89: {  	v37 =	vld.idx.msk [tilespmem:v37+s2+$0x0], $0xffff;
	v38 =	vadd.s32 v6, v17;
	s15 =	sadd.s32 $0x280, s4;
	[tilespmem:s4+$0xFFFFFF80] =	vst v32  }
0x8a: {  	v54 =	vadd.s32 v6, v18;
	v29 =	vld.idx.msk [tilespmem:v29+s2+$0x0], $0xffff;
	[tilespmem:s15+$0xFFFFFEC0] =	vst v24  }
0x8b: {  	v53 =	vmov s0;
	v63 =	vld.idx.msk [tilespmem:v30+s2+$0x0], $0xffff;
	v43 =	vadd.s32 v1, v20;
	[tilespmem:s6+$0xFFFFFF30] =	vst v28  }
0x8c: {  	s14 =	sadd.s32 $0x3, s8;
	v61 =	vadd.s32 v6, v16;
	v25 =	vand.u32 $0x7F, v53;
	v35 =	vld.idx.msk [tilespmem:v35+s2+$0x0], $0xffff;
	[tilespmem:s4+$0x0] =	vst v33  }
0x8d: {  	v56 =	vmov s14;
	v55 =	vadd.s32 v0, v25;
	v36 =	vld.idx.msk [tilespmem:v36+s2+$0x0], $0xffff;
	[tilespmem:s4+$0x80] =	vst v34  }
0x8e: {  	v57 =	vadd.s32 v7, v21;
	v26 =	vand.u32 $0x7F, v56;
	v58 =	vld.idx.msk [tilespmem:v38+s2+$0x0], $0xffff;
	[tilespmem:s4+$0xFFFFFF00] =	vst v37  }
0x8f: {  	v59 =	vadd.s32 v0, v26;
	v31 =	vld.idx.msk [tilespmem:v54+s2+$0x0], $0xffff;
	[tilespmem:s15+$0xFFFFFF40] =	vst v29  }
0x90: {  	v40 =	vadd.s32 v1, v23;
	[tilespmem:s15+$0xFFFFFFC0] =	vst v63;
	v48 =	vld.idx.msk [tilespmem:v43+s2+$0x0], $0xffff  }
0x91: {  	v47 =	vadd.s32 v7, v17;
	[tilespmem:s4+$0x110] =	vst v35;
	v41 =	vld.idx.msk [tilespmem:v61+s2+$0x0], $0xffff  }
0x92: {  	v60 =	vld.idx.msk [tilespmem:v55+s2+$0x0], $0xffff;
	[tilespmem:s4+$0xFFFFFF90] =	vst v36;
	v36 =	vadd.s32 v1, v22  }
0x93: {  	v44 =	vadd.s32 v7, v19;
	v33 =	vld.idx.msk [tilespmem:v57+s2+$0x0], $0xffff;
	[tilespmem:s4+$0x10] =	vst v58  }
0x94: {  	v55 =	vadd.s32 v7, v16;
	v38 =	vld.idx.msk [tilespmem:v59+s2+$0x0], $0xffff;
	[tilespmem:s4+$0x90] =	vst v31  }
0x95: {  	v62 =	vadd.s32 v1, v25;
	v31 =	vld.idx.msk [tilespmem:v40+s2+$0x0], $0xffff;
	[tilespmem:s15+$0xFFFFFED0] =	vst v48  }
0x96: {  	v42 =	vadd.s32 v1, v26;
	[tilespmem:s4+$0xFFFFFF10] =	vst v41;
	v24 =	vld.idx.msk [tilespmem:v47+s2+$0x0], $0xffff  }
0x97: {  	v39 =	vadd.s32 v8, v21;
	[tilespmem:s15+$0xC0] =	vst v60;
	v30 =	vld.idx.msk [tilespmem:v36+s2+$0x0], $0xffff  }
0x98: {  	v49 =	vadd.s32 v2, v23;
	[tilespmem:s4+$0x120] =	vst v33;
	v33 =	vld.idx.msk [tilespmem:v44+s2+$0x0], $0xffff  }
0x99: {  	v46 =	vadd.s32 v2, v22;
	v27 =	vld.idx.msk [tilespmem:v55+s2+$0x0], $0xffff;
	[tilespmem:s15+$0x40] =	vst v38  }
0x9a: {  	v51 =	vadd.s32 v2, v20;
	v35 =	vld.idx.msk [tilespmem:v62+s2+$0x0], $0xffff;
	[tilespmem:s15+$0xFFFFFFD0] =	vst v31  }
0x9b: {  	v45 =	vadd.s32 v2, v25;
	v32 =	vld.idx.msk [tilespmem:v42+s2+$0x0], $0xffff;
	[tilespmem:s4+$0x20] =	vst v24  }
0x9c: {  	v50 =	vadd.s32 v2, v26;
	v21 =	vld.idx.msk [tilespmem:v39+s2+$0x0], $0xffff;
	[tilespmem:s15+$0xFFFFFF50] =	vst v30  }
0x9d: {  	v17 =	vadd.s32 v8, v17;
	v29 =	vld.idx.msk [tilespmem:v49+s2+$0x0], $0xffff;
	[tilespmem:s4+$0xFFFFFFA0] =	vst v33  }
0x9e: {  	v56 =	vadd.s32 v4, v23;
	[tilespmem:s4+$0xFFFFFF20] =	vst v27;
	v34 =	vld.idx.msk [tilespmem:v46+s2+$0x0], $0xffff  }
0x9f: {  	v54 =	vadd.s32 v4, v22;
	v30 =	vld.idx.msk [tilespmem:v51+s2+$0x0], $0xffff;
	[tilespmem:s15+$0xD0] =	vst v35  }
0xa0: {  	v58 =	vadd.s32 v4, v20;
	v28 =	vld.idx.msk [tilespmem:v45+s2+$0x0], $0xffff;
	[tilespmem:s15+$0x50] =	vst v32  }
0xa1: {  	v53 =	vadd.s32 v4, v25;
	[tilespmem:s4+$0x130] =	vst v21;
	v35 =	vld.idx.msk [tilespmem:v50+s2+$0x0], $0xffff  }
0xa2: {  	v57 =	vadd.s32 v4, v26;
	v17 =	vld.idx.msk [tilespmem:v17+s2+$0x0], $0xffff;
	[tilespmem:s15+$0xFFFFFFE0] =	vst v29  }
0xa3: {  	v52 =	vadd.s32 v7, v18;
	v33 =	vld.idx.msk [tilespmem:v56+s2+$0x0], $0xffff;
	[tilespmem:s15+$0xFFFFFF60] =	vst v34  }
0xa4: {  	v63 =	vadd.s32 v5, v23;
	[tilespmem:s15+$0xFFFFFEE0] =	vst v30;
	v60 =	vld.idx.msk [tilespmem:v54+s2+$0x0], $0xffff  }
0xa5: {  	v62 =	vadd.s32 v5, v22;
	v36 =	vld.idx.msk [tilespmem:v58+s2+$0x0], $0xffff;
	[tilespmem:s15+$0xE0] =	vst v28  }
0xa6: {  	v38 =	vadd.s32 v5, v20;
	v31 =	vld.idx.msk [tilespmem:v53+s2+$0x0], $0xffff;
	[tilespmem:s15+$0x60] =	vst v35  }
0xa7: {  	v61 =	vadd.s32 v5, v25;
	[tilespmem:s4+$0x30] =	vst v17;
	v28 =	vld.idx.msk [tilespmem:v57+s2+$0x0], $0xffff  }
0xa8: {  	v37 =	vadd.s32 v5, v26;
	v21 =	vld.idx.msk [tilespmem:v52+s2+$0x0], $0xffff;
	[tilespmem:s15+$0xFFFFFFF0] =	vst v33  }
0xa9: {  	v59 =	vadd.s32 v8, v19;
	v30 =	vld.idx.msk [tilespmem:v63+s2+$0x0], $0xffff;
	[tilespmem:s15+$0xFFFFFF70] =	vst v60  }
0xaa: {  	v44 =	vadd.s32 v6, v23;
	[tilespmem:s15+$0xFFFFFEF0] =	vst v36;
	v40 =	vld.idx.msk [tilespmem:v62+s2+$0x0], $0xffff  }
0xab: {  	v42 =	vadd.s32 v6, v22;
	[tilespmem:s15+$0xF0] =	vst v31;
	v31 =	vld.idx.msk [tilespmem:v38+s2+$0x0], $0xffff  }
0xac: {  	v46 =	vadd.s32 v6, v20;
	v39 =	vld.idx.msk [tilespmem:v61+s2+$0x0], $0xffff;
	[tilespmem:s15+$0x70] =	vst v28  }
0xad: {  	v41 =	vadd.s32 v6, v25;
	[tilespmem:s4+$0xA0] =	vst v21;
	v43 =	vld.idx.msk [tilespmem:v37+s2+$0x0], $0xffff  }
0xae: {  	v19 =	vld.idx.msk [tilespmem:v59+s2+$0x0], $0xffff;
	v45 =	vadd.s32 v6, v26;
	[tilespmem:s15+$0x0] =	vst v30  }
0xaf: {  	v16 =	vadd.s32 v8, v16;
	v28 =	vld.idx.msk [tilespmem:v44+s2+$0x0], $0xffff;
	[tilespmem:s15+$0xFFFFFF80] =	vst v40  }
0xb0: {  	v52 =	vadd.s32 v7, v23;
	[tilespmem:s15+$0xFFFFFF00] =	vst v31;
	v49 =	vld.idx.msk [tilespmem:v42+s2+$0x0], $0xffff  }
0xb1: {  	v51 =	vadd.s32 v7, v22;
	[tilespmem:s15+$0x100] =	vst v39;
	v17 =	vld.idx.msk [tilespmem:v46+s2+$0x0], $0xffff  }
0xb2: {  	v54 =	vadd.s32 v7, v20;
	v48 =	vld.idx.msk [tilespmem:v41+s2+$0x0], $0xffff;
	[tilespmem:s15+$0x80] =	vst v43  }
0xb3: {  	v50 =	vadd.s32 v7, v25;
	[tilespmem:s4+$0xFFFFFFB0] =	vst v19;
	v19 =	vld.idx.msk [tilespmem:v45+s2+$0x0], $0xffff  }
0xb4: {  	v16 =	vld.idx.msk [tilespmem:v16+s2+$0x0], $0xffff;
	v53 =	vadd.s32 v7, v26;
	[tilespmem:s15+$0x10] =	vst v28  }
0xb5: {  	v47 =	vadd.s32 v8, v18;
	v21 =	vld.idx.msk [tilespmem:v52+s2+$0x0], $0xffff;
	[tilespmem:s15+$0xFFFFFF90] =	vst v49  }
0xb6: {  	[tilespmem:s15+$0xFFFFFF10] =	vst v17;
	v17 =	vadd.s32 v8, v23;
	v56 =	vld.idx.msk [tilespmem:v51+s2+$0x0], $0xffff  }
0xb7: {  	v57 =	vadd.s32 v8, v22;
	[tilespmem:s15+$0x110] =	vst v48;
	v59 =	vld.idx.msk [tilespmem:v54+s2+$0x0], $0xffff  }
0xb8: {  	v61 =	vadd.s32 v8, v20;
	v55 =	vld.idx.msk [tilespmem:v50+s2+$0x0], $0xffff;
	[tilespmem:s15+$0x90] =	vst v19  }
0xb9: {  	v25 =	vadd.s32 v8, v25;
	[tilespmem:s4+$0xFFFFFF30] =	vst v16;
	v58 =	vld.idx.msk [tilespmem:v53+s2+$0x0], $0xffff  }
0xba: {  	v18 =	vld.idx.msk [tilespmem:v47+s2+$0x0], $0xffff;
	v60 =	vadd.s32 v8, v26;
	[tilespmem:s15+$0x20] =	vst v21  }
0xbb: {  	v17 =	vld.idx.msk [tilespmem:v17+s2+$0x0], $0xffff;
	[tilespmem:s15+$0xFFFFFFA0] =	vst v56  }
0xbc: {  	[tilespmem:s15+$0xFFFFFF20] =	vst v59;
	v19 =	vld.idx.msk [tilespmem:v57+s2+$0x0], $0xffff  }
0xbd: {  	[tilespmem:s15+$0x120] =	vst v55;
	v16 =	vld.idx.msk [tilespmem:v61+s2+$0x0], $0xffff  }
0xbe: {  	v62 =	vld.idx.msk [tilespmem:v25+s2+$0x0], $0xffff;
	[tilespmem:s15+$0xA0] =	vst v58  }
0xbf: {  	[tilespmem:s4+$0xB0] =	vst v18;
	v63 =	vld.idx.msk [tilespmem:v60+s2+$0x0], $0xffff  }
0xc0: {  	[tilespmem:s15+$0x30] =	vst v17  }
0xc1: {  	[tilespmem:s15+$0xFFFFFFB0] =	vst v19  }
0xc2: {  	[tilespmem:s15+$0xFFFFFF30] =	vst v16  }
0xc3: {  	s16 =	simm.s32 $0x1C00;
	[tilespmem:s15+$0x130] =	vst v62  }
0xc4: {  	s10 =	sshll.u32 s10, $0xA;
	s6 =	simm.s32 $0x0;
	s4 =	simm.s32 $0x0;
	[tilespmem:s15+$0xB0] =	vst v63  }
0xc5: {  	[tilespmem:s11], [sflag:$0x1] =	stream.indirect.gather [hbm4b:s5+s9], $0x40, s16, s9, $0xb8;
	[tilespmem:$0xB500] =	vst v63  }
.LBB2_5:
0xc6: {  	s0 =	sshll.u32 s6, $0x8  }
0xc7: {  	s8 =	sand.u32 $0x3FFFFF00, s0  }
0xc8: {  	s0 =	sadd.s32 $0x1C80, s8  }
0xc9: {  	[tilespmem:s12], [sflag:$0x2] =	stream.indirect.gather [hbm4b:s5+s9], $0x40, s0, s9, $0xb8;
	[tilespmem:$0xB500] =	vst v63  }
0xca: {  	_ =	swait.ge [sflag:s13], $0x2000  }
0xcb: {  	p0 =	seq.s32 s6, $0x0;
	[sflag:s13] =	ssyncset.done $0x0  }
0xcc: {  	s0 =	simm.s32 @!p0 $0x3;
	[sflag:s13] =	ssyncadd.s32 $0xFFFFE000  }
0xcd: {  	_ =	swait.ge @!p0 [sflag:s0], $0x400  }
0xce: {  	[sflag:s0] =	ssyncset.done @!p0 $0x0  }
0xcf: {  	[sflag:s0] =	ssyncadd.s32 @!p0 $0xFFFFFC00  }
0xd0: {  	_ =	swait.ge @!p0 [sflag:s0], $0x400  }
0xd1: {  	[sflag:s0] =	ssyncset.done @!p0 $0x0  }
0xd2: {  	[sflag:s0] =	ssyncadd.s32 @!p0 $0xFFFFFC00  }
0xd3: {  	_ =	swait.ge @!p0 [sflag:s0], $0x400  }
0xd4: {  	[sflag:s0] =	ssyncset.done @!p0 $0x0  }
0xd5: {  	[sflag:s0] =	ssyncadd.s32 @!p0 $0xFFFFFC00  }
0xd6: {  	_ =	swait.ge @!p0 [sflag:s0], $0x400  }
0xd7: {  	[sflag:s0] =	ssyncset.done @!p0 $0x0  }
0xd8: {  	[sflag:s0] =	ssyncadd.s32 @!p0 $0xFFFFFC00  }
0xd9: {  	_ =	swait.ge @!p0 [sflag:s0], $0x400  }
0xda: {  	[sflag:s0] =	ssyncset.done @!p0 $0x0  }
0xdb: {  	[sflag:s0] =	ssyncadd.s32 @!p0 $0xFFFFFC00  }
0xdc: {  	v16 =	vmov s4;
	_ =	swait.ge @!p0 [sflag:s0], $0x400  }
0xdd: {  	v16 =	vand.u32 $0x3E, v16;
	[sflag:s0] =	ssyncset.done @!p0 $0x0  }
0xde: {  	v17 =	vbroadcast v16, $0x0;
	[sflag:s0] =	ssyncadd.s32 @!p0 $0xFFFFFC00  }
0xdf: {  	_ =	swait.ge @!p0 [sflag:s0], $0x400  }
0xe0: {  	v16 =	vor.u32 v3, v17;
	[sflag:s0] =	ssyncset.done @!p0 $0x0  }
0xe1: {  	v18 =	vor.u32 v9, v17;
	[sflag:s0] =	ssyncadd.s32 @!p0 $0xFFFFFC00  }
0xe2: {  	v19 =	vor.u32 v10, v17;
	_ =	swait.ge @!p0 [sflag:s0], $0x400  }
0xe3: {  	s3 =	simm.s32 $0x1;
	v20 =	vor.u32 v11, v17;
	[sflag:s0] =	ssyncset.done @!p0 $0x0  }
0xe4: {  	v21 =	vmov s3;
	v22 =	vor.u32 v12, v17;
	[sflag:s0] =	ssyncadd.s32 @!p0 $0xFFFFFC00  }
0xe5: {  	v21 =	vand.u32 $0x3F, v21;
	v24 =	vor.u32 v13, v17;
	v23 =	vld.idx.msk [tilespmem:v16+s11+$0x0], $0xffff  }
0xe6: {  	v21 =	vbroadcast v21, $0x0;
	v16 =	vld.idx.msk [tilespmem:v18+s11+$0x0], $0xffff;
	v18 =	vor.u32 v14, v17  }
0xe7: {  	v19 =	vld.idx.msk [tilespmem:v19+s11+$0x0], $0xffff;
	v17 =	vor.u32 v15, v17  }
0xe8: {  	v25 =	vor.u32 v3, v21;
	v20 =	vld.idx.msk [tilespmem:v20+s11+$0x0], $0xffff  }
0xe9: {  	v26 =	vor.u32 v9, v21;
	v22 =	vld.idx.msk [tilespmem:v22+s11+$0x0], $0xffff  }
0xea: {  	v27 =	vor.u32 v10, v21;
	v24 =	vld.idx.msk [tilespmem:v24+s11+$0x0], $0xffff  }
0xeb: {  	s7 =	simm.s32 $0x7580;
	s15 =	simm.s32 $0x2;
	v28 =	vor.u32 v11, v21;
	v18 =	vld.idx.msk [tilespmem:v18+s11+$0x0], $0xffff  }
0xec: {  	v29 =	vor.u32 v12, v21;
	[tilespmem:s7+$0xFFFFFF80] =	vst v23;
	v23 =	vmov s15;
	v17 =	vld.idx.msk [tilespmem:v17+s11+$0x0], $0xffff  }
0xed: {  	[tilespmem:s7+$0xFFFFFFA0] =	vst v19;
	v19 =	vld.idx.msk [tilespmem:v25+s11+$0x0], $0xffff;
	v25 =	vor.u32 v13, v21;
	v23 =	vand.u32 $0x3E, v23  }
0xee: {  	[tilespmem:s7+$0xFFFFFFB0] =	vst v20;
	v20 =	vld.idx.msk [tilespmem:v26+s11+$0x0], $0xffff;
	v30 =	vbroadcast v23, $0x0;
	v23 =	vor.u32 v14, v21  }
0xef: {  	[tilespmem:s7+$0xFFFFFFC0] =	vst v22;
	v22 =	vld.idx.msk [tilespmem:v27+s11+$0x0], $0xffff;
	v21 =	vor.u32 v15, v21  }
0xf0: {  	[tilespmem:s7+$0xFFFFFFD0] =	vst v24;
	v24 =	vld.idx.msk [tilespmem:v28+s11+$0x0], $0xffff;
	v26 =	vor.u32 v3, v30  }
0xf1: {  	v27 =	vor.u32 v9, v30;
	[tilespmem:s7+$0xFFFFFFE0] =	vst v18;
	v18 =	vld.idx.msk [tilespmem:v29+s11+$0x0], $0xffff  }
0xf2: {  	[tilespmem:s7+$0xFFFFFFF0] =	vst v17;
	v25 =	vld.idx.msk [tilespmem:v25+s11+$0x0], $0xffff;
	v29 =	vor.u32 v11, v30  }
0xf3: {  	s16 =	simm.s32 $0x3;
	v28 =	vor.u32 v10, v30;
	[tilespmem:s7+$0x0] =	vst v19;
	v31 =	vld.idx.msk [tilespmem:v23+s11+$0x0], $0xffff  }
0xf4: {  	v32 =	vor.u32 v12, v30;
	[tilespmem:s7+$0x10] =	vst v20;
	v17 =	vmov s16;
	v33 =	vld.idx.msk [tilespmem:v21+s11+$0x0], $0xffff  }
0xf5: {  	[tilespmem:s7+$0x20] =	vst v22;
	v17 =	vand.u32 $0x3F, v17;
	v21 =	vor.u32 v13, v30;
	v34 =	vld.idx.msk [tilespmem:v26+s11+$0x0], $0xffff  }
0xf6: {  	[tilespmem:s7+$0x30] =	vst v24;
	v17 =	vbroadcast v17, $0x0;
	v19 =	vld.idx.msk [tilespmem:v27+s11+$0x0], $0xffff;
	v27 =	vor.u32 v14, v30  }
0xf7: {  	[tilespmem:s7+$0x40] =	vst v18;
	v20 =	vld.idx.msk [tilespmem:v29+s11+$0x0], $0xffff;
	v29 =	vor.u32 v15, v30  }
0xf8: {  	v23 =	vld.idx.msk [tilespmem:v28+s11+$0x0], $0xffff;
	v28 =	vor.u32 v3, v17;
	[tilespmem:s7+$0x50] =	vst v25  }
0xf9: {  	v22 =	vld.idx.msk [tilespmem:v32+s11+$0x0], $0xffff;
	v25 =	vor.u32 v9, v17;
	[tilespmem:s7+$0x60] =	vst v31  }
0xfa: {  	s3 =	simm.s32 $0x7680;
	v26 =	vor.u32 v10, v17;
	v21 =	vld.idx.msk [tilespmem:v21+s11+$0x0], $0xffff;
	[tilespmem:s7+$0x70] =	vst v33  }
0xfb: {  	s14 =	simm.s32 $0x10;
	s0 =	sshll.u32 s6, $0x1;
	s15 =	simm.s32 $0x4;
	v18 =	vor.u32 v12, v17;
	[tilespmem:s3+$0xFFFFFF80] =	vst v34;
	v24 =	vld.idx.msk [tilespmem:v27+s11+$0x0], $0xffff;
	v27 =	vor.u32 v11, v17  }
.LBB2_6:
0xfc: {  	v30 =	vmov s15;
	s16 =	sadd.s32 $0x1, s15;
	s14 =	sadd.s32 $0x10, s14;
	v29 =	vld.idx.msk [tilespmem:v29+s11+$0x0], $0xffff;
	[tilespmem:s7+$0xFFFFFF90] =	vst v16;
	v16 =	vmov v19;
	s7 =	smov.u32 s3  }
0xfd: {  	v19 =	vand.u32 $0x3E, v30;
	v30 =	vmov s16;
	p1 =	slt.u32 s14, $0x1F0;
	[tilespmem:s3+$0xFFFFFFA0] =	vst v23;
	v23 =	vld.idx.msk [tilespmem:v28+s11+$0x0], $0xffff;
	v28 =	vor.u32 v13, v17  }
0xfe: {  	v31 =	vbroadcast v19, $0x0;
	v19 =	vand.u32 $0x3F, v30;
	[tilespmem:s3+$0xFFFFFFB0] =	vst v20;
	v20 =	vld.idx.msk [tilespmem:v25+s11+$0x0], $0xffff;
	v25 =	vor.u32 v14, v17  }
0xff: {  	[tilespmem:s3+$0xFFFFFFC0] =	vst v22;
	v22 =	vld.idx.msk [tilespmem:v26+s11+$0x0], $0xffff;
	v26 =	vor.u32 v15, v17;
	v17 =	vbroadcast v19, $0x0  }
0x100: {  	v19 =	vor.u32 v3, v31;
	[tilespmem:s3+$0xFFFFFFD0] =	vst v21;
	v21 =	vld.idx.msk [tilespmem:v27+s11+$0x0], $0xffff  }
0x101: {  	v27 =	vor.u32 v9, v31;
	[tilespmem:s3+$0xFFFFFFE0] =	vst v24;
	v24 =	vld.idx.msk [tilespmem:v18+s11+$0x0], $0xffff;
	v18 =	vor.u32 v12, v17  }
0x102: {  	v30 =	vor.u32 v10, v31;
	[tilespmem:s3+$0xFFFFFFF0] =	vst v29;
	v32 =	vld.idx.msk [tilespmem:v28+s11+$0x0], $0xffff  }
0x103: {  	v28 =	vor.u32 v11, v31;
	[tilespmem:s3+$0x0] =	vst v23;
	v33 =	vld.idx.msk [tilespmem:v25+s11+$0x0], $0xffff  }
0x104: {  	v25 =	vor.u32 v12, v31;
	[tilespmem:s3+$0x10] =	vst v20;
	v34 =	vld.idx.msk [tilespmem:v26+s11+$0x0], $0xffff  }
0x105: {  	v26 =	vor.u32 v13, v31;
	v35 =	vld.idx.msk [tilespmem:v19+s11+$0x0], $0xffff;
	[tilespmem:s3+$0x20] =	vst v22  }
0x106: {  	v19 =	vld.idx.msk [tilespmem:v27+s11+$0x0], $0xffff;
	v27 =	vor.u32 v14, v31;
	[tilespmem:s3+$0x30] =	vst v21  }
.Ltmp1:
0x107: {  	v29 =	vor.u32 v15, v31;
	v23 =	vld.idx.msk [tilespmem:v30+s11+$0x0], $0xffff;
	[tilespmem:s3+$0x40] =	vst v24;
	(pc) =	sbr.rel @p1 .LBB2_6-.Ltmp1, $4  }
0x108: {  	v20 =	vld.idx.msk [tilespmem:v28+s11+$0x0], $0xffff;
	v28 =	vor.u32 v3, v17;
	[tilespmem:s3+$0x50] =	vst v32  }
0x109: {  	v22 =	vld.idx.msk [tilespmem:v25+s11+$0x0], $0xffff;
	v25 =	vor.u32 v9, v17;
	[tilespmem:s3+$0x60] =	vst v33  }
0x10a: {  	s3 =	sadd.s32 $0x100, s3;
	v21 =	vld.idx.msk [tilespmem:v26+s11+$0x0], $0xffff;
	v26 =	vor.u32 v10, v17;
	[tilespmem:s7+$0x70] =	vst v34  }
0x10b: {  	s15 =	sadd.s32 $0x2, s15;
	[tilespmem:s3+$0xFFFFFF80] =	vst v35;
	v24 =	vld.idx.msk [tilespmem:v27+s11+$0x0], $0xffff;
	v27 =	vor.u32 v11, v17  }
0x10c: {  	_ =	sdelay $0x2  }
0x10d: {  	[tilespmem:s7+$0xFFFFFF90] =	vst v16  }
0x10e: {  	v16 =	vld.idx.msk [tilespmem:v29+s11+$0x0], $0xffff;
	[tilespmem:s3+$0xFFFFFFA0] =	vst v23  }
0x10f: {  	v23 =	vld.idx.msk [tilespmem:v28+s11+$0x0], $0xffff;
	[tilespmem:s3+$0xFFFFFF90] =	vst v19  }
0x110: {  	v28 =	vor.u32 v13, v17;
	v18 =	vld.idx.msk [tilespmem:v18+s11+$0x0], $0xffff;
	[tilespmem:s3+$0xFFFFFFB0] =	vst v20  }
0x111: {  	v20 =	vld.idx.msk [tilespmem:v25+s11+$0x0], $0xffff;
	v25 =	vor.u32 v14, v17;
	[tilespmem:s3+$0xFFFFFFC0] =	vst v22  }
0x112: {  	v17 =	vor.u32 v15, v17;
	[tilespmem:s3+$0xFFFFFFD0] =	vst v21  }
0x113: {  	v22 =	vld.idx.msk [tilespmem:v26+s11+$0x0], $0xffff;
	[tilespmem:s3+$0xFFFFFFE0] =	vst v24  }
0x114: {  	v21 =	vld.idx.msk [tilespmem:v27+s11+$0x0], $0xffff;
	[tilespmem:s3+$0xFFFFFFF0] =	vst v16  }
0x115: {  	v16 =	vld.idx.msk [tilespmem:v28+s11+$0x0], $0xffff;
	[tilespmem:s3+$0x0] =	vst v23  }
0x116: {  	[tilespmem:s3+$0x40] =	vst v18;
	v23 =	vld.idx.msk [tilespmem:v25+s11+$0x0], $0xffff  }
0x117: {  	[tilespmem:s3+$0x10] =	vst v20;
	v17 =	vld.idx.msk [tilespmem:v17+s11+$0x0], $0xffff  }
0x118: {  	[tilespmem:s3+$0x20] =	vst v22  }
0x119: {  	s15 =	sshll.u32 s6, $0x15;
	[tilespmem:s3+$0x30] =	vst v21  }
0x11a: {  	s7 =	sadd.s32 s10, s15;
	[tilespmem:s3+$0x50] =	vst v16  }
0x11b: {  	s7 =	sshrl.u32 s7, $0x3;
	[tilespmem:s3+$0x60] =	vst v23  }
0x11c: {  	s14 =	simm.s32 $0x7500;
	s16 =	sadd.s32 s1, s7;
	s15 =	sor.u32 $0x4000, s7;
	[tilespmem:s3+$0x70] =	vst v17  }
0x11d: {  	[hbm4b:s16+s2] =	stream.linear.scatter [tilespmem:s14], [sflag:$0x3], $0x400, $0x38;
	[tilespmem:$0xB500] =	vst v63  }
0x11e: {  	s3 =	sadd.s32 s1, s15;
	s16 =	simm.s32 $0x7900;
	s14 =	sor.u32 $0x8000, s7  }
0x11f: {  	[hbm4b:s3+s2] =	stream.linear.scatter [tilespmem:s16], [sflag:$0x3], $0x400, $0x38;
	[tilespmem:$0xB500] =	vst v63  }
0x120: {  	s15 =	simm.s32 $0x7D00;
	s3 =	sadd.s32 s1, s14;
	s16 =	sor.u32 $0xC000, s7  }
0x121: {  	[hbm4b:s3+s2] =	stream.linear.scatter [tilespmem:s15], [sflag:$0x3], $0x400, $0x38;
	[tilespmem:$0xB500] =	vst v63  }
0x122: {  	s14 =	sor.u32 $0x10000, s7;
	s3 =	sadd.s32 s1, s16  }
0x123: {  	[hbm4b:s3+s2] =	stream.linear.scatter [tilespmem:s17], [sflag:$0x3], $0x400, $0x38;
	[tilespmem:$0xB500] =	vst v63  }
0x124: {  	s15 =	sor.u32 $0x14000, s7;
	s3 =	sadd.s32 s1, s14  }
0x125: {  	[hbm4b:s3+s2] =	stream.linear.scatter [tilespmem:s18], [sflag:$0x3], $0x400, $0x38;
	[tilespmem:$0xB500] =	vst v63  }
0x126: {  	s16 =	sor.u32 $0x18000, s7;
	s3 =	sadd.s32 s1, s15  }
0x127: {  	[hbm4b:s3+s2] =	stream.linear.scatter [tilespmem:s19], [sflag:$0x3], $0x400, $0x38;
	[tilespmem:$0xB500] =	vst v63  }
0x128: {  	s7 =	sor.u32 $0x1C000, s7;
	s3 =	sadd.s32 s1, s16  }
0x129: {  	[hbm4b:s3+s2] =	stream.linear.scatter [tilespmem:s20], [sflag:$0x3], $0x400, $0x38;
	[tilespmem:$0xB500] =	vst v63  }
0x12a: {  	s3 =	sadd.s32 s1, s7;
	s7 =	sor.u32 $0x1, s0  }
0x12b: {  	p1 =	sgt.u32 s7, $0x30  }
0x12c: {  	[hbm4b:s3+s2] =	stream.linear.scatter [tilespmem:s21], [sflag:$0x3], $0x400, $0x38;
	[tilespmem:$0xB500] =	vst v63  }
0x12d: {  	s0 =	sadd.s32 @!p1 $0x1D00, s8;
	s3 =	simm.s32 @!p1 $0x80;
	s8 =	simm.s32 @!p1 $0x3500  }
0x12e: {  	[tilespmem:s8], [sflag:$0x1] =	stream.indirect.gather @!p1 [hbm4b:s5+s3], $0x40, s0, s3, $0xb8;
	[tilespmem:$0xB500] =	vst v63  }
0x12f: {  	_ =	swait.ge [sflag:s22], $0x2000  }
0x130: {  	[sflag:s22] =	ssyncset.done $0x0  }
0x131: {  	s0 =	simm.s32 @!p0 $0x4;
	[sflag:s22] =	ssyncadd.s32 $0xFFFFE000  }
0x132: {  	_ =	swait.ge @!p0 [sflag:s0], $0x400  }
0x133: {  	[sflag:s0] =	ssyncset.done @!p0 $0x0  }
0x134: {  	[sflag:s0] =	ssyncadd.s32 @!p0 $0xFFFFFC00  }
0x135: {  	_ =	swait.ge @!p0 [sflag:s0], $0x400  }
0x136: {  	[sflag:s0] =	ssyncset.done @!p0 $0x0  }
0x137: {  	[sflag:s0] =	ssyncadd.s32 @!p0 $0xFFFFFC00  }
0x138: {  	_ =	swait.ge @!p0 [sflag:s0], $0x400  }
0x139: {  	[sflag:s0] =	ssyncset.done @!p0 $0x0  }
0x13a: {  	[sflag:s0] =	ssyncadd.s32 @!p0 $0xFFFFFC00  }
0x13b: {  	_ =	swait.ge @!p0 [sflag:s0], $0x400  }
0x13c: {  	[sflag:s0] =	ssyncset.done @!p0 $0x0  }
0x13d: {  	[sflag:s0] =	ssyncadd.s32 @!p0 $0xFFFFFC00  }
0x13e: {  	_ =	swait.ge @!p0 [sflag:s0], $0x400  }
0x13f: {  	[sflag:s0] =	ssyncset.done @!p0 $0x0  }
0x140: {  	s8 =	simm.s32 $0x0;
	[sflag:s0] =	ssyncadd.s32 @!p0 $0xFFFFFC00  }
0x141: {  	v16 =	vmov s8;
	_ =	swait.ge @!p0 [sflag:s0], $0x400  }
0x142: {  	v16 =	vand.u32 $0x3E, v16;
	[sflag:s0] =	ssyncset.done @!p0 $0x0  }
0x143: {  	v17 =	vbroadcast v16, $0x0;
	[sflag:s0] =	ssyncadd.s32 @!p0 $0xFFFFFC00  }
0x144: {  	_ =	swait.ge @!p0 [sflag:s0], $0x400  }
0x145: {  	v16 =	vor.u32 v3, v17;
	[sflag:s0] =	ssyncset.done @!p0 $0x0  }
0x146: {  	v18 =	vor.u32 v9, v17;
	[sflag:s0] =	ssyncadd.s32 @!p0 $0xFFFFFC00  }
0x147: {  	v19 =	vor.u32 v10, v17;
	_ =	swait.ge @!p0 [sflag:s0], $0x400  }
0x148: {  	s14 =	simm.s32 $0x1;
	v20 =	vor.u32 v11, v17;
	[sflag:s0] =	ssyncset.done @!p0 $0x0  }
0x149: {  	v21 =	vmov s14;
	v22 =	vor.u32 v12, v17;
	[sflag:s0] =	ssyncadd.s32 @!p0 $0xFFFFFC00  }
0x14a: {  	v21 =	vand.u32 $0x3F, v21;
	v24 =	vor.u32 v13, v17;
	v23 =	vld.idx.msk [tilespmem:v16+s12+$0x0], $0xffff  }
0x14b: {  	v21 =	vbroadcast v21, $0x0;
	v16 =	vld.idx.msk [tilespmem:v18+s12+$0x0], $0xffff;
	v18 =	vor.u32 v14, v17  }
0x14c: {  	v19 =	vld.idx.msk [tilespmem:v19+s12+$0x0], $0xffff;
	v17 =	vor.u32 v15, v17  }
0x14d: {  	v25 =	vor.u32 v3, v21;
	v20 =	vld.idx.msk [tilespmem:v20+s12+$0x0], $0xffff  }
0x14e: {  	v26 =	vor.u32 v9, v21;
	v22 =	vld.idx.msk [tilespmem:v22+s12+$0x0], $0xffff  }
0x14f: {  	v27 =	vor.u32 v10, v21;
	v24 =	vld.idx.msk [tilespmem:v24+s12+$0x0], $0xffff  }
0x150: {  	s15 =	simm.s32 $0x2;
	v28 =	vor.u32 v11, v21;
	s8 =	simm.s32 $0x9580;
	v18 =	vld.idx.msk [tilespmem:v18+s12+$0x0], $0xffff  }
0x151: {  	v29 =	vor.u32 v12, v21;
	[tilespmem:s8+$0xFFFFFF80] =	vst v23;
	v23 =	vmov s15;
	v17 =	vld.idx.msk [tilespmem:v17+s12+$0x0], $0xffff  }
0x152: {  	[tilespmem:s8+$0xFFFFFFA0] =	vst v19;
	v19 =	vld.idx.msk [tilespmem:v25+s12+$0x0], $0xffff;
	v25 =	vor.u32 v13, v21;
	v23 =	vand.u32 $0x3E, v23  }
0x153: {  	[tilespmem:s8+$0xFFFFFFB0] =	vst v20;
	v20 =	vld.idx.msk [tilespmem:v26+s12+$0x0], $0xffff;
	v30 =	vbroadcast v23, $0x0;
	v23 =	vor.u32 v14, v21  }
0x154: {  	[tilespmem:s8+$0xFFFFFFC0] =	vst v22;
	v22 =	vld.idx.msk [tilespmem:v27+s12+$0x0], $0xffff;
	v21 =	vor.u32 v15, v21  }
0x155: {  	[tilespmem:s8+$0xFFFFFFD0] =	vst v24;
	v24 =	vld.idx.msk [tilespmem:v28+s12+$0x0], $0xffff;
	v26 =	vor.u32 v3, v30  }
0x156: {  	v27 =	vor.u32 v9, v30;
	[tilespmem:s8+$0xFFFFFFE0] =	vst v18;
	v18 =	vld.idx.msk [tilespmem:v29+s12+$0x0], $0xffff  }
0x157: {  	[tilespmem:s8+$0xFFFFFFF0] =	vst v17;
	v25 =	vld.idx.msk [tilespmem:v25+s12+$0x0], $0xffff;
	v29 =	vor.u32 v11, v30  }
0x158: {  	s16 =	simm.s32 $0x3;
	v28 =	vor.u32 v10, v30;
	[tilespmem:s8+$0x0] =	vst v19;
	v31 =	vld.idx.msk [tilespmem:v23+s12+$0x0], $0xffff  }
0x159: {  	v32 =	vor.u32 v12, v30;
	[tilespmem:s8+$0x10] =	vst v20;
	v17 =	vmov s16;
	v33 =	vld.idx.msk [tilespmem:v21+s12+$0x0], $0xffff  }
0x15a: {  	[tilespmem:s8+$0x20] =	vst v22;
	v17 =	vand.u32 $0x3F, v17;
	v21 =	vor.u32 v13, v30;
	v34 =	vld.idx.msk [tilespmem:v26+s12+$0x0], $0xffff  }
0x15b: {  	[tilespmem:s8+$0x30] =	vst v24;
	v17 =	vbroadcast v17, $0x0;
	v19 =	vld.idx.msk [tilespmem:v27+s12+$0x0], $0xffff;
	v27 =	vor.u32 v14, v30  }
0x15c: {  	[tilespmem:s8+$0x40] =	vst v18;
	v20 =	vld.idx.msk [tilespmem:v29+s12+$0x0], $0xffff;
	v29 =	vor.u32 v15, v30  }
0x15d: {  	v23 =	vld.idx.msk [tilespmem:v28+s12+$0x0], $0xffff;
	v28 =	vor.u32 v3, v17;
	[tilespmem:s8+$0x50] =	vst v25  }
0x15e: {  	v22 =	vld.idx.msk [tilespmem:v32+s12+$0x0], $0xffff;
	v25 =	vor.u32 v9, v17;
	[tilespmem:s8+$0x60] =	vst v31  }
0x15f: {  	s0 =	simm.s32 $0x9680;
	v26 =	vor.u32 v10, v17;
	v21 =	vld.idx.msk [tilespmem:v21+s12+$0x0], $0xffff;
	[tilespmem:s8+$0x70] =	vst v33  }
0x160: {  	s14 =	simm.s32 $0x4;
	s3 =	simm.s32 $0x10;
	v18 =	vor.u32 v12, v17;
	[tilespmem:s0+$0xFFFFFF80] =	vst v34;
	v24 =	vld.idx.msk [tilespmem:v27+s12+$0x0], $0xffff;
	v27 =	vor.u32 v11, v17  }
.LBB2_8:
0x161: {  	v30 =	vmov s14;
	s15 =	sadd.s32 $0x1, s14;
	s3 =	sadd.s32 $0x10, s3;
	v29 =	vld.idx.msk [tilespmem:v29+s12+$0x0], $0xffff;
	[tilespmem:s8+$0xFFFFFF90] =	vst v16;
	v16 =	vmov v19;
	s8 =	smov.u32 s0  }
0x162: {  	v19 =	vand.u32 $0x3E, v30;
	v30 =	vmov s15;
	p0 =	slt.u32 s3, $0x1F0;
	[tilespmem:s0+$0xFFFFFFA0] =	vst v23;
	v23 =	vld.idx.msk [tilespmem:v28+s12+$0x0], $0xffff;
	v28 =	vor.u32 v13, v17  }
0x163: {  	v31 =	vbroadcast v19, $0x0;
	v19 =	vand.u32 $0x3F, v30;
	[tilespmem:s0+$0xFFFFFFB0] =	vst v20;
	v20 =	vld.idx.msk [tilespmem:v25+s12+$0x0], $0xffff;
	v25 =	vor.u32 v14, v17  }
0x164: {  	[tilespmem:s0+$0xFFFFFFC0] =	vst v22;
	v22 =	vld.idx.msk [tilespmem:v26+s12+$0x0], $0xffff;
	v26 =	vor.u32 v15, v17;
	v17 =	vbroadcast v19, $0x0  }
0x165: {  	v19 =	vor.u32 v3, v31;
	[tilespmem:s0+$0xFFFFFFD0] =	vst v21;
	v21 =	vld.idx.msk [tilespmem:v27+s12+$0x0], $0xffff  }
0x166: {  	v27 =	vor.u32 v9, v31;
	[tilespmem:s0+$0xFFFFFFE0] =	vst v24;
	v24 =	vld.idx.msk [tilespmem:v18+s12+$0x0], $0xffff;
	v18 =	vor.u32 v12, v17  }
0x167: {  	v30 =	vor.u32 v10, v31;
	[tilespmem:s0+$0xFFFFFFF0] =	vst v29;
	v32 =	vld.idx.msk [tilespmem:v28+s12+$0x0], $0xffff  }
0x168: {  	v28 =	vor.u32 v11, v31;
	[tilespmem:s0+$0x0] =	vst v23;
	v33 =	vld.idx.msk [tilespmem:v25+s12+$0x0], $0xffff  }
0x169: {  	v25 =	vor.u32 v12, v31;
	[tilespmem:s0+$0x10] =	vst v20;
	v34 =	vld.idx.msk [tilespmem:v26+s12+$0x0], $0xffff  }
0x16a: {  	v26 =	vor.u32 v13, v31;
	v35 =	vld.idx.msk [tilespmem:v19+s12+$0x0], $0xffff;
	[tilespmem:s0+$0x20] =	vst v22  }
0x16b: {  	v19 =	vld.idx.msk [tilespmem:v27+s12+$0x0], $0xffff;
	v27 =	vor.u32 v14, v31;
	[tilespmem:s0+$0x30] =	vst v21  }
.Ltmp2:
0x16c: {  	v29 =	vor.u32 v15, v31;
	v23 =	vld.idx.msk [tilespmem:v30+s12+$0x0], $0xffff;
	[tilespmem:s0+$0x40] =	vst v24;
	(pc) =	sbr.rel @p0 .LBB2_8-.Ltmp2, $4  }
0x16d: {  	v20 =	vld.idx.msk [tilespmem:v28+s12+$0x0], $0xffff;
	v28 =	vor.u32 v3, v17;
	[tilespmem:s0+$0x50] =	vst v32  }
0x16e: {  	v22 =	vld.idx.msk [tilespmem:v25+s12+$0x0], $0xffff;
	v25 =	vor.u32 v9, v17;
	[tilespmem:s0+$0x60] =	vst v33  }
0x16f: {  	s0 =	sadd.s32 $0x100, s0;
	v21 =	vld.idx.msk [tilespmem:v26+s12+$0x0], $0xffff;
	v26 =	vor.u32 v10, v17;
	[tilespmem:s8+$0x70] =	vst v34  }
0x170: {  	s14 =	sadd.s32 $0x2, s14;
	[tilespmem:s0+$0xFFFFFF80] =	vst v35;
	v24 =	vld.idx.msk [tilespmem:v27+s12+$0x0], $0xffff;
	v27 =	vor.u32 v11, v17  }
0x171: {  	_ =	sdelay $0x1  }
0x172: {  	[tilespmem:s8+$0xFFFFFF90] =	vst v16  }
0x173: {  	[tilespmem:s0+$0xFFFFFFA0] =	vst v23  }
0x174: {  	v16 =	vld.idx.msk [tilespmem:v29+s12+$0x0], $0xffff;
	[tilespmem:s0+$0xFFFFFF90] =	vst v19  }
0x175: {  	v57 =	vld.idx.msk [tilespmem:v28+s12+$0x0], $0xffff;
	v58 =	vor.u32 v13, v17;
	[tilespmem:s0+$0xFFFFFFB0] =	vst v20  }
0x176: {  	v59 =	vld.idx.msk [tilespmem:v25+s12+$0x0], $0xffff;
	v60 =	vor.u32 v14, v17;
	[tilespmem:s0+$0xFFFFFFC0] =	vst v22  }
0x177: {  	v61 =	vld.idx.msk [tilespmem:v26+s12+$0x0], $0xffff;
	v17 =	vor.u32 v15, v17;
	[tilespmem:s0+$0xFFFFFFD0] =	vst v21  }
0x178: {  	v62 =	vld.idx.msk [tilespmem:v27+s12+$0x0], $0xffff;
	[tilespmem:s0+$0xFFFFFFE0] =	vst v24  }
0x179: {  	v18 =	vld.idx.msk [tilespmem:v18+s12+$0x0], $0xffff;
	[tilespmem:s0+$0xFFFFFFF0] =	vst v16  }
0x17a: {  	v16 =	vld.idx.msk [tilespmem:v58+s12+$0x0], $0xffff;
	[tilespmem:s0+$0x0] =	vst v57  }
0x17b: {  	v63 =	vld.idx.msk [tilespmem:v60+s12+$0x0], $0xffff;
	[tilespmem:s0+$0x10] =	vst v59  }
0x17c: {  	v17 =	vld.idx.msk [tilespmem:v17+s12+$0x0], $0xffff;
	[tilespmem:s0+$0x20] =	vst v61  }
0x17d: {  	[tilespmem:s0+$0x30] =	vst v62  }
0x17e: {  	s3 =	sshll.u32 s7, $0x14;
	[tilespmem:s0+$0x40] =	vst v18  }
0x17f: {  	s3 =	sadd.s32 s10, s3;
	[tilespmem:s0+$0x50] =	vst v16  }
0x180: {  	s3 =	sshrl.u32 s3, $0x3;
	[tilespmem:s0+$0x60] =	vst v63  }
0x181: {  	s14 =	sadd.s32 s1, s3;
	s15 =	sor.u32 $0x4000, s3;
	[tilespmem:s0+$0x70] =	vst v17  }
0x182: {  	[hbm4b:s14+s2] =	stream.linear.scatter [tilespmem:s23], [sflag:$0x4], $0x400, $0x38;
	[tilespmem:$0xB500] =	vst v63  }
0x183: {  	s16 =	sor.u32 $0x8000, s3;
	s0 =	sadd.s32 s1, s15  }
0x184: {  	[hbm4b:s0+s2] =	stream.linear.scatter [tilespmem:s24], [sflag:$0x4], $0x400, $0x38;
	[tilespmem:$0xB500] =	vst v63  }
0x185: {  	s7 =	sor.u32 $0xC000, s3;
	s0 =	sadd.s32 s1, s16  }
0x186: {  	[hbm4b:s0+s2] =	stream.linear.scatter [tilespmem:s25], [sflag:$0x4], $0x400, $0x38;
	[tilespmem:$0xB500] =	vst v63  }
0x187: {  	s8 =	sor.u32 $0x10000, s3;
	s0 =	sadd.s32 s1, s7  }
0x188: {  	[hbm4b:s0+s2] =	stream.linear.scatter [tilespmem:s26], [sflag:$0x4], $0x400, $0x38;
	[tilespmem:$0xB500] =	vst v63  }
0x189: {  	s6 =	sadd.s32 $0x1, s6;
	s14 =	sor.u32 $0x14000, s3;
	s0 =	sadd.s32 s1, s8  }
0x18a: {  	[hbm4b:s0+s2] =	stream.linear.scatter [tilespmem:s28], [sflag:$0x4], $0x400, $0x38;
	[tilespmem:$0xB500] =	vst v63  }
0x18b: {  	p0 =	sne.s32 s6, $0x19;
	s0 =	sadd.s32 s1, s14  }
0x18c: {  	[hbm4b:s0+s2] =	stream.linear.scatter [tilespmem:s29], [sflag:$0x4], $0x400, $0x38;
	[tilespmem:$0xB500] =	vst v63  }
.Ltmp3:
0x18d: {  	s15 =	sor.u32 $0x18000, s3;
	(pc) =	sbr.rel @p0 .LBB2_5-.Ltmp3, $4  }
0x18e: {  	s16 =	sor.u32 $0x1C000, s3;
	s0 =	sadd.s32 s1, s15  }
0x18f: {  	[hbm4b:s0+s2] =	stream.linear.scatter [tilespmem:s30], [sflag:$0x4], $0x400, $0x38;
	[tilespmem:$0xB500] =	vst v63  }
0x190: {  	s0 =	sadd.s32 s1, s16  }
0x191: {  	[hbm4b:s0+s2] =	stream.linear.scatter [tilespmem:s31], [sflag:$0x4], $0x400, $0x38;
	[tilespmem:$0xB500] =	vst v63  }
0x192: {  	s0 =	simm.s32 $0x3  }
0x193: {  	_ =	swait.ge [sflag:s0], $0x400  }
0x194: {  	[sflag:s0] =	ssyncset.done $0x0  }
0x195: {  	[sflag:s0] =	ssyncadd.s32 $0xFFFFFC00  }
0x196: {  	_ =	swait.ge [sflag:s0], $0x400  }
0x197: {  	[sflag:s0] =	ssyncset.done $0x0  }
0x198: {  	[sflag:s0] =	ssyncadd.s32 $0xFFFFFC00  }
0x199: {  	_ =	swait.ge [sflag:s0], $0x400  }
0x19a: {  	[sflag:s0] =	ssyncset.done $0x0  }
0x19b: {  	[sflag:s0] =	ssyncadd.s32 $0xFFFFFC00  }
0x19c: {  	_ =	swait.ge [sflag:s0], $0x400  }
0x19d: {  	[sflag:s0] =	ssyncset.done $0x0  }
0x19e: {  	[sflag:s0] =	ssyncadd.s32 $0xFFFFFC00  }
0x19f: {  	_ =	swait.ge [sflag:s0], $0x400  }
0x1a0: {  	[sflag:s0] =	ssyncset.done $0x0  }
0x1a1: {  	[sflag:s0] =	ssyncadd.s32 $0xFFFFFC00  }
0x1a2: {  	_ =	swait.ge [sflag:s0], $0x400  }
0x1a3: {  	[sflag:s0] =	ssyncset.done $0x0  }
0x1a4: {  	[sflag:s0] =	ssyncadd.s32 $0xFFFFFC00  }
0x1a5: {  	_ =	swait.ge [sflag:s0], $0x400  }
0x1a6: {  	[sflag:s0] =	ssyncset.done $0x0  }
0x1a7: {  	[sflag:s0] =	ssyncadd.s32 $0xFFFFFC00  }
0x1a8: {  	_ =	swait.ge [sflag:s0], $0x400  }
0x1a9: {  	[sflag:s0] =	ssyncset.done $0x0  }
0x1aa: {  	s16 =	simm.s32 $0x4;
	[sflag:s0] =	ssyncadd.s32 $0xFFFFFC00  }
0x1ab: {  	_ =	swait.ge [sflag:s16], $0x400  }
0x1ac: {  	[sflag:s16] =	ssyncset.done $0x0  }
0x1ad: {  	[sflag:s16] =	ssyncadd.s32 $0xFFFFFC00  }
0x1ae: {  	_ =	swait.ge [sflag:s16], $0x400  }
0x1af: {  	[sflag:s16] =	ssyncset.done $0x0  }
0x1b0: {  	[sflag:s16] =	ssyncadd.s32 $0xFFFFFC00  }
0x1b1: {  	_ =	swait.ge [sflag:s16], $0x400  }
0x1b2: {  	[sflag:s16] =	ssyncset.done $0x0  }
0x1b3: {  	[sflag:s16] =	ssyncadd.s32 $0xFFFFFC00  }
0x1b4: {  	_ =	swait.ge [sflag:s16], $0x400  }
0x1b5: {  	[sflag:s16] =	ssyncset.done $0x0  }
0x1b6: {  	[sflag:s16] =	ssyncadd.s32 $0xFFFFFC00  }
0x1b7: {  	_ =	swait.ge [sflag:s16], $0x400  }
0x1b8: {  	[sflag:s16] =	ssyncset.done $0x0  }
0x1b9: {  	[sflag:s16] =	ssyncadd.s32 $0xFFFFFC00  }
0x1ba: {  	_ =	swait.ge [sflag:s16], $0x400  }
0x1bb: {  	[sflag:s16] =	ssyncset.done $0x0  }
0x1bc: {  	[sflag:s16] =	ssyncadd.s32 $0xFFFFFC00  }
0x1bd: {  	_ =	swait.ge [sflag:s16], $0x400  }
0x1be: {  	[sflag:s16] =	ssyncset.done $0x0  }
0x1bf: {  	[sflag:s16] =	ssyncadd.s32 $0xFFFFFC00  }
0x1c0: {  	_ =	swait.ge [sflag:s16], $0x400  }
0x1c1: {  	s3 =	rddreg [dreg:$0x7]  }
0x1c2: {  	s3 =	sadd.s32 $0x1, s3  }
0x1c3: {  	p0 =	sne.s32 s3, $0x4  }
.Ltmp4:
0x1c4: {  	_ = 	snop;
	(pc) =	sbr.rel @p0 .LBB2_2-.Ltmp4, $3  }
0x1c5: {  	_ =	sdelay $0x1  }
0x1c6: {  	[sflag:s16] =	ssyncset.done $0x0  }
0x1c7: {  	[sflag:s16] =	ssyncadd.s32 $0xFFFFFC00  }
0x1c8: {  	s3 =	rddreg [dreg:$0x6]  }
0x1c9: {  	s0 =	rddreg [dreg:$0x5];
	s3 =	sadd.s32 $0x1, s3  }
0x1ca: {  	p0 =	sne.s32 s3, s0  }
.Ltmp5:
0x1cb: {  	_ = 	snop;
	(pc) =	sbr.rel @p0 .LBB2_1-.Ltmp5, $1  }
0x1cc: {  	_ =	sdelay $0x3  }
0x1cd: {  	_ =	sfence.sel $0x180000  }
0x1ce: {  	[bflag:$0x0] =	sbarrier.arrive $0xFFFF  }
0x1cf: {  	_ =	strace $0x90000047  }
0x1d0: {  	s0 =	stileid.u32;
	[bflag:$0x2] =	sbarrier.arrive $0xFFFF  }
0x1d1: {  	p0 =	sne.s32 s0, $0x0;
	s0 =	rddreg [dreg:$0x2]  }
0x1d2: {  	s0 =	sadd.s32 @!p0 $0x100000, s0  }
0x1d3: {  	[sflag:s0] =	ssyncadd.tile.s32 @!p0 $0x1;
	_ =	shalt  }
.Lfunc_end2:
_tile_overlayer_lowered:
.L_overlay_start_2:
0x1d4: {  	(tag) =	ssettag $0x2  }
0x1d5: {  	s0 =	rddreg [dreg:$0x0];
	s2 =	stileid.u32  }
0x1d6: {  	s1 =	rddreg [dreg:$0x1];
	p0 =	sne.s32 s2, $0x0  }
0x1d7: {  	s3 =	rddreg [dreg:$0x2];
	[bflag:$0x3] =	sbarrier.arrive $0xFFFF;
	s2 =	simm.s32 @!p0 $0x1C05  }
0x1d8: {  	[timem:s3], [sflag:s2] =	dma.local @!p0 [hbm:s0], s1  }
0x1d9: {  	s0 =	simm.s32 @!p0 $0x5  }
0x1da: {  	_ =	swait.ge @!p0 [sflag:s0], s1  }
0x1db: {  	s1 =	ssub.s32 @!p0 $0x0, s1;
	[sflag:s0] =	ssyncset.done @!p0 $0x0  }
0x1dc: {  	[sflag:s0] =	ssyncadd.s32 @!p0 s1  }
0x1dd: {  	[bflag:$0x3] =	sbarrier.arrive $0xFFFF  }
0x1de: {  	_ =	shalt  }

</sc_bundles>
